<compile_context>
chip_gen: v7x
topology: tpu7x:2x2x1
jax: 0.10.2.dev20260603
libtpu: 0.0.44.dev20260713+nightly
codegen_flags: <defaults>
</compile_context>

<pallas_src>
import functools

import jax
import jax.numpy as jnp
from jax import lax
from jax.experimental import pallas as pl
from jax.experimental.pallas import tpu as pltpu
from jax.experimental.pallas import tpu_sc as plsc

VOCAB = 100000
D = 768
MAX_POS = 8192
BATCH = 4
SEQ = 4096

L = 16
ND = D // L
NC = 2
NS = 16
NW = NC * NS
TOKENS = BATCH * SEQ
TPW = TOKENS // NW
C = 64
NCHUNK = TPW // C
EPS = 1e-5


def _lane_sum(x):
    vals = [x[i] for i in range(L)]
    while len(vals) > 1:
        vals = [a + b for a, b in zip(vals[0::2], vals[1::2])]
    return vals[0]


def _rsqrt_scalar(v):
    i = lax.bitcast_convert_type(v, jnp.int32)
    i = jnp.int32(0x5F3759DF) - (i >> 1)
    y = lax.bitcast_convert_type(i, jnp.float32)
    for _ in range(4):
        y = y * (1.5 - 0.5 * v * y * y)
    return y


@functools.partial(
    pl.kernel,
    out_type=jax.ShapeDtypeStruct((TOKENS, D), jnp.float32),
    mesh=plsc.VectorSubcoreMesh(core_axis_name="c", subcore_axis_name="s"),
    scratch_types=[
        pltpu.VMEM((C,), jnp.int32),
        pltpu.VMEM((C, D), jnp.float32),
        pltpu.VMEM((C, D), jnp.float32),
        pltpu.VMEM((D,), jnp.float32),
        pltpu.VMEM((D,), jnp.float32),
        pltpu.SemaphoreType.DMA,
    ],
)
def _emb_ln(ids_hbm, wtok_hbm, wpos_hbm, gamma_hbm, beta_hbm, out_hbm,
            idx_c, tok_v, pos_v, gam_v, bet_v, sem):
    wid = lax.axis_index("s") * NC + lax.axis_index("c")
    base = wid * TPW
    pos_base = lax.rem(base, SEQ)

    pltpu.sync_copy(gamma_hbm, gam_v)
    pltpu.sync_copy(beta_hbm, bet_v)

    def chunk_body(ci, carry):
        off = ci * C
        pltpu.sync_copy(ids_hbm.at[pl.ds(base + off, C)], idx_c)
        pltpu.async_copy(wtok_hbm.at[idx_c], tok_v, sem).wait()
        pltpu.sync_copy(wpos_hbm.at[pl.ds(pos_base + off, C)], pos_v)

        def tok_body(t, tc):
            s_acc = jnp.zeros((L,), jnp.float32)
            q_acc = jnp.zeros((L,), jnp.float32)
            for j in range(ND):
                sl = pl.ds(j * L, L)
                x = tok_v[t, sl] + pos_v[t, sl]
                tok_v[t, sl] = x
                s_acc = s_acc + x
                q_acc = q_acc + x * x
            mean_s = _lane_sum(s_acc) * (1.0 / D)
            msq_s = _lane_sum(q_acc) * (1.0 / D)
            var_s = msq_s - mean_s * mean_s
            mean = jnp.full((L,), mean_s, jnp.float32)
            rstd = jnp.full((L,), _rsqrt_scalar(var_s + EPS), jnp.float32)
            for j in range(ND):
                sl = pl.ds(j * L, L)
                x = tok_v[t, sl]
                tok_v[t, sl] = (x - mean) * rstd * gam_v[sl] + bet_v[sl]
            return tc

        lax.fori_loop(0, C, tok_body, 0)
        pltpu.sync_copy(tok_v, out_hbm.at[pl.ds(base + off, C)])
        return carry

    lax.fori_loop(0, NCHUNK, chunk_body, 0)


def kernel(input_ids, W_tok, W_pos, gamma, beta):
    ids = input_ids.astype(jnp.int32).reshape(-1)
    out = _emb_ln(ids, W_tok, W_pos, gamma, beta)
    return out.reshape(input_ids.shape[0], input_ids.shape[1], D)

# --- scband reference (transcript-rebuilt; emitter-appended) ---
"""Pipeline reference for scband-t5-embedding-33225867002320 (READ-ONLY COPY).

The authoritative reference and input builder live on the scoring server;
editing this copy changes nothing except your own understanding.
"""

import jax, jax.numpy as jnp
import numpy as np

VOCAB = 100000
D_MODEL = 768
MAX_POS = 8192
BATCH = 4
SEQ = 4096


def setup_inputs(seed: int = 0) -> dict:
    key = jax.random.key(seed)
    k1, k2, k3 = jax.random.split(key, 3)
    input_ids = jax.random.randint(k1, (BATCH, SEQ), 0, VOCAB, dtype=jnp.int64 if jax.config.jax_enable_x64 else jnp.int32)
    W_tok = jax.random.normal(k2, (VOCAB, D_MODEL), dtype=jnp.float32) * 0.02
    W_pos = jax.random.normal(k3, (MAX_POS, D_MODEL), dtype=jnp.float32) * 0.02
    gamma = jnp.ones((D_MODEL,), dtype=jnp.float32)
    beta = jnp.zeros((D_MODEL,), dtype=jnp.float32)
    return {"input_ids": input_ids, "W_tok": W_tok, "W_pos": W_pos, "gamma": gamma, "beta": beta}


def reference(input_ids, W_tok, W_pos, gamma, beta):
    # token embedding: gather rows of W_tok
    tok_emb = jnp.take(W_tok, input_ids, axis=0)  # [B, S, D]
    # position embedding: gather rows 0..seq_len-1, broadcast over batch
    seq_len = input_ids.shape[1]
    position_ids = jnp.arange(seq_len)
    pos_emb = jnp.take(W_pos, position_ids, axis=0)[None, :, :]  # [1, S, D]
    x = tok_emb + pos_emb
    # LayerNorm over last dim, eps = 1e-5 (torch default)
    mean = jnp.mean(x, axis=-1, keepdims=True)
    var = jnp.var(x, axis=-1, keepdims=True)
    x = (x - mean) / jnp.sqrt(var + 1e-5)
    x = x * gamma + beta
    # dropout is identity in eval mode
    return x

if __name__ == "__main__":
    import jax
    _d = setup_inputs()
    print(jax.jit(kernel)(*tuple(_d.values())))

</pallas_src>

<mosaic_0001>
#map = affine_map<(d0, d1) -> (0)>
#map1 = affine_map<(d0, d1) -> (0, 0)>
module attributes {stable_mosaic.version = 14 : i64} {
  func.func @_emb_ln(%arg0: i32, %arg1: i32, %arg2: memref<16384xi32, #tpu.memory_space<hbm>>, %arg3: memref<100000x768xf32, #tpu.memory_space<hbm>>, %arg4: memref<8192x768xf32, #tpu.memory_space<hbm>>, %arg5: memref<768xf32, #tpu.memory_space<hbm>>, %arg6: memref<768xf32, #tpu.memory_space<hbm>>, %arg7: memref<16384x768xf32, #tpu.memory_space<hbm>>, %arg8: memref<64xi32, #tpu.memory_space<vmem>>, %arg9: memref<64x768xf32, #tpu.memory_space<vmem>>, %arg10: memref<64x768xf32, #tpu.memory_space<vmem>>, %arg11: memref<768xf32, #tpu.memory_space<vmem>>, %arg12: memref<768xf32, #tpu.memory_space<vmem>>, %arg13: memref<!tpu.dma_semaphore, #tpu.memory_space<semaphore_mem>>) attributes {dimension_semantics = [#tpu.dimension_semantics<core_parallel>, #tpu.dimension_semantics<subcore_parallel>], iteration_bounds = array<i64: 2, 16>, scalar_prefetch = 0 : i64, scratch_operands = 6 : i64, tpu.core_type = #tpu.core_type<sc_vector_subcore>, window_params = [{transform_indices = #map}, {transform_indices = #map1}, {transform_indices = #map1}, {transform_indices = #map}, {transform_indices = #map}, {transform_indices = #map1}]} {
    %mul3A = arith.constant 2 : i32
    %mul3A_0 = arith.muli %arg1, %mul3A : i32
    %add3A = arith.addi %mul3A_0, %arg0 : i32
    %mul3A_1 = arith.constant 512 : i32
    %mul3A_2 = arith.muli %add3A, %mul3A_1 : i32
    %rem3A = arith.constant 4096 : i32
    %rem3A_3 = arith.remsi %mul3A_2, %rem3A : i32
    "tpu.region"() ({
      %run_scoped3A = tpu.sem_alloc : memref<!tpu.dma_semaphore, #tpu.memory_space<semaphore_mem>>
      tpu.enqueue_dma source(%arg5 : memref<768xf32, #tpu.memory_space<hbm>>) target(%arg11 : memref<768xf32, #tpu.memory_space<vmem>>) target_semaphore(%run_scoped3A : memref<!tpu.dma_semaphore, #tpu.memory_space<semaphore_mem>>)
      tpu.wait_dma2 semaphore(%run_scoped3A : memref<!tpu.dma_semaphore, #tpu.memory_space<semaphore_mem>>) src(%arg5 : memref<768xf32, #tpu.memory_space<hbm>>) dst(%arg11 : memref<768xf32, #tpu.memory_space<vmem>>)
      tpu.yield
    }) : () -> ()
    "tpu.region"() ({
      %run_scoped3A = tpu.sem_alloc : memref<!tpu.dma_semaphore, #tpu.memory_space<semaphore_mem>>
      tpu.enqueue_dma source(%arg6 : memref<768xf32, #tpu.memory_space<hbm>>) target(%arg12 : memref<768xf32, #tpu.memory_space<vmem>>) target_semaphore(%run_scoped3A : memref<!tpu.dma_semaphore, #tpu.memory_space<semaphore_mem>>)
      tpu.wait_dma2 semaphore(%run_scoped3A : memref<!tpu.dma_semaphore, #tpu.memory_space<semaphore_mem>>) src(%arg6 : memref<768xf32, #tpu.memory_space<hbm>>) dst(%arg12 : memref<768xf32, #tpu.memory_space<vmem>>)
      tpu.yield
    }) : () -> ()
    %scan3A = arith.constant 0 : i32
    %scan3A_4 = arith.constant 0 : i32
    %scan3A_5 = arith.constant 8 : i32
    %scan3A_6 = arith.addi %scan3A_4, %scan3A_5 : i32
    %scan3A_7 = arith.constant 1 : i32
    scf.for %scan3A_9 = %scan3A_4 to %scan3A_6 step %scan3A_7  : i32 {
      %mul3A_10 = arith.constant 64 : i32
      %mul3A_11 = arith.muli %scan3A_9, %mul3A_10 : i32
      %add3A_12 = arith.addi %mul3A_2, %mul3A_11 : i32
      "tpu.region"() ({
        %run_scoped3A = tpu.sem_alloc : memref<!tpu.dma_semaphore, #tpu.memory_space<semaphore_mem>>
        %dma_start3A_25 = tpu.memref_slice %arg2[%add3A_12] : memref<16384xi32, #tpu.memory_space<hbm>> -> memref<64xi32, #tpu.memory_space<hbm>>
        %dma_start3A_26 = tpu.memref_slice %arg2[%add3A_12] : memref<16384xi32, #tpu.memory_space<hbm>> -> memref<64xi32, #tpu.memory_space<hbm>>
        tpu.enqueue_dma source(%dma_start3A_26 : memref<64xi32, #tpu.memory_space<hbm>>) target(%arg8 : memref<64xi32, #tpu.memory_space<vmem>>) target_semaphore(%run_scoped3A : memref<!tpu.dma_semaphore, #tpu.memory_space<semaphore_mem>>)
        %dma_wait3A_27 = tpu.memref_slice %arg2[%add3A_12] : memref<16384xi32, #tpu.memory_space<hbm>> -> memref<64xi32, #tpu.memory_space<hbm>>
        %dma_wait3A_28 = tpu.memref_slice %arg2[%add3A_12] : memref<16384xi32, #tpu.memory_space<hbm>> -> memref<64xi32, #tpu.memory_space<hbm>>
        tpu.wait_dma2 semaphore(%run_scoped3A : memref<!tpu.dma_semaphore, #tpu.memory_space<semaphore_mem>>) src(%dma_wait3A_28 : memref<64xi32, #tpu.memory_space<hbm>>) dst(%arg8 : memref<64xi32, #tpu.memory_space<vmem>>)
        tpu.yield
      }) : () -> ()
      %dma_start3A = arith.constant 0 : i32
      %dma_start3A_13 = arith.constant 0 : i32
      %dma_start3A_14 = tpu.memref_slice %arg3[%dma_start3A, %dma_start3A_13] : memref<100000x768xf32, #tpu.memory_space<hbm>> -> memref<100000x768xf32, #tpu.memory_space<hbm>>
      tpu.enqueue_indirect_dma source(%dma_start3A_14 : memref<100000x768xf32, #tpu.memory_space<hbm>>) target(%arg9 : memref<64x768xf32, #tpu.memory_space<vmem>>) offsets(%arg8 : memref<64xi32, #tpu.memory_space<vmem>>) semaphore(%arg13 : memref<!tpu.dma_semaphore, #tpu.memory_space<semaphore_mem>>)
      %dma_wait3A = arith.constant 0 : i32
      %dma_wait3A_15 = arith.constant 0 : i32
      %dma_wait3A_16 = tpu.memref_slice %arg3[%dma_wait3A, %dma_wait3A_15] : memref<100000x768xf32, #tpu.memory_space<hbm>> -> memref<100000x768xf32, #tpu.memory_space<hbm>>
      tpu.wait_indirect_dma semaphore(%arg13 : memref<!tpu.dma_semaphore, #tpu.memory_space<semaphore_mem>>) src(%dma_wait3A_16 : memref<100000x768xf32, #tpu.memory_space<hbm>>) dst(%arg9 : memref<64x768xf32, #tpu.memory_space<vmem>>)
      %add3A_17 = arith.addi %rem3A_3, %mul3A_11 : i32
      "tpu.region"() ({
        %run_scoped3A = tpu.sem_alloc : memref<!tpu.dma_semaphore, #tpu.memory_space<semaphore_mem>>
        %dma_start3A_25 = arith.constant 0 : i32
        %dma_start3A_26 = tpu.memref_slice %arg4[%add3A_17, %dma_start3A_25] : memref<8192x768xf32, #tpu.memory_space<hbm>> -> memref<64x768xf32, #tpu.memory_space<hbm>>
        %dma_start3A_27 = arith.constant 0 : i32
        %dma_start3A_28 = tpu.memref_slice %arg4[%add3A_17, %dma_start3A_27] : memref<8192x768xf32, #tpu.memory_space<hbm>> -> memref<64x768xf32, #tpu.memory_space<hbm>>
        tpu.enqueue_dma source(%dma_start3A_28 : memref<64x768xf32, #tpu.memory_space<hbm>>) target(%arg10 : memref<64x768xf32, #tpu.memory_space<vmem>>) target_semaphore(%run_scoped3A : memref<!tpu.dma_semaphore, #tpu.memory_space<semaphore_mem>>)
        %dma_wait3A_29 = arith.constant 0 : i32
        %dma_wait3A_30 = tpu.memref_slice %arg4[%add3A_17, %dma_wait3A_29] : memref<8192x768xf32, #tpu.memory_space<hbm>> -> memref<64x768xf32, #tpu.memory_space<hbm>>
        %dma_wait3A_31 = arith.constant 0 : i32
        %dma_wait3A_32 = tpu.memref_slice %arg4[%add3A_17, %dma_wait3A_31] : memref<8192x768xf32, #tpu.memory_space<hbm>> -> memref<64x768xf32, #tpu.memory_space<hbm>>
        tpu.wait_dma2 semaphore(%run_scoped3A : memref<!tpu.dma_semaphore, #tpu.memory_space<semaphore_mem>>) src(%dma_wait3A_32 : memref<64x768xf32, #tpu.memory_space<hbm>>) dst(%arg10 : memref<64x768xf32, #tpu.memory_space<vmem>>)
        tpu.yield
      }) : () -> ()
      %scan3A_18 = arith.constant 0 : i32
      %scan3A_19 = arith.constant 0 : i32
      %scan3A_20 = arith.constant 64 : i32
      %scan3A_21 = arith.addi %scan3A_19, %scan3A_20 : i32
      %scan3A_22 = arith.constant 1 : i32
      scf.for %scan3A_25 = %scan3A_19 to %scan3A_21 step %scan3A_22  : i32 {
        %broadcast_in_dim3A = arith.constant 0.000000e+00 : f32
        %broadcast_in_dim3A_26 = vector.broadcast %broadcast_in_dim3A : f32 to vector<16xf32>
        %broadcast_in_dim3A_27 = arith.constant 0.000000e+00 : f32
        %broadcast_in_dim3A_28 = vector.broadcast %broadcast_in_dim3A_27 : f32 to vector<16xf32>
        %get3A = arith.index_cast %scan3A_25 : i32 to index
        %get3A_29 = arith.constant 0 : index
        %get3A_30 = tpu.vector_load %arg9[%get3A, %get3A_29] {strides = array<i32>} : memref<64x768xf32, #tpu.memory_space<vmem>>, vector<1x16xf32>,
        %get3A_31 = vector.shape_cast %get3A_30 : vector<1x16xf32> to vector<16xf32>
        %get3A_32 = arith.index_cast %scan3A_25 : i32 to index
        %get3A_33 = arith.constant 0 : index
        %get3A_34 = tpu.vector_load %arg10[%get3A_32, %get3A_33] {strides = array<i32>} : memref<64x768xf32, #tpu.memory_space<vmem>>, vector<1x16xf32>,
        %get3A_35 = vector.shape_cast %get3A_34 : vector<1x16xf32> to vector<16xf32>
        %add3A_36 = arith.addf %get3A_31, %get3A_35 : vector<16xf32>
        %swap3A = arith.index_cast %scan3A_25 : i32 to index
        %swap3A_37 = arith.constant 0 : index
        %swap3A_38 = tpu.vector_load %arg9[%swap3A, %swap3A_37] {strides = array<i32>} : memref<64x768xf32, #tpu.memory_space<vmem>>, vector<1x16xf32>,
        %swap3A_39 = vector.shape_cast %swap3A_38 : vector<1x16xf32> to vector<16xf32>
        %swap3A_40 = vector.shape_cast %add3A_36 : vector<16xf32> to vector<1x16xf32>
        tpu.vector_store %arg9[%swap3A, %swap3A_37], %swap3A_40 {strides = array<i32>} : memref<64x768xf32, #tpu.memory_space<vmem>>, vector<1x16xf32>,
        %add3A_41 = arith.addf %broadcast_in_dim3A_26, %add3A_36 : vector<16xf32>
        %mul3A_42 = arith.mulf %add3A_36, %add3A_36 : vector<16xf32>
        %add3A_43 = arith.addf %broadcast_in_dim3A_28, %mul3A_42 : vector<16xf32>
        %get3A_44 = arith.index_cast %scan3A_25 : i32 to index
        %get3A_45 = arith.constant 16 : index
        %get3A_46 = tpu.vector_load %arg9[%get3A_44, %get3A_45] {strides = array<i32>} : memref<64x768xf32, #tpu.memory_space<vmem>>, vector<1x16xf32>,
        %get3A_47 = vector.shape_cast %get3A_46 : vector<1x16xf32> to vector<16xf32>
        %get3A_48 = arith.index_cast %scan3A_25 : i32 to index
        %get3A_49 = arith.constant 16 : index
        %get3A_50 = tpu.vector_load %arg10[%get3A_48, %get3A_49] {strides = array<i32>} : memref<64x768xf32, #tpu.memory_space<vmem>>, vector<1x16xf32>,
        %get3A_51 = vector.shape_cast %get3A_50 : vector<1x16xf32> to vector<16xf32>
        %add3A_52 = arith.addf %get3A_47, %get3A_51 : vector<16xf32>
        %swap3A_53 = arith.index_cast %scan3A_25 : i32 to index
        %swap3A_54 = arith.constant 16 : index
        %swap3A_55 = tpu.vector_load %arg9[%swap3A_53, %swap3A_54] {strides = array<i32>} : memref<64x768xf32, #tpu.memory_space<vmem>>, vector<1x16xf32>,
        %swap3A_56 = vector.shape_cast %swap3A_55 : vector<1x16xf32> to vector<16xf32>
        %swap3A_57 = vector.shape_cast %add3A_52 : vector<16xf32> to vector<1x16xf32>
        tpu.vector_store %arg9[%swap3A_53, %swap3A_54], %swap3A_57 {strides = array<i32>} : memref<64x768xf32, #tpu.memory_space<vmem>>, vector<1x16xf32>,
        %add3A_58 = arith.addf %add3A_41, %add3A_52 : vector<16xf32>
        %mul3A_59 = arith.mulf %add3A_52, %add3A_52 : vector<16xf32>
        %add3A_60 = arith.addf %add3A_43, %mul3A_59 : vector<16xf32>
        %get3A_61 = arith.index_cast %scan3A_25 : i32 to index
        %get3A_62 = arith.constant 32 : index
        %get3A_63 = tpu.vector_load %arg9[%get3A_61, %get3A_62] {strides = array<i32>} : memref<64x768xf32, #tpu.memory_space<vmem>>, vector<1x16xf32>,
        %get3A_64 = vector.shape_cast %get3A_63 : vector<1x16xf32> to vector<16xf32>
        %get3A_65 = arith.index_cast %scan3A_25 : i32 to index
        %get3A_66 = arith.constant 32 : index
        %get3A_67 = tpu.vector_load %arg10[%get3A_65, %get3A_66] {strides = array<i32>} : memref<64x768xf32, #tpu.memory_space<vmem>>, vector<1x16xf32>,
        %get3A_68 = vector.shape_cast %get3A_67 : vector<1x16xf32> to vector<16xf32>
        %add3A_69 = arith.addf %get3A_64, %get3A_68 : vector<16xf32>
        %swap3A_70 = arith.index_cast %scan3A_25 : i32 to index
        %swap3A_71 = arith.constant 32 : index
        %swap3A_72 = tpu.vector_load %arg9[%swap3A_70, %swap3A_71] {strides = array<i32>} : memref<64x768xf32, #tpu.memory_space<vmem>>, vector<1x16xf32>,
        %swap3A_73 = vector.shape_cast %swap3A_72 : vector<1x16xf32> to vector<16xf32>
        %swap3A_74 = vector.shape_cast %add3A_69 : vector<16xf32> to vector<1x16xf32>
        tpu.vector_store %arg9[%swap3A_70, %swap3A_71], %swap3A_74 {strides = array<i32>} : memref<64x768xf32, #tpu.memory_space<vmem>>, vector<1x16xf32>,
        %add3A_75 = arith.addf %add3A_58, %add3A_69 : vector<16xf32>
        %mul3A_76 = arith.mulf %add3A_69, %add3A_69 : vector<16xf32>
        %add3A_77 = arith.addf %add3A_60, %mul3A_76 : vector<16xf32>
        %get3A_78 = arith.index_cast %scan3A_25 : i32 to index
        %get3A_79 = arith.constant 48 : index
        %get3A_80 = tpu.vector_load %arg9[%get3A_78, %get3A_79] {strides = array<i32>} : memref<64x768xf32, #tpu.memory_space<vmem>>, vector<1x16xf32>,
        %get3A_81 = vector.shape_cast %get3A_80 : vector<1x16xf32> to vector<16xf32>
        %get3A_82 = arith.index_cast %scan3A_25 : i32 to index
        %get3A_83 = arith.constant 48 : index
        %get3A_84 = tpu.vector_load %arg10[%get3A_82, %get3A_83] {strides = array<i32>} : memref<64x768xf32, #tpu.memory_space<vmem>>, vector<1x16xf32>,
        %get3A_85 = vector.shape_cast %get3A_84 : vector<1x16xf32> to vector<16xf32>
        %add3A_86 = arith.addf %get3A_81, %get3A_85 : vector<16xf32>
        %swap3A_87 = arith.index_cast %scan3A_25 : i32 to index
        %swap3A_88 = arith.constant 48 : index
        %swap3A_89 = tpu.vector_load %arg9[%swap3A_87, %swap3A_88] {strides = array<i32>} : memref<64x768xf32, #tpu.memory_space<vmem>>, vector<1x16xf32>,
        %swap3A_90 = vector.shape_cast %swap3A_89 : vector<1x16xf32> to vector<16xf32>
        %swap3A_91 = vector.shape_cast %add3A_86 : vector<16xf32> to vector<1x16xf32>
        tpu.vector_store %arg9[%swap3A_87, %swap3A_88], %swap3A_91 {strides = array<i32>} : memref<64x768xf32, #tpu.memory_space<vmem>>, vector<1x16xf32>,
        %add3A_92 = arith.addf %add3A_75, %add3A_86 : vector<16xf32>
        %mul3A_93 = arith.mulf %add3A_86, %add3A_86 : vector<16xf32>
        %add3A_94 = arith.addf %add3A_77, %mul3A_93 : vector<16xf32>
        %get3A_95 = arith.index_cast %scan3A_25 : i32 to index
        %get3A_96 = arith.constant 64 : index
        %get3A_97 = tpu.vector_load %arg9[%get3A_95, %get3A_96] {strides = array<i32>} : memref<64x768xf32, #tpu.memory_space<vmem>>, vector<1x16xf32>,
        %get3A_98 = vector.shape_cast %get3A_97 : vector<1x16xf32> to vector<16xf32>
        %get3A_99 = arith.index_cast %scan3A_25 : i32 to index
        %get3A_100 = arith.constant 64 : index
        %get3A_101 = tpu.vector_load %arg10[%get3A_99, %get3A_100] {strides = array<i32>} : memref<64x768xf32, #tpu.memory_space<vmem>>, vector<1x16xf32>,
        %get3A_102 = vector.shape_cast %get3A_101 : vector<1x16xf32> to vector<16xf32>
        %add3A_103 = arith.addf %get3A_98, %get3A_102 : vector<16xf32>
        %swap3A_104 = arith.index_cast %scan3A_25 : i32 to index
        %swap3A_105 = arith.constant 64 : index
        %swap3A_106 = tpu.vector_load %arg9[%swap3A_104, %swap3A_105] {strides = array<i32>} : memref<64x768xf32, #tpu.memory_space<vmem>>, vector<1x16xf32>,
        %swap3A_107 = vector.shape_cast %swap3A_106 : vector<1x16xf32> to vector<16xf32>
        %swap3A_108 = vector.shape_cast %add3A_103 : vector<16xf32> to vector<1x16xf32>
        tpu.vector_store %arg9[%swap3A_104, %swap3A_105], %swap3A_108 {strides = array<i32>} : memref<64x768xf32, #tpu.memory_space<vmem>>, vector<1x16xf32>,
        %add3A_109 = arith.addf %add3A_92, %add3A_103 : vector<16xf32>
        %mul3A_110 = arith.mulf %add3A_103, %add3A_103 : vector<16xf32>
        %add3A_111 = arith.addf %add3A_94, %mul3A_110 : vector<16xf32>
        %get3A_112 = arith.index_cast %scan3A_25 : i32 to index
        %get3A_113 = arith.constant 80 : index
        %get3A_114 = tpu.vector_load %arg9[%get3A_112, %get3A_113] {strides = array<i32>} : memref<64x768xf32, #tpu.memory_space<vmem>>, vector<1x16xf32>,
        %get3A_115 = vector.shape_cast %get3A_114 : vector<1x16xf32> to vector<16xf32>
        %get3A_116 = arith.index_cast %scan3A_25 : i32 to index
        %get3A_117 = arith.constant 80 : index
        %get3A_118 = tpu.vector_load %arg10[%get3A_116, %get3A_117] {strides = array<i32>} : memref<64x768xf32, #tpu.memory_space<vmem>>, vector<1x16xf32>,
        %get3A_119 = vector.shape_cast %get3A_118 : vector<1x16xf32> to vector<16xf32>
        %add3A_120 = arith.addf %get3A_115, %get3A_119 : vector<16xf32>
        %swap3A_121 = arith.index_cast %scan3A_25 : i32 to index
        %swap3A_122 = arith.constant 80 : index
        %swap3A_123 = tpu.vector_load %arg9[%swap3A_121, %swap3A_122] {strides = array<i32>} : memref<64x768xf32, #tpu.memory_space<vmem>>, vector<1x16xf32>,
        %swap3A_124 = vector.shape_cast %swap3A_123 : vector<1x16xf32> to vector<16xf32>
        %swap3A_125 = vector.shape_cast %add3A_120 : vector<16xf32> to vector<1x16xf32>
        tpu.vector_store %arg9[%swap3A_121, %swap3A_122], %swap3A_125 {strides = array<i32>} : memref<64x768xf32, #tpu.memory_space<vmem>>, vector<1x16xf32>,
        %add3A_126 = arith.addf %add3A_109, %add3A_120 : vector<16xf32>
        %mul3A_127 = arith.mulf %add3A_120, %add3A_120 : vector<16xf32>
        %add3A_128 = arith.addf %add3A_111, %mul3A_127 : vector<16xf32>
        %get3A_129 = arith.index_cast %scan3A_25 : i32 to index
        %get3A_130 = arith.constant 96 : index
        %get3A_131 = tpu.vector_load %arg9[%get3A_129, %get3A_130] {strides = array<i32>} : memref<64x768xf32, #tpu.memory_space<vmem>>, vector<1x16xf32>,
        %get3A_132 = vector.shape_cast %get3A_131 : vector<1x16xf32> to vector<16xf32>
        %get3A_133 = arith.index_cast %scan3A_25 : i32 to index
        %get3A_134 = arith.constant 96 : index
        %get3A_135 = tpu.vector_load %arg10[%get3A_133, %get3A_134] {strides = array<i32>} : memref<64x768xf32, #tpu.memory_space<vmem>>, vector<1x16xf32>,
        %get3A_136 = vector.shape_cast %get3A_135 : vector<1x16xf32> to vector<16xf32>
        %add3A_137 = arith.addf %get3A_132, %get3A_136 : vector<16xf32>
        %swap3A_138 = arith.index_cast %scan3A_25 : i32 to index
        %swap3A_139 = arith.constant 96 : index
        %swap3A_140 = tpu.vector_load %arg9[%swap3A_138, %swap3A_139] {strides = array<i32>} : memref<64x768xf32, #tpu.memory_space<vmem>>, vector<1x16xf32>,
        %swap3A_141 = vector.shape_cast %swap3A_140 : vector<1x16xf32> to vector<16xf32>
        %swap3A_142 = vector.shape_cast %add3A_137 : vector<16xf32> to vector<1x16xf32>
        tpu.vector_store %arg9[%swap3A_138, %swap3A_139], %swap3A_142 {strides = array<i32>} : memref<64x768xf32, #tpu.memory_space<vmem>>, vector<1x16xf32>,
        %add3A_143 = arith.addf %add3A_126, %add3A_137 : vector<16xf32>
        %mul3A_144 = arith.mulf %add3A_137, %add3A_137 : vector<16xf32>
        %add3A_145 = arith.addf %add3A_128, %mul3A_144 : vector<16xf32>
        %get3A_146 = arith.index_cast %scan3A_25 : i32 to index
        %get3A_147 = arith.constant 112 : index
        %get3A_148 = tpu.vector_load %arg9[%get3A_146, %get3A_147] {strides = array<i32>} : memref<64x768xf32, #tpu.memory_space<vmem>>, vector<1x16xf32>,
        %get3A_149 = vector.shape_cast %get3A_148 : vector<1x16xf32> to vector<16xf32>
        %get3A_150 = arith.index_cast %scan3A_25 : i32 to index
        %get3A_151 = arith.constant 112 : index
        %get3A_152 = tpu.vector_load %arg10[%get3A_150, %get3A_151] {strides = array<i32>} : memref<64x768xf32, #tpu.memory_space<vmem>>, vector<1x16xf32>,
        %get3A_153 = vector.shape_cast %get3A_152 : vector<1x16xf32> to vector<16xf32>
        %add3A_154 = arith.addf %get3A_149, %get3A_153 : vector<16xf32>
        %swap3A_155 = arith.index_cast %scan3A_25 : i32 to index
        %swap3A_156 = arith.constant 112 : index
        %swap3A_157 = tpu.vector_load %arg9[%swap3A_155, %swap3A_156] {strides = array<i32>} : memref<64x768xf32, #tpu.memory_space<vmem>>, vector<1x16xf32>,
        %swap3A_158 = vector.shape_cast %swap3A_157 : vector<1x16xf32> to vector<16xf32>
        %swap3A_159 = vector.shape_cast %add3A_154 : vector<16xf32> to vector<1x16xf32>
        tpu.vector_store %arg9[%swap3A_155, %swap3A_156], %swap3A_159 {strides = array<i32>} : memref<64x768xf32, #tpu.memory_space<vmem>>, vector<1x16xf32>,
        %add3A_160 = arith.addf %add3A_143, %add3A_154 : vector<16xf32>
        %mul3A_161 = arith.mulf %add3A_154, %add3A_154 : vector<16xf32>
        %add3A_162 = arith.addf %add3A_145, %mul3A_161 : vector<16xf32>
        %get3A_163 = arith.index_cast %scan3A_25 : i32 to index
        %get3A_164 = arith.constant 128 : index
        %get3A_165 = tpu.vector_load %arg9[%get3A_163, %get3A_164] {strides = array<i32>} : memref<64x768xf32, #tpu.memory_space<vmem>>, vector<1x16xf32>,
        %get3A_166 = vector.shape_cast %get3A_165 : vector<1x16xf32> to vector<16xf32>
        %get3A_167 = arith.index_cast %scan3A_25 : i32 to index
        %get3A_168 = arith.constant 128 : index
        %get3A_169 = tpu.vector_load %arg10[%get3A_167, %get3A_168] {strides = array<i32>} : memref<64x768xf32, #tpu.memory_space<vmem>>, vector<1x16xf32>,
        %get3A_170 = vector.shape_cast %get3A_169 : vector<1x16xf32> to vector<16xf32>
        %add3A_171 = arith.addf %get3A_166, %get3A_170 : vector<16xf32>
        %swap3A_172 = arith.index_cast %scan3A_25 : i32 to index
        %swap3A_173 = arith.constant 128 : index
        %swap3A_174 = tpu.vector_load %arg9[%swap3A_172, %swap3A_173] {strides = array<i32>} : memref<64x768xf32, #tpu.memory_space<vmem>>, vector<1x16xf32>,
        %swap3A_175 = vector.shape_cast %swap3A_174 : vector<1x16xf32> to vector<16xf32>
        %swap3A_176 = vector.shape_cast %add3A_171 : vector<16xf32> to vector<1x16xf32>
        tpu.vector_store %arg9[%swap3A_172, %swap3A_173], %swap3A_176 {strides = array<i32>} : memref<64x768xf32, #tpu.memory_space<vmem>>, vector<1x16xf32>,
        %add3A_177 = arith.addf %add3A_160, %add3A_171 : vector<16xf32>
        %mul3A_178 = arith.mulf %add3A_171, %add3A_171 : vector<16xf32>
        %add3A_179 = arith.addf %add3A_162, %mul3A_178 : vector<16xf32>
        %get3A_180 = arith.index_cast %scan3A_25 : i32 to index
        %get3A_181 = arith.constant 144 : index
        %get3A_182 = tpu.vector_load %arg9[%get3A_180, %get3A_181] {strides = array<i32>} : memref<64x768xf32, #tpu.memory_space<vmem>>, vector<1x16xf32>,
        %get3A_183 = vector.shape_cast %get3A_182 : vector<1x16xf32> to vector<16xf32>
        %get3A_184 = arith.index_cast %scan3A_25 : i32 to index
        %get3A_185 = arith.constant 144 : index
        %get3A_186 = tpu.vector_load %arg10[%get3A_184, %get3A_185] {strides = array<i32>} : memref<64x768xf32, #tpu.memory_space<vmem>>, vector<1x16xf32>,
        %get3A_187 = vector.shape_cast %get3A_186 : vector<1x16xf32> to vector<16xf32>
        %add3A_188 = arith.addf %get3A_183, %get3A_187 : vector<16xf32>
        %swap3A_189 = arith.index_cast %scan3A_25 : i32 to index
        %swap3A_190 = arith.constant 144 : index
        %swap3A_191 = tpu.vector_load %arg9[%swap3A_189, %swap3A_190] {strides = array<i32>} : memref<64x768xf32, #tpu.memory_space<vmem>>, vector<1x16xf32>,
        %swap3A_192 = vector.shape_cast %swap3A_191 : vector<1x16xf32> to vector<16xf32>
        %swap3A_193 = vector.shape_cast %add3A_188 : vector<16xf32> to vector<1x16xf32>
        tpu.vector_store %arg9[%swap3A_189, %swap3A_190], %swap3A_193 {strides = array<i32>} : memref<64x768xf32, #tpu.memory_space<vmem>>, vector<1x16xf32>,
        %add3A_194 = arith.addf %add3A_177, %add3A_188 : vector<16xf32>
        %mul3A_195 = arith.mulf %add3A_188, %add3A_188 : vector<16xf32>
        %add3A_196 = arith.addf %add3A_179, %mul3A_195 : vector<16xf32>
        %get3A_197 = arith.index_cast %scan3A_25 : i32 to index
        %get3A_198 = arith.constant 160 : index
        %get3A_199 = tpu.vector_load %arg9[%get3A_197, %get3A_198] {strides = array<i32>} : memref<64x768xf32, #tpu.memory_space<vmem>>, vector<1x16xf32>,
        %get3A_200 = vector.shape_cast %get3A_199 : vector<1x16xf32> to vector<16xf32>
        %get3A_201 = arith.index_cast %scan3A_25 : i32 to index
        %get3A_202 = arith.constant 160 : index
        %get3A_203 = tpu.vector_load %arg10[%get3A_201, %get3A_202] {strides = array<i32>} : memref<64x768xf32, #tpu.memory_space<vmem>>, vector<1x16xf32>,
        %get3A_204 = vector.shape_cast %get3A_203 : vector<1x16xf32> to vector<16xf32>
        %add3A_205 = arith.addf %get3A_200, %get3A_204 : vector<16xf32>
        %swap3A_206 = arith.index_cast %scan3A_25 : i32 to index
        %swap3A_207 = arith.constant 160 : index
        %swap3A_208 = tpu.vector_load %arg9[%swap3A_206, %swap3A_207] {strides = array<i32>} : memref<64x768xf32, #tpu.memory_space<vmem>>, vector<1x16xf32>,
        %swap3A_209 = vector.shape_cast %swap3A_208 : vector<1x16xf32> to vector<16xf32>
        %swap3A_210 = vector.shape_cast %add3A_205 : vector<16xf32> to vector<1x16xf32>
        tpu.vector_store %arg9[%swap3A_206, %swap3A_207], %swap3A_210 {strides = array<i32>} : memref<64x768xf32, #tpu.memory_space<vmem>>, vector<1x16xf32>,
        %add3A_211 = arith.addf %add3A_194, %add3A_205 : vector<16xf32>
        %mul3A_212 = arith.mulf %add3A_205, %add3A_205 : vector<16xf32>
        %add3A_213 = arith.addf %add3A_196, %mul3A_212 : vector<16xf32>
        %get3A_214 = arith.index_cast %scan3A_25 : i32 to index
        %get3A_215 = arith.constant 176 : index
        %get3A_216 = tpu.vector_load %arg9[%get3A_214, %get3A_215] {strides = array<i32>} : memref<64x768xf32, #tpu.memory_space<vmem>>, vector<1x16xf32>,
        %get3A_217 = vector.shape_cast %get3A_216 : vector<1x16xf32> to vector<16xf32>
        %get3A_218 = arith.index_cast %scan3A_25 : i32 to index
        %get3A_219 = arith.constant 176 : index
        %get3A_220 = tpu.vector_load %arg10[%get3A_218, %get3A_219] {strides = array<i32>} : memref<64x768xf32, #tpu.memory_space<vmem>>, vector<1x16xf32>,
        %get3A_221 = vector.shape_cast %get3A_220 : vector<1x16xf32> to vector<16xf32>
        %add3A_222 = arith.addf %get3A_217, %get3A_221 : vector<16xf32>
        %swap3A_223 = arith.index_cast %scan3A_25 : i32 to index
        %swap3A_224 = arith.constant 176 : index
        %swap3A_225 = tpu.vector_load %arg9[%swap3A_223, %swap3A_224] {strides = array<i32>} : memref<64x768xf32, #tpu.memory_space<vmem>>, vector<1x16xf32>,
        %swap3A_226 = vector.shape_cast %swap3A_225 : vector<1x16xf32> to vector<16xf32>
        %swap3A_227 = vector.shape_cast %add3A_222 : vector<16xf32> to vector<1x16xf32>
        tpu.vector_store %arg9[%swap3A_223, %swap3A_224], %swap3A_227 {strides = array<i32>} : memref<64x768xf32, #tpu.memory_space<vmem>>, vector<1x16xf32>,
        %add3A_228 = arith.addf %add3A_211, %add3A_222 : vector<16xf32>
        %mul3A_229 = arith.mulf %add3A_222, %add3A_222 : vector<16xf32>
        %add3A_230 = arith.addf %add3A_213, %mul3A_229 : vector<16xf32>
        %get3A_231 = arith.index_cast %scan3A_25 : i32 to index
        %get3A_232 = arith.constant 192 : index
        %get3A_233 = tpu.vector_load %arg9[%get3A_231, %get3A_232] {strides = array<i32>} : memref<64x768xf32, #tpu.memory_space<vmem>>, vector<1x16xf32>,
        %get3A_234 = vector.shape_cast %get3A_233 : vector<1x16xf32> to vector<16xf32>
        %get3A_235 = arith.index_cast %scan3A_25 : i32 to index
        %get3A_236 = arith.constant 192 : index
        %get3A_237 = tpu.vector_load %arg10[%get3A_235, %get3A_236] {strides = array<i32>} : memref<64x768xf32, #tpu.memory_space<vmem>>, vector<1x16xf32>,
        %get3A_238 = vector.shape_cast %get3A_237 : vector<1x16xf32> to vector<16xf32>
        %add3A_239 = arith.addf %get3A_234, %get3A_238 : vector<16xf32>
        %swap3A_240 = arith.index_cast %scan3A_25 : i32 to index
        %swap3A_241 = arith.constant 192 : index
        %swap3A_242 = tpu.vector_load %arg9[%swap3A_240, %swap3A_241] {strides = array<i32>} : memref<64x768xf32, #tpu.memory_space<vmem>>, vector<1x16xf32>,
        %swap3A_243 = vector.shape_cast %swap3A_242 : vector<1x16xf32> to vector<16xf32>
        %swap3A_244 = vector.shape_cast %add3A_239 : vector<16xf32> to vector<1x16xf32>
        tpu.vector_store %arg9[%swap3A_240, %swap3A_241], %swap3A_244 {strides = array<i32>} : memref<64x768xf32, #tpu.memory_space<vmem>>, vector<1x16xf32>,
        %add3A_245 = arith.addf %add3A_228, %add3A_239 : vector<16xf32>
        %mul3A_246 = arith.mulf %add3A_239, %add3A_239 : vector<16xf32>
        %add3A_247 = arith.addf %add3A_230, %mul3A_246 : vector<16xf32>
        %get3A_248 = arith.index_cast %scan3A_25 : i32 to index
        %get3A_249 = arith.constant 208 : index
        %get3A_250 = tpu.vector_load %arg9[%get3A_248, %get3A_249] {strides = array<i32>} : memref<64x768xf32, #tpu.memory_space<vmem>>, vector<1x16xf32>,
        %get3A_251 = vector.shape_cast %get3A_250 : vector<1x16xf32> to vector<16xf32>
        %get3A_252 = arith.index_cast %scan3A_25 : i32 to index
        %get3A_253 = arith.constant 208 : index
        %get3A_254 = tpu.vector_load %arg10[%get3A_252, %get3A_253] {strides = array<i32>} : memref<64x768xf32, #tpu.memory_space<vmem>>, vector<1x16xf32>,
        %get3A_255 = vector.shape_cast %get3A_254 : vector<1x16xf32> to vector<16xf32>
        %add3A_256 = arith.addf %get3A_251, %get3A_255 : vector<16xf32>
        %swap3A_257 = arith.index_cast %scan3A_25 : i32 to index
        %swap3A_258 = arith.constant 208 : index
        %swap3A_259 = tpu.vector_load %arg9[%swap3A_257, %swap3A_258] {strides = array<i32>} : memref<64x768xf32, #tpu.memory_space<vmem>>, vector<1x16xf32>,
        %swap3A_260 = vector.shape_cast %swap3A_259 : vector<1x16xf32> to vector<16xf32>
        %swap3A_261 = vector.shape_cast %add3A_256 : vector<16xf32> to vector<1x16xf32>
        tpu.vector_store %arg9[%swap3A_257, %swap3A_258], %swap3A_261 {strides = array<i32>} : memref<64x768xf32, #tpu.memory_space<vmem>>, vector<1x16xf32>,
        %add3A_262 = arith.addf %add3A_245, %add3A_256 : vector<16xf32>
        %mul3A_263 = arith.mulf %add3A_256, %add3A_256 : vector<16xf32>
        %add3A_264 = arith.addf %add3A_247, %mul3A_263 : vector<16xf32>
        %get3A_265 = arith.index_cast %scan3A_25 : i32 to index
        %get3A_266 = arith.constant 224 : index
        %get3A_267 = tpu.vector_load %arg9[%get3A_265, %get3A_266] {strides = array<i32>} : memref<64x768xf32, #tpu.memory_space<vmem>>, vector<1x16xf32>,
        %get3A_268 = vector.shape_cast %get3A_267 : vector<1x16xf32> to vector<16xf32>
        %get3A_269 = arith.index_cast %scan3A_25 : i32 to index
        %get3A_270 = arith.constant 224 : index
        %get3A_271 = tpu.vector_load %arg10[%get3A_269, %get3A_270] {strides = array<i32>} : memref<64x768xf32, #tpu.memory_space<vmem>>, vector<1x16xf32>,
        %get3A_272 = vector.shape_cast %get3A_271 : vector<1x16xf32> to vector<16xf32>
        %add3A_273 = arith.addf %get3A_268, %get3A_272 : vector<16xf32>
        %swap3A_274 = arith.index_cast %scan3A_25 : i32 to index
        %swap3A_275 = arith.constant 224 : index
        %swap3A_276 = tpu.vector_load %arg9[%swap3A_274, %swap3A_275] {strides = array<i32>} : memref<64x768xf32, #tpu.memory_space<vmem>>, vector<1x16xf32>,
        %swap3A_277 = vector.shape_cast %swap3A_276 : vector<1x16xf32> to vector<16xf32>
        %swap3A_278 = vector.shape_cast %add3A_273 : vector<16xf32> to vector<1x16xf32>
        tpu.vector_store %arg9[%swap3A_274, %swap3A_275], %swap3A_278 {strides = array<i32>} : memref<64x768xf32, #tpu.memory_space<vmem>>, vector<1x16xf32>,
        %add3A_279 = arith.addf %add3A_262, %add3A_273 : vector<16xf32>
        %mul3A_280 = arith.mulf %add3A_273, %add3A_273 : vector<16xf32>
        %add3A_281 = arith.addf %add3A_264, %mul3A_280 : vector<16xf32>
        %get3A_282 = arith.index_cast %scan3A_25 : i32 to index
        %get3A_283 = arith.constant 240 : index
        %get3A_284 = tpu.vector_load %arg9[%get3A_282, %get3A_283] {strides = array<i32>} : memref<64x768xf32, #tpu.memory_space<vmem>>, vector<1x16xf32>,
        %get3A_285 = vector.shape_cast %get3A_284 : vector<1x16xf32> to vector<16xf32>
        %get3A_286 = arith.index_cast %scan3A_25 : i32 to index
        %get3A_287 = arith.constant 240 : index
        %get3A_288 = tpu.vector_load %arg10[%get3A_286, %get3A_287] {strides = array<i32>} : memref<64x768xf32, #tpu.memory_space<vmem>>, vector<1x16xf32>,
        %get3A_289 = vector.shape_cast %get3A_288 : vector<1x16xf32> to vector<16xf32>
        %add3A_290 = arith.addf %get3A_285, %get3A_289 : vector<16xf32>
        %swap3A_291 = arith.index_cast %scan3A_25 : i32 to index
        %swap3A_292 = arith.constant 240 : index
        %swap3A_293 = tpu.vector_load %arg9[%swap3A_291, %swap3A_292] {strides = array<i32>} : memref<64x768xf32, #tpu.memory_space<vmem>>, vector<1x16xf32>,
        %swap3A_294 = vector.shape_cast %swap3A_293 : vector<1x16xf32> to vector<16xf32>
        %swap3A_295 = vector.shape_cast %add3A_290 : vector<16xf32> to vector<1x16xf32>
        tpu.vector_store %arg9[%swap3A_291, %swap3A_292], %swap3A_295 {strides = array<i32>} : memref<64x768xf32, #tpu.memory_space<vmem>>, vector<1x16xf32>,
        %add3A_296 = arith.addf %add3A_279, %add3A_290 : vector<16xf32>
        %mul3A_297 = arith.mulf %add3A_290, %add3A_290 : vector<16xf32>
        %add3A_298 = arith.addf %add3A_281, %mul3A_297 : vector<16xf32>
        %get3A_299 = arith.index_cast %scan3A_25 : i32 to index
        %get3A_300 = arith.constant 256 : index
        %get3A_301 = tpu.vector_load %arg9[%get3A_299, %get3A_300] {strides = array<i32>} : memref<64x768xf32, #tpu.memory_space<vmem>>, vector<1x16xf32>,
        %get3A_302 = vector.shape_cast %get3A_301 : vector<1x16xf32> to vector<16xf32>
        %get3A_303 = arith.index_cast %scan3A_25 : i32 to index
        %get3A_304 = arith.constant 256 : index
        %get3A_305 = tpu.vector_load %arg10[%get3A_303, %get3A_304] {strides = array<i32>} : memref<64x768xf32, #tpu.memory_space<vmem>>, vector<1x16xf32>,
        %get3A_306 = vector.shape_cast %get3A_305 : vector<1x16xf32> to vector<16xf32>
        %add3A_307 = arith.addf %get3A_302, %get3A_306 : vector<16xf32>
        %swap3A_308 = arith.index_cast %scan3A_25 : i32 to index
        %swap3A_309 = arith.constant 256 : index
        %swap3A_310 = tpu.vector_load %arg9[%swap3A_308, %swap3A_309] {strides = array<i32>} : memref<64x768xf32, #tpu.memory_space<vmem>>, vector<1x16xf32>,
        %swap3A_311 = vector.shape_cast %swap3A_310 : vector<1x16xf32> to vector<16xf32>
        %swap3A_312 = vector.shape_cast %add3A_307 : vector<16xf32> to vector<1x16xf32>
        tpu.vector_store %arg9[%swap3A_308, %swap3A_309], %swap3A_312 {strides = array<i32>} : memref<64x768xf32, #tpu.memory_space<vmem>>, vector<1x16xf32>,
        %add3A_313 = arith.addf %add3A_296, %add3A_307 : vector<16xf32>
        %mul3A_314 = arith.mulf %add3A_307, %add3A_307 : vector<16xf32>
        %add3A_315 = arith.addf %add3A_298, %mul3A_314 : vector<16xf32>
        %get3A_316 = arith.index_cast %scan3A_25 : i32 to index
        %get3A_317 = arith.constant 272 : index
        %get3A_318 = tpu.vector_load %arg9[%get3A_316, %get3A_317] {strides = array<i32>} : memref<64x768xf32, #tpu.memory_space<vmem>>, vector<1x16xf32>,
        %get3A_319 = vector.shape_cast %get3A_318 : vector<1x16xf32> to vector<16xf32>
        %get3A_320 = arith.index_cast %scan3A_25 : i32 to index
        %get3A_321 = arith.constant 272 : index
        %get3A_322 = tpu.vector_load %arg10[%get3A_320, %get3A_321] {strides = array<i32>} : memref<64x768xf32, #tpu.memory_space<vmem>>, vector<1x16xf32>,
        %get3A_323 = vector.shape_cast %get3A_322 : vector<1x16xf32> to vector<16xf32>
        %add3A_324 = arith.addf %get3A_319, %get3A_323 : vector<16xf32>
        %swap3A_325 = arith.index_cast %scan3A_25 : i32 to index
        %swap3A_326 = arith.constant 272 : index
        %swap3A_327 = tpu.vector_load %arg9[%swap3A_325, %swap3A_326] {strides = array<i32>} : memref<64x768xf32, #tpu.memory_space<vmem>>, vector<1x16xf32>,
        %swap3A_328 = vector.shape_cast %swap3A_327 : vector<1x16xf32> to vector<16xf32>
        %swap3A_329 = vector.shape_cast %add3A_324 : vector<16xf32> to vector<1x16xf32>
        tpu.vector_store %arg9[%swap3A_325, %swap3A_326], %swap3A_329 {strides = array<i32>} : memref<64x768xf32, #tpu.memory_space<vmem>>, vector<1x16xf32>,
        %add3A_330 = arith.addf %add3A_313, %add3A_324 : vector<16xf32>
        %mul3A_331 = arith.mulf %add3A_324, %add3A_324 : vector<16xf32>
        %add3A_332 = arith.addf %add3A_315, %mul3A_331 : vector<16xf32>
        %get3A_333 = arith.index_cast %scan3A_25 : i32 to index
        %get3A_334 = arith.constant 288 : index
        %get3A_335 = tpu.vector_load %arg9[%get3A_333, %get3A_334] {strides = array<i32>} : memref<64x768xf32, #tpu.memory_space<vmem>>, vector<1x16xf32>,
        %get3A_336 = vector.shape_cast %get3A_335 : vector<1x16xf32> to vector<16xf32>
        %get3A_337 = arith.index_cast %scan3A_25 : i32 to index
        %get3A_338 = arith.constant 288 : index
        %get3A_339 = tpu.vector_load %arg10[%get3A_337, %get3A_338] {strides = array<i32>} : memref<64x768xf32, #tpu.memory_space<vmem>>, vector<1x16xf32>,
        %get3A_340 = vector.shape_cast %get3A_339 : vector<1x16xf32> to vector<16xf32>
        %add3A_341 = arith.addf %get3A_336, %get3A_340 : vector<16xf32>
        %swap3A_342 = arith.index_cast %scan3A_25 : i32 to index
        %swap3A_343 = arith.constant 288 : index
        %swap3A_344 = tpu.vector_load %arg9[%swap3A_342, %swap3A_343] {strides = array<i32>} : memref<64x768xf32, #tpu.memory_space<vmem>>, vector<1x16xf32>,
        %swap3A_345 = vector.shape_cast %swap3A_344 : vector<1x16xf32> to vector<16xf32>
        %swap3A_346 = vector.shape_cast %add3A_341 : vector<16xf32> to vector<1x16xf32>
        tpu.vector_store %arg9[%swap3A_342, %swap3A_343], %swap3A_346 {strides = array<i32>} : memref<64x768xf32, #tpu.memory_space<vmem>>, vector<1x16xf32>,
        %add3A_347 = arith.addf %add3A_330, %add3A_341 : vector<16xf32>
        %mul3A_348 = arith.mulf %add3A_341, %add3A_341 : vector<16xf32>
        %add3A_349 = arith.addf %add3A_332, %mul3A_348 : vector<16xf32>
        %get3A_350 = arith.index_cast %scan3A_25 : i32 to index
        %get3A_351 = arith.constant 304 : index
        %get3A_352 = tpu.vector_load %arg9[%get3A_350, %get3A_351] {strides = array<i32>} : memref<64x768xf32, #tpu.memory_space<vmem>>, vector<1x16xf32>,
        %get3A_353 = vector.shape_cast %get3A_352 : vector<1x16xf32> to vector<16xf32>
        %get3A_354 = arith.index_cast %scan3A_25 : i32 to index
        %get3A_355 = arith.constant 304 : index
        %get3A_356 = tpu.vector_load %arg10[%get3A_354, %get3A_355] {strides = array<i32>} : memref<64x768xf32, #tpu.memory_space<vmem>>, vector<1x16xf32>,
        %get3A_357 = vector.shape_cast %get3A_356 : vector<1x16xf32> to vector<16xf32>
        %add3A_358 = arith.addf %get3A_353, %get3A_357 : vector<16xf32>
        %swap3A_359 = arith.index_cast %scan3A_25 : i32 to index
        %swap3A_360 = arith.constant 304 : index
        %swap3A_361 = tpu.vector_load %arg9[%swap3A_359, %swap3A_360] {strides = array<i32>} : memref<64x768xf32, #tpu.memory_space<vmem>>, vector<1x16xf32>,
        %swap3A_362 = vector.shape_cast %swap3A_361 : vector<1x16xf32> to vector<16xf32>
        %swap3A_363 = vector.shape_cast %add3A_358 : vector<16xf32> to vector<1x16xf32>
        tpu.vector_store %arg9[%swap3A_359, %swap3A_360], %swap3A_363 {strides = array<i32>} : memref<64x768xf32, #tpu.memory_space<vmem>>, vector<1x16xf32>,
        %add3A_364 = arith.addf %add3A_347, %add3A_358 : vector<16xf32>
        %mul3A_365 = arith.mulf %add3A_358, %add3A_358 : vector<16xf32>
        %add3A_366 = arith.addf %add3A_349, %mul3A_365 : vector<16xf32>
        %get3A_367 = arith.index_cast %scan3A_25 : i32 to index
        %get3A_368 = arith.constant 320 : index
        %get3A_369 = tpu.vector_load %arg9[%get3A_367, %get3A_368] {strides = array<i32>} : memref<64x768xf32, #tpu.memory_space<vmem>>, vector<1x16xf32>,
        %get3A_370 = vector.shape_cast %get3A_369 : vector<1x16xf32> to vector<16xf32>
        %get3A_371 = arith.index_cast %scan3A_25 : i32 to index
        %get3A_372 = arith.constant 320 : index
        %get3A_373 = tpu.vector_load %arg10[%get3A_371, %get3A_372] {strides = array<i32>} : memref<64x768xf32, #tpu.memory_space<vmem>>, vector<1x16xf32>,
        %get3A_374 = vector.shape_cast %get3A_373 : vector<1x16xf32> to vector<16xf32>
        %add3A_375 = arith.addf %get3A_370, %get3A_374 : vector<16xf32>
        %swap3A_376 = arith.index_cast %scan3A_25 : i32 to index
        %swap3A_377 = arith.constant 320 : index
        %swap3A_378 = tpu.vector_load %arg9[%swap3A_376, %swap3A_377] {strides = array<i32>} : memref<64x768xf32, #tpu.memory_space<vmem>>, vector<1x16xf32>,
        %swap3A_379 = vector.shape_cast %swap3A_378 : vector<1x16xf32> to vector<16xf32>
        %swap3A_380 = vector.shape_cast %add3A_375 : vector<16xf32> to vector<1x16xf32>
        tpu.vector_store %arg9[%swap3A_376, %swap3A_377], %swap3A_380 {strides = array<i32>} : memref<64x768xf32, #tpu.memory_space<vmem>>, vector<1x16xf32>,
        %add3A_381 = arith.addf %add3A_364, %add3A_375 : vector<16xf32>
        %mul3A_382 = arith.mulf %add3A_375, %add3A_375 : vector<16xf32>
        %add3A_383 = arith.addf %add3A_366, %mul3A_382 : vector<16xf32>
        %get3A_384 = arith.index_cast %scan3A_25 : i32 to index
        %get3A_385 = arith.constant 336 : index
        %get3A_386 = tpu.vector_load %arg9[%get3A_384, %get3A_385] {strides = array<i32>} : memref<64x768xf32, #tpu.memory_space<vmem>>, vector<1x16xf32>,
        %get3A_387 = vector.shape_cast %get3A_386 : vector<1x16xf32> to vector<16xf32>
        %get3A_388 = arith.index_cast %scan3A_25 : i32 to index
        %get3A_389 = arith.constant 336 : index
        %get3A_390 = tpu.vector_load %arg10[%get3A_388, %get3A_389] {strides = array<i32>} : memref<64x768xf32, #tpu.memory_space<vmem>>, vector<1x16xf32>,
        %get3A_391 = vector.shape_cast %get3A_390 : vector<1x16xf32> to vector<16xf32>
        %add3A_392 = arith.addf %get3A_387, %get3A_391 : vector<16xf32>
        %swap3A_393 = arith.index_cast %scan3A_25 : i32 to index
        %swap3A_394 = arith.constant 336 : index
        %swap3A_395 = tpu.vector_load %arg9[%swap3A_393, %swap3A_394] {strides = array<i32>} : memref<64x768xf32, #tpu.memory_space<vmem>>, vector<1x16xf32>,
        %swap3A_396 = vector.shape_cast %swap3A_395 : vector<1x16xf32> to vector<16xf32>
        %swap3A_397 = vector.shape_cast %add3A_392 : vector<16xf32> to vector<1x16xf32>
        tpu.vector_store %arg9[%swap3A_393, %swap3A_394], %swap3A_397 {strides = array<i32>} : memref<64x768xf32, #tpu.memory_space<vmem>>, vector<1x16xf32>,
        %add3A_398 = arith.addf %add3A_381, %add3A_392 : vector<16xf32>
        %mul3A_399 = arith.mulf %add3A_392, %add3A_392 : vector<16xf32>
        %add3A_400 = arith.addf %add3A_383, %mul3A_399 : vector<16xf32>
        %get3A_401 = arith.index_cast %scan3A_25 : i32 to index
        %get3A_402 = arith.constant 352 : index
        %get3A_403 = tpu.vector_load %arg9[%get3A_401, %get3A_402] {strides = array<i32>} : memref<64x768xf32, #tpu.memory_space<vmem>>, vector<1x16xf32>,
        %get3A_404 = vector.shape_cast %get3A_403 : vector<1x16xf32> to vector<16xf32>
        %get3A_405 = arith.index_cast %scan3A_25 : i32 to index
        %get3A_406 = arith.constant 352 : index
        %get3A_407 = tpu.vector_load %arg10[%get3A_405, %get3A_406] {strides = array<i32>} : memref<64x768xf32, #tpu.memory_space<vmem>>, vector<1x16xf32>,
        %get3A_408 = vector.shape_cast %get3A_407 : vector<1x16xf32> to vector<16xf32>
        %add3A_409 = arith.addf %get3A_404, %get3A_408 : vector<16xf32>
        %swap3A_410 = arith.index_cast %scan3A_25 : i32 to index
        %swap3A_411 = arith.constant 352 : index
        %swap3A_412 = tpu.vector_load %arg9[%swap3A_410, %swap3A_411] {strides = array<i32>} : memref<64x768xf32, #tpu.memory_space<vmem>>, vector<1x16xf32>,
        %swap3A_413 = vector.shape_cast %swap3A_412 : vector<1x16xf32> to vector<16xf32>
        %swap3A_414 = vector.shape_cast %add3A_409 : vector<16xf32> to vector<1x16xf32>
        tpu.vector_store %arg9[%swap3A_410, %swap3A_411], %swap3A_414 {strides = array<i32>} : memref<64x768xf32, #tpu.memory_space<vmem>>, vector<1x16xf32>,
        %add3A_415 = arith.addf %add3A_398, %add3A_409 : vector<16xf32>
        %mul3A_416 = arith.mulf %add3A_409, %add3A_409 : vector<16xf32>
        %add3A_417 = arith.addf %add3A_400, %mul3A_416 : vector<16xf32>
        %get3A_418 = arith.index_cast %scan3A_25 : i32 to index
        %get3A_419 = arith.constant 368 : index
        %get3A_420 = tpu.vector_load %arg9[%get3A_418, %get3A_419] {strides = array<i32>} : memref<64x768xf32, #tpu.memory_space<vmem>>, vector<1x16xf32>,
        %get3A_421 = vector.shape_cast %get3A_420 : vector<1x16xf32> to vector<16xf32>
        %get3A_422 = arith.index_cast %scan3A_25 : i32 to index
        %get3A_423 = arith.constant 368 : index
        %get3A_424 = tpu.vector_load %arg10[%get3A_422, %get3A_423] {strides = array<i32>} : memref<64x768xf32, #tpu.memory_space<vmem>>, vector<1x16xf32>,
        %get3A_425 = vector.shape_cast %get3A_424 : vector<1x16xf32> to vector<16xf32>
        %add3A_426 = arith.addf %get3A_421, %get3A_425 : vector<16xf32>
        %swap3A_427 = arith.index_cast %scan3A_25 : i32 to index
        %swap3A_428 = arith.constant 368 : index
        %swap3A_429 = tpu.vector_load %arg9[%swap3A_427, %swap3A_428] {strides = array<i32>} : memref<64x768xf32, #tpu.memory_space<vmem>>, vector<1x16xf32>,
        %swap3A_430 = vector.shape_cast %swap3A_429 : vector<1x16xf32> to vector<16xf32>
        %swap3A_431 = vector.shape_cast %add3A_426 : vector<16xf32> to vector<1x16xf32>
        tpu.vector_store %arg9[%swap3A_427, %swap3A_428], %swap3A_431 {strides = array<i32>} : memref<64x768xf32, #tpu.memory_space<vmem>>, vector<1x16xf32>,
        %add3A_432 = arith.addf %add3A_415, %add3A_426 : vector<16xf32>
        %mul3A_433 = arith.mulf %add3A_426, %add3A_426 : vector<16xf32>
        %add3A_434 = arith.addf %add3A_417, %mul3A_433 : vector<16xf32>
        %get3A_435 = arith.index_cast %scan3A_25 : i32 to index
        %get3A_436 = arith.constant 384 : index
        %get3A_437 = tpu.vector_load %arg9[%get3A_435, %get3A_436] {strides = array<i32>} : memref<64x768xf32, #tpu.memory_space<vmem>>, vector<1x16xf32>,
        %get3A_438 = vector.shape_cast %get3A_437 : vector<1x16xf32> to vector<16xf32>
        %get3A_439 = arith.index_cast %scan3A_25 : i32 to index
        %get3A_440 = arith.constant 384 : index
        %get3A_441 = tpu.vector_load %arg10[%get3A_439, %get3A_440] {strides = array<i32>} : memref<64x768xf32, #tpu.memory_space<vmem>>, vector<1x16xf32>,
        %get3A_442 = vector.shape_cast %get3A_441 : vector<1x16xf32> to vector<16xf32>
        %add3A_443 = arith.addf %get3A_438, %get3A_442 : vector<16xf32>
        %swap3A_444 = arith.index_cast %scan3A_25 : i32 to index
        %swap3A_445 = arith.constant 384 : index
        %swap3A_446 = tpu.vector_load %arg9[%swap3A_444, %swap3A_445] {strides = array<i32>} : memref<64x768xf32, #tpu.memory_space<vmem>>, vector<1x16xf32>,
        %swap3A_447 = vector.shape_cast %swap3A_446 : vector<1x16xf32> to vector<16xf32>
        %swap3A_448 = vector.shape_cast %add3A_443 : vector<16xf32> to vector<1x16xf32>
        tpu.vector_store %arg9[%swap3A_444, %swap3A_445], %swap3A_448 {strides = array<i32>} : memref<64x768xf32, #tpu.memory_space<vmem>>, vector<1x16xf32>,
        %add3A_449 = arith.addf %add3A_432, %add3A_443 : vector<16xf32>
        %mul3A_450 = arith.mulf %add3A_443, %add3A_443 : vector<16xf32>
        %add3A_451 = arith.addf %add3A_434, %mul3A_450 : vector<16xf32>
        %get3A_452 = arith.index_cast %scan3A_25 : i32 to index
        %get3A_453 = arith.constant 400 : index
        %get3A_454 = tpu.vector_load %arg9[%get3A_452, %get3A_453] {strides = array<i32>} : memref<64x768xf32, #tpu.memory_space<vmem>>, vector<1x16xf32>,
        %get3A_455 = vector.shape_cast %get3A_454 : vector<1x16xf32> to vector<16xf32>
        %get3A_456 = arith.index_cast %scan3A_25 : i32 to index
        %get3A_457 = arith.constant 400 : index
        %get3A_458 = tpu.vector_load %arg10[%get3A_456, %get3A_457] {strides = array<i32>} : memref<64x768xf32, #tpu.memory_space<vmem>>, vector<1x16xf32>,
        %get3A_459 = vector.shape_cast %get3A_458 : vector<1x16xf32> to vector<16xf32>
        %add3A_460 = arith.addf %get3A_455, %get3A_459 : vector<16xf32>
        %swap3A_461 = arith.index_cast %scan3A_25 : i32 to index
        %swap3A_462 = arith.constant 400 : index
        %swap3A_463 = tpu.vector_load %arg9[%swap3A_461, %swap3A_462] {strides = array<i32>} : memref<64x768xf32, #tpu.memory_space<vmem>>, vector<1x16xf32>,
        %swap3A_464 = vector.shape_cast %swap3A_463 : vector<1x16xf32> to vector<16xf32>
        %swap3A_465 = vector.shape_cast %add3A_460 : vector<16xf32> to vector<1x16xf32>
        tpu.vector_store %arg9[%swap3A_461, %swap3A_462], %swap3A_465 {strides = array<i32>} : memref<64x768xf32, #tpu.memory_space<vmem>>, vector<1x16xf32>,
        %add3A_466 = arith.addf %add3A_449, %add3A_460 : vector<16xf32>
        %mul3A_467 = arith.mulf %add3A_460, %add3A_460 : vector<16xf32>
        %add3A_468 = arith.addf %add3A_451, %mul3A_467 : vector<16xf32>
        %get3A_469 = arith.index_cast %scan3A_25 : i32 to index
        %get3A_470 = arith.constant 416 : index
        %get3A_471 = tpu.vector_load %arg9[%get3A_469, %get3A_470] {strides = array<i32>} : memref<64x768xf32, #tpu.memory_space<vmem>>, vector<1x16xf32>,
        %get3A_472 = vector.shape_cast %get3A_471 : vector<1x16xf32> to vector<16xf32>
        %get3A_473 = arith.index_cast %scan3A_25 : i32 to index
        %get3A_474 = arith.constant 416 : index
        %get3A_475 = tpu.vector_load %arg10[%get3A_473, %get3A_474] {strides = array<i32>} : memref<64x768xf32, #tpu.memory_space<vmem>>, vector<1x16xf32>,
        %get3A_476 = vector.shape_cast %get3A_475 : vector<1x16xf32> to vector<16xf32>
        %add3A_477 = arith.addf %get3A_472, %get3A_476 : vector<16xf32>
        %swap3A_478 = arith.index_cast %scan3A_25 : i32 to index
        %swap3A_479 = arith.constant 416 : index
        %swap3A_480 = tpu.vector_load %arg9[%swap3A_478, %swap3A_479] {strides = array<i32>} : memref<64x768xf32, #tpu.memory_space<vmem>>, vector<1x16xf32>,
        %swap3A_481 = vector.shape_cast %swap3A_480 : vector<1x16xf32> to vector<16xf32>
        %swap3A_482 = vector.shape_cast %add3A_477 : vector<16xf32> to vector<1x16xf32>
        tpu.vector_store %arg9[%swap3A_478, %swap3A_479], %swap3A_482 {strides = array<i32>} : memref<64x768xf32, #tpu.memory_space<vmem>>, vector<1x16xf32>,
        %add3A_483 = arith.addf %add3A_466, %add3A_477 : vector<16xf32>
        %mul3A_484 = arith.mulf %add3A_477, %add3A_477 : vector<16xf32>
        %add3A_485 = arith.addf %add3A_468, %mul3A_484 : vector<16xf32>
        %get3A_486 = arith.index_cast %scan3A_25 : i32 to index
        %get3A_487 = arith.constant 432 : index
        %get3A_488 = tpu.vector_load %arg9[%get3A_486, %get3A_487] {strides = array<i32>} : memref<64x768xf32, #tpu.memory_space<vmem>>, vector<1x16xf32>,
        %get3A_489 = vector.shape_cast %get3A_488 : vector<1x16xf32> to vector<16xf32>
        %get3A_490 = arith.index_cast %scan3A_25 : i32 to index
        %get3A_491 = arith.constant 432 : index
        %get3A_492 = tpu.vector_load %arg10[%get3A_490, %get3A_491] {strides = array<i32>} : memref<64x768xf32, #tpu.memory_space<vmem>>, vector<1x16xf32>,
        %get3A_493 = vector.shape_cast %get3A_492 : vector<1x16xf32> to vector<16xf32>
        %add3A_494 = arith.addf %get3A_489, %get3A_493 : vector<16xf32>
        %swap3A_495 = arith.index_cast %scan3A_25 : i32 to index
        %swap3A_496 = arith.constant 432 : index
        %swap3A_497 = tpu.vector_load %arg9[%swap3A_495, %swap3A_496] {strides = array<i32>} : memref<64x768xf32, #tpu.memory_space<vmem>>, vector<1x16xf32>,
        %swap3A_498 = vector.shape_cast %swap3A_497 : vector<1x16xf32> to vector<16xf32>
        %swap3A_499 = vector.shape_cast %add3A_494 : vector<16xf32> to vector<1x16xf32>
        tpu.vector_store %arg9[%swap3A_495, %swap3A_496], %swap3A_499 {strides = array<i32>} : memref<64x768xf32, #tpu.memory_space<vmem>>, vector<1x16xf32>,
        %add3A_500 = arith.addf %add3A_483, %add3A_494 : vector<16xf32>
        %mul3A_501 = arith.mulf %add3A_494, %add3A_494 : vector<16xf32>
        %add3A_502 = arith.addf %add3A_485, %mul3A_501 : vector<16xf32>
        %get3A_503 = arith.index_cast %scan3A_25 : i32 to index
        %get3A_504 = arith.constant 448 : index
        %get3A_505 = tpu.vector_load %arg9[%get3A_503, %get3A_504] {strides = array<i32>} : memref<64x768xf32, #tpu.memory_space<vmem>>, vector<1x16xf32>,
        %get3A_506 = vector.shape_cast %get3A_505 : vector<1x16xf32> to vector<16xf32>
        %get3A_507 = arith.index_cast %scan3A_25 : i32 to index
        %get3A_508 = arith.constant 448 : index
        %get3A_509 = tpu.vector_load %arg10[%get3A_507, %get3A_508] {strides = array<i32>} : memref<64x768xf32, #tpu.memory_space<vmem>>, vector<1x16xf32>,
        %get3A_510 = vector.shape_cast %get3A_509 : vector<1x16xf32> to vector<16xf32>
        %add3A_511 = arith.addf %get3A_506, %get3A_510 : vector<16xf32>
        %swap3A_512 = arith.index_cast %scan3A_25 : i32 to index
        %swap3A_513 = arith.constant 448 : index
        %swap3A_514 = tpu.vector_load %arg9[%swap3A_512, %swap3A_513] {strides = array<i32>} : memref<64x768xf32, #tpu.memory_space<vmem>>, vector<1x16xf32>,
        %swap3A_515 = vector.shape_cast %swap3A_514 : vector<1x16xf32> to vector<16xf32>
        %swap3A_516 = vector.shape_cast %add3A_511 : vector<16xf32> to vector<1x16xf32>
        tpu.vector_store %arg9[%swap3A_512, %swap3A_513], %swap3A_516 {strides = array<i32>} : memref<64x768xf32, #tpu.memory_space<vmem>>, vector<1x16xf32>,
        %add3A_517 = arith.addf %add3A_500, %add3A_511 : vector<16xf32>
        %mul3A_518 = arith.mulf %add3A_511, %add3A_511 : vector<16xf32>
        %add3A_519 = arith.addf %add3A_502, %mul3A_518 : vector<16xf32>
        %get3A_520 = arith.index_cast %scan3A_25 : i32 to index
        %get3A_521 = arith.constant 464 : index
        %get3A_522 = tpu.vector_load %arg9[%get3A_520, %get3A_521] {strides = array<i32>} : memref<64x768xf32, #tpu.memory_space<vmem>>, vector<1x16xf32>,
        %get3A_523 = vector.shape_cast %get3A_522 : vector<1x16xf32> to vector<16xf32>
        %get3A_524 = arith.index_cast %scan3A_25 : i32 to index
        %get3A_525 = arith.constant 464 : index
        %get3A_526 = tpu.vector_load %arg10[%get3A_524, %get3A_525] {strides = array<i32>} : memref<64x768xf32, #tpu.memory_space<vmem>>, vector<1x16xf32>,
        %get3A_527 = vector.shape_cast %get3A_526 : vector<1x16xf32> to vector<16xf32>
        %add3A_528 = arith.addf %get3A_523, %get3A_527 : vector<16xf32>
        %swap3A_529 = arith.index_cast %scan3A_25 : i32 to index
        %swap3A_530 = arith.constant 464 : index
        %swap3A_531 = tpu.vector_load %arg9[%swap3A_529, %swap3A_530] {strides = array<i32>} : memref<64x768xf32, #tpu.memory_space<vmem>>, vector<1x16xf32>,
        %swap3A_532 = vector.shape_cast %swap3A_531 : vector<1x16xf32> to vector<16xf32>
        %swap3A_533 = vector.shape_cast %add3A_528 : vector<16xf32> to vector<1x16xf32>
        tpu.vector_store %arg9[%swap3A_529, %swap3A_530], %swap3A_533 {strides = array<i32>} : memref<64x768xf32, #tpu.memory_space<vmem>>, vector<1x16xf32>,
        %add3A_534 = arith.addf %add3A_517, %add3A_528 : vector<16xf32>
        %mul3A_535 = arith.mulf %add3A_528, %add3A_528 : vector<16xf32>
        %add3A_536 = arith.addf %add3A_519, %mul3A_535 : vector<16xf32>
        %get3A_537 = arith.index_cast %scan3A_25 : i32 to index
        %get3A_538 = arith.constant 480 : index
        %get3A_539 = tpu.vector_load %arg9[%get3A_537, %get3A_538] {strides = array<i32>} : memref<64x768xf32, #tpu.memory_space<vmem>>, vector<1x16xf32>,
        %get3A_540 = vector.shape_cast %get3A_539 : vector<1x16xf32> to vector<16xf32>
        %get3A_541 = arith.index_cast %scan3A_25 : i32 to index
        %get3A_542 = arith.constant 480 : index
        %get3A_543 = tpu.vector_load %arg10[%get3A_541, %get3A_542] {strides = array<i32>} : memref<64x768xf32, #tpu.memory_space<vmem>>, vector<1x16xf32>,
        %get3A_544 = vector.shape_cast %get3A_543 : vector<1x16xf32> to vector<16xf32>
        %add3A_545 = arith.addf %get3A_540, %get3A_544 : vector<16xf32>
        %swap3A_546 = arith.index_cast %scan3A_25 : i32 to index
        %swap3A_547 = arith.constant 480 : index
        %swap3A_548 = tpu.vector_load %arg9[%swap3A_546, %swap3A_547] {strides = array<i32>} : memref<64x768xf32, #tpu.memory_space<vmem>>, vector<1x16xf32>,
        %swap3A_549 = vector.shape_cast %swap3A_548 : vector<1x16xf32> to vector<16xf32>
        %swap3A_550 = vector.shape_cast %add3A_545 : vector<16xf32> to vector<1x16xf32>
        tpu.vector_store %arg9[%swap3A_546, %swap3A_547], %swap3A_550 {strides = array<i32>} : memref<64x768xf32, #tpu.memory_space<vmem>>, vector<1x16xf32>,
        %add3A_551 = arith.addf %add3A_534, %add3A_545 : vector<16xf32>
        %mul3A_552 = arith.mulf %add3A_545, %add3A_545 : vector<16xf32>
        %add3A_553 = arith.addf %add3A_536, %mul3A_552 : vector<16xf32>
        %get3A_554 = arith.index_cast %scan3A_25 : i32 to index
        %get3A_555 = arith.constant 496 : index
        %get3A_556 = tpu.vector_load %arg9[%get3A_554, %get3A_555] {strides = array<i32>} : memref<64x768xf32, #tpu.memory_space<vmem>>, vector<1x16xf32>,
        %get3A_557 = vector.shape_cast %get3A_556 : vector<1x16xf32> to vector<16xf32>
        %get3A_558 = arith.index_cast %scan3A_25 : i32 to index
        %get3A_559 = arith.constant 496 : index
        %get3A_560 = tpu.vector_load %arg10[%get3A_558, %get3A_559] {strides = array<i32>} : memref<64x768xf32, #tpu.memory_space<vmem>>, vector<1x16xf32>,
        %get3A_561 = vector.shape_cast %get3A_560 : vector<1x16xf32> to vector<16xf32>
        %add3A_562 = arith.addf %get3A_557, %get3A_561 : vector<16xf32>
        %swap3A_563 = arith.index_cast %scan3A_25 : i32 to index
        %swap3A_564 = arith.constant 496 : index
        %swap3A_565 = tpu.vector_load %arg9[%swap3A_563, %swap3A_564] {strides = array<i32>} : memref<64x768xf32, #tpu.memory_space<vmem>>, vector<1x16xf32>,
        %swap3A_566 = vector.shape_cast %swap3A_565 : vector<1x16xf32> to vector<16xf32>
        %swap3A_567 = vector.shape_cast %add3A_562 : vector<16xf32> to vector<1x16xf32>
        tpu.vector_store %arg9[%swap3A_563, %swap3A_564], %swap3A_567 {strides = array<i32>} : memref<64x768xf32, #tpu.memory_space<vmem>>, vector<1x16xf32>,
        %add3A_568 = arith.addf %add3A_551, %add3A_562 : vector<16xf32>
        %mul3A_569 = arith.mulf %add3A_562, %add3A_562 : vector<16xf32>
        %add3A_570 = arith.addf %add3A_553, %mul3A_569 : vector<16xf32>
        %get3A_571 = arith.index_cast %scan3A_25 : i32 to index
        %get3A_572 = arith.constant 512 : index
        %get3A_573 = tpu.vector_load %arg9[%get3A_571, %get3A_572] {strides = array<i32>} : memref<64x768xf32, #tpu.memory_space<vmem>>, vector<1x16xf32>,
        %get3A_574 = vector.shape_cast %get3A_573 : vector<1x16xf32> to vector<16xf32>
        %get3A_575 = arith.index_cast %scan3A_25 : i32 to index
        %get3A_576 = arith.constant 512 : index
        %get3A_577 = tpu.vector_load %arg10[%get3A_575, %get3A_576] {strides = array<i32>} : memref<64x768xf32, #tpu.memory_space<vmem>>, vector<1x16xf32>,
        %get3A_578 = vector.shape_cast %get3A_577 : vector<1x16xf32> to vector<16xf32>
        %add3A_579 = arith.addf %get3A_574, %get3A_578 : vector<16xf32>
        %swap3A_580 = arith.index_cast %scan3A_25 : i32 to index
        %swap3A_581 = arith.constant 512 : index
        %swap3A_582 = tpu.vector_load %arg9[%swap3A_580, %swap3A_581] {strides = array<i32>} : memref<64x768xf32, #tpu.memory_space<vmem>>, vector<1x16xf32>,
        %swap3A_583 = vector.shape_cast %swap3A_582 : vector<1x16xf32> to vector<16xf32>
        %swap3A_584 = vector.shape_cast %add3A_579 : vector<16xf32> to vector<1x16xf32>
        tpu.vector_store %arg9[%swap3A_580, %swap3A_581], %swap3A_584 {strides = array<i32>} : memref<64x768xf32, #tpu.memory_space<vmem>>, vector<1x16xf32>,
        %add3A_585 = arith.addf %add3A_568, %add3A_579 : vector<16xf32>
        %mul3A_586 = arith.mulf %add3A_579, %add3A_579 : vector<16xf32>
        %add3A_587 = arith.addf %add3A_570, %mul3A_586 : vector<16xf32>
        %get3A_588 = arith.index_cast %scan3A_25 : i32 to index
        %get3A_589 = arith.constant 528 : index
        %get3A_590 = tpu.vector_load %arg9[%get3A_588, %get3A_589] {strides = array<i32>} : memref<64x768xf32, #tpu.memory_space<vmem>>, vector<1x16xf32>,
        %get3A_591 = vector.shape_cast %get3A_590 : vector<1x16xf32> to vector<16xf32>
        %get3A_592 = arith.index_cast %scan3A_25 : i32 to index
        %get3A_593 = arith.constant 528 : index
        %get3A_594 = tpu.vector_load %arg10[%get3A_592, %get3A_593] {strides = array<i32>} : memref<64x768xf32, #tpu.memory_space<vmem>>, vector<1x16xf32>,
        %get3A_595 = vector.shape_cast %get3A_594 : vector<1x16xf32> to vector<16xf32>
        %add3A_596 = arith.addf %get3A_591, %get3A_595 : vector<16xf32>
        %swap3A_597 = arith.index_cast %scan3A_25 : i32 to index
        %swap3A_598 = arith.constant 528 : index
        %swap3A_599 = tpu.vector_load %arg9[%swap3A_597, %swap3A_598] {strides = array<i32>} : memref<64x768xf32, #tpu.memory_space<vmem>>, vector<1x16xf32>,
        %swap3A_600 = vector.shape_cast %swap3A_599 : vector<1x16xf32> to vector<16xf32>
        %swap3A_601 = vector.shape_cast %add3A_596 : vector<16xf32> to vector<1x16xf32>
        tpu.vector_store %arg9[%swap3A_597, %swap3A_598], %swap3A_601 {strides = array<i32>} : memref<64x768xf32, #tpu.memory_space<vmem>>, vector<1x16xf32>,
        %add3A_602 = arith.addf %add3A_585, %add3A_596 : vector<16xf32>
        %mul3A_603 = arith.mulf %add3A_596, %add3A_596 : vector<16xf32>
        %add3A_604 = arith.addf %add3A_587, %mul3A_603 : vector<16xf32>
        %get3A_605 = arith.index_cast %scan3A_25 : i32 to index
        %get3A_606 = arith.constant 544 : index
        %get3A_607 = tpu.vector_load %arg9[%get3A_605, %get3A_606] {strides = array<i32>} : memref<64x768xf32, #tpu.memory_space<vmem>>, vector<1x16xf32>,
        %get3A_608 = vector.shape_cast %get3A_607 : vector<1x16xf32> to vector<16xf32>
        %get3A_609 = arith.index_cast %scan3A_25 : i32 to index
        %get3A_610 = arith.constant 544 : index
        %get3A_611 = tpu.vector_load %arg10[%get3A_609, %get3A_610] {strides = array<i32>} : memref<64x768xf32, #tpu.memory_space<vmem>>, vector<1x16xf32>,
        %get3A_612 = vector.shape_cast %get3A_611 : vector<1x16xf32> to vector<16xf32>
        %add3A_613 = arith.addf %get3A_608, %get3A_612 : vector<16xf32>
        %swap3A_614 = arith.index_cast %scan3A_25 : i32 to index
        %swap3A_615 = arith.constant 544 : index
        %swap3A_616 = tpu.vector_load %arg9[%swap3A_614, %swap3A_615] {strides = array<i32>} : memref<64x768xf32, #tpu.memory_space<vmem>>, vector<1x16xf32>,
        %swap3A_617 = vector.shape_cast %swap3A_616 : vector<1x16xf32> to vector<16xf32>
        %swap3A_618 = vector.shape_cast %add3A_613 : vector<16xf32> to vector<1x16xf32>
        tpu.vector_store %arg9[%swap3A_614, %swap3A_615], %swap3A_618 {strides = array<i32>} : memref<64x768xf32, #tpu.memory_space<vmem>>, vector<1x16xf32>,
        %add3A_619 = arith.addf %add3A_602, %add3A_613 : vector<16xf32>
        %mul3A_620 = arith.mulf %add3A_613, %add3A_613 : vector<16xf32>
        %add3A_621 = arith.addf %add3A_604, %mul3A_620 : vector<16xf32>
        %get3A_622 = arith.index_cast %scan3A_25 : i32 to index
        %get3A_623 = arith.constant 560 : index
        %get3A_624 = tpu.vector_load %arg9[%get3A_622, %get3A_623] {strides = array<i32>} : memref<64x768xf32, #tpu.memory_space<vmem>>, vector<1x16xf32>,
        %get3A_625 = vector.shape_cast %get3A_624 : vector<1x16xf32> to vector<16xf32>
        %get3A_626 = arith.index_cast %scan3A_25 : i32 to index
        %get3A_627 = arith.constant 560 : index
        %get3A_628 = tpu.vector_load %arg10[%get3A_626, %get3A_627] {strides = array<i32>} : memref<64x768xf32, #tpu.memory_space<vmem>>, vector<1x16xf32>,
        %get3A_629 = vector.shape_cast %get3A_628 : vector<1x16xf32> to vector<16xf32>
        %add3A_630 = arith.addf %get3A_625, %get3A_629 : vector<16xf32>
        %swap3A_631 = arith.index_cast %scan3A_25 : i32 to index
        %swap3A_632 = arith.constant 560 : index
        %swap3A_633 = tpu.vector_load %arg9[%swap3A_631, %swap3A_632] {strides = array<i32>} : memref<64x768xf32, #tpu.memory_space<vmem>>, vector<1x16xf32>,
        %swap3A_634 = vector.shape_cast %swap3A_633 : vector<1x16xf32> to vector<16xf32>
        %swap3A_635 = vector.shape_cast %add3A_630 : vector<16xf32> to vector<1x16xf32>
        tpu.vector_store %arg9[%swap3A_631, %swap3A_632], %swap3A_635 {strides = array<i32>} : memref<64x768xf32, #tpu.memory_space<vmem>>, vector<1x16xf32>,
        %add3A_636 = arith.addf %add3A_619, %add3A_630 : vector<16xf32>
        %mul3A_637 = arith.mulf %add3A_630, %add3A_630 : vector<16xf32>
        %add3A_638 = arith.addf %add3A_621, %mul3A_637 : vector<16xf32>
        %get3A_639 = arith.index_cast %scan3A_25 : i32 to index
        %get3A_640 = arith.constant 576 : index
        %get3A_641 = tpu.vector_load %arg9[%get3A_639, %get3A_640] {strides = array<i32>} : memref<64x768xf32, #tpu.memory_space<vmem>>, vector<1x16xf32>,
        %get3A_642 = vector.shape_cast %get3A_641 : vector<1x16xf32> to vector<16xf32>
        %get3A_643 = arith.index_cast %scan3A_25 : i32 to index
        %get3A_644 = arith.constant 576 : index
        %get3A_645 = tpu.vector_load %arg10[%get3A_643, %get3A_644] {strides = array<i32>} : memref<64x768xf32, #tpu.memory_space<vmem>>, vector<1x16xf32>,
        %get3A_646 = vector.shape_cast %get3A_645 : vector<1x16xf32> to vector<16xf32>
        %add3A_647 = arith.addf %get3A_642, %get3A_646 : vector<16xf32>
        %swap3A_648 = arith.index_cast %scan3A_25 : i32 to index
        %swap3A_649 = arith.constant 576 : index
        %swap3A_650 = tpu.vector_load %arg9[%swap3A_648, %swap3A_649] {strides = array<i32>} : memref<64x768xf32, #tpu.memory_space<vmem>>, vector<1x16xf32>,
        %swap3A_651 = vector.shape_cast %swap3A_650 : vector<1x16xf32> to vector<16xf32>
        %swap3A_652 = vector.shape_cast %add3A_647 : vector<16xf32> to vector<1x16xf32>
        tpu.vector_store %arg9[%swap3A_648, %swap3A_649], %swap3A_652 {strides = array<i32>} : memref<64x768xf32, #tpu.memory_space<vmem>>, vector<1x16xf32>,
        %add3A_653 = arith.addf %add3A_636, %add3A_647 : vector<16xf32>
        %mul3A_654 = arith.mulf %add3A_647, %add3A_647 : vector<16xf32>
        %add3A_655 = arith.addf %add3A_638, %mul3A_654 : vector<16xf32>
        %get3A_656 = arith.index_cast %scan3A_25 : i32 to index
        %get3A_657 = arith.constant 592 : index
        %get3A_658 = tpu.vector_load %arg9[%get3A_656, %get3A_657] {strides = array<i32>} : memref<64x768xf32, #tpu.memory_space<vmem>>, vector<1x16xf32>,
        %get3A_659 = vector.shape_cast %get3A_658 : vector<1x16xf32> to vector<16xf32>
        %get3A_660 = arith.index_cast %scan3A_25 : i32 to index
        %get3A_661 = arith.constant 592 : index
        %get3A_662 = tpu.vector_load %arg10[%get3A_660, %get3A_661] {strides = array<i32>} : memref<64x768xf32, #tpu.memory_space<vmem>>, vector<1x16xf32>,
        %get3A_663 = vector.shape_cast %get3A_662 : vector<1x16xf32> to vector<16xf32>
        %add3A_664 = arith.addf %get3A_659, %get3A_663 : vector<16xf32>
        %swap3A_665 = arith.index_cast %scan3A_25 : i32 to index
        %swap3A_666 = arith.constant 592 : index
        %swap3A_667 = tpu.vector_load %arg9[%swap3A_665, %swap3A_666] {strides = array<i32>} : memref<64x768xf32, #tpu.memory_space<vmem>>, vector<1x16xf32>,
        %swap3A_668 = vector.shape_cast %swap3A_667 : vector<1x16xf32> to vector<16xf32>
        %swap3A_669 = vector.shape_cast %add3A_664 : vector<16xf32> to vector<1x16xf32>
        tpu.vector_store %arg9[%swap3A_665, %swap3A_666], %swap3A_669 {strides = array<i32>} : memref<64x768xf32, #tpu.memory_space<vmem>>, vector<1x16xf32>,
        %add3A_670 = arith.addf %add3A_653, %add3A_664 : vector<16xf32>
        %mul3A_671 = arith.mulf %add3A_664, %add3A_664 : vector<16xf32>
        %add3A_672 = arith.addf %add3A_655, %mul3A_671 : vector<16xf32>
        %get3A_673 = arith.index_cast %scan3A_25 : i32 to index
        %get3A_674 = arith.constant 608 : index
        %get3A_675 = tpu.vector_load %arg9[%get3A_673, %get3A_674] {strides = array<i32>} : memref<64x768xf32, #tpu.memory_space<vmem>>, vector<1x16xf32>,
        %get3A_676 = vector.shape_cast %get3A_675 : vector<1x16xf32> to vector<16xf32>
        %get3A_677 = arith.index_cast %scan3A_25 : i32 to index
        %get3A_678 = arith.constant 608 : index
        %get3A_679 = tpu.vector_load %arg10[%get3A_677, %get3A_678] {strides = array<i32>} : memref<64x768xf32, #tpu.memory_space<vmem>>, vector<1x16xf32>,
        %get3A_680 = vector.shape_cast %get3A_679 : vector<1x16xf32> to vector<16xf32>
        %add3A_681 = arith.addf %get3A_676, %get3A_680 : vector<16xf32>
        %swap3A_682 = arith.index_cast %scan3A_25 : i32 to index
        %swap3A_683 = arith.constant 608 : index
        %swap3A_684 = tpu.vector_load %arg9[%swap3A_682, %swap3A_683] {strides = array<i32>} : memref<64x768xf32, #tpu.memory_space<vmem>>, vector<1x16xf32>,
        %swap3A_685 = vector.shape_cast %swap3A_684 : vector<1x16xf32> to vector<16xf32>
        %swap3A_686 = vector.shape_cast %add3A_681 : vector<16xf32> to vector<1x16xf32>
        tpu.vector_store %arg9[%swap3A_682, %swap3A_683], %swap3A_686 {strides = array<i32>} : memref<64x768xf32, #tpu.memory_space<vmem>>, vector<1x16xf32>,
        %add3A_687 = arith.addf %add3A_670, %add3A_681 : vector<16xf32>
        %mul3A_688 = arith.mulf %add3A_681, %add3A_681 : vector<16xf32>
        %add3A_689 = arith.addf %add3A_672, %mul3A_688 : vector<16xf32>
        %get3A_690 = arith.index_cast %scan3A_25 : i32 to index
        %get3A_691 = arith.constant 624 : index
        %get3A_692 = tpu.vector_load %arg9[%get3A_690, %get3A_691] {strides = array<i32>} : memref<64x768xf32, #tpu.memory_space<vmem>>, vector<1x16xf32>,
        %get3A_693 = vector.shape_cast %get3A_692 : vector<1x16xf32> to vector<16xf32>
        %get3A_694 = arith.index_cast %scan3A_25 : i32 to index
        %get3A_695 = arith.constant 624 : index
        %get3A_696 = tpu.vector_load %arg10[%get3A_694, %get3A_695] {strides = array<i32>} : memref<64x768xf32, #tpu.memory_space<vmem>>, vector<1x16xf32>,
        %get3A_697 = vector.shape_cast %get3A_696 : vector<1x16xf32> to vector<16xf32>
        %add3A_698 = arith.addf %get3A_693, %get3A_697 : vector<16xf32>
        %swap3A_699 = arith.index_cast %scan3A_25 : i32 to index
        %swap3A_700 = arith.constant 624 : index
        %swap3A_701 = tpu.vector_load %arg9[%swap3A_699, %swap3A_700] {strides = array<i32>} : memref<64x768xf32, #tpu.memory_space<vmem>>, vector<1x16xf32>,
        %swap3A_702 = vector.shape_cast %swap3A_701 : vector<1x16xf32> to vector<16xf32>
        %swap3A_703 = vector.shape_cast %add3A_698 : vector<16xf32> to vector<1x16xf32>
        tpu.vector_store %arg9[%swap3A_699, %swap3A_700], %swap3A_703 {strides = array<i32>} : memref<64x768xf32, #tpu.memory_space<vmem>>, vector<1x16xf32>,
        %add3A_704 = arith.addf %add3A_687, %add3A_698 : vector<16xf32>
        %mul3A_705 = arith.mulf %add3A_698, %add3A_698 : vector<16xf32>
        %add3A_706 = arith.addf %add3A_689, %mul3A_705 : vector<16xf32>
        %get3A_707 = arith.index_cast %scan3A_25 : i32 to index
        %get3A_708 = arith.constant 640 : index
        %get3A_709 = tpu.vector_load %arg9[%get3A_707, %get3A_708] {strides = array<i32>} : memref<64x768xf32, #tpu.memory_space<vmem>>, vector<1x16xf32>,
        %get3A_710 = vector.shape_cast %get3A_709 : vector<1x16xf32> to vector<16xf32>
        %get3A_711 = arith.index_cast %scan3A_25 : i32 to index
        %get3A_712 = arith.constant 640 : index
        %get3A_713 = tpu.vector_load %arg10[%get3A_711, %get3A_712] {strides = array<i32>} : memref<64x768xf32, #tpu.memory_space<vmem>>, vector<1x16xf32>,
        %get3A_714 = vector.shape_cast %get3A_713 : vector<1x16xf32> to vector<16xf32>
        %add3A_715 = arith.addf %get3A_710, %get3A_714 : vector<16xf32>
        %swap3A_716 = arith.index_cast %scan3A_25 : i32 to index
        %swap3A_717 = arith.constant 640 : index
        %swap3A_718 = tpu.vector_load %arg9[%swap3A_716, %swap3A_717] {strides = array<i32>} : memref<64x768xf32, #tpu.memory_space<vmem>>, vector<1x16xf32>,
        %swap3A_719 = vector.shape_cast %swap3A_718 : vector<1x16xf32> to vector<16xf32>
        %swap3A_720 = vector.shape_cast %add3A_715 : vector<16xf32> to vector<1x16xf32>
        tpu.vector_store %arg9[%swap3A_716, %swap3A_717], %swap3A_720 {strides = array<i32>} : memref<64x768xf32, #tpu.memory_space<vmem>>, vector<1x16xf32>,
        %add3A_721 = arith.addf %add3A_704, %add3A_715 : vector<16xf32>
        %mul3A_722 = arith.mulf %add3A_715, %add3A_715 : vector<16xf32>
        %add3A_723 = arith.addf %add3A_706, %mul3A_722 : vector<16xf32>
        %get3A_724 = arith.index_cast %scan3A_25 : i32 to index
        %get3A_725 = arith.constant 656 : index
        %get3A_726 = tpu.vector_load %arg9[%get3A_724, %get3A_725] {strides = array<i32>} : memref<64x768xf32, #tpu.memory_space<vmem>>, vector<1x16xf32>,
        %get3A_727 = vector.shape_cast %get3A_726 : vector<1x16xf32> to vector<16xf32>
        %get3A_728 = arith.index_cast %scan3A_25 : i32 to index
        %get3A_729 = arith.constant 656 : index
        %get3A_730 = tpu.vector_load %arg10[%get3A_728, %get3A_729] {strides = array<i32>} : memref<64x768xf32, #tpu.memory_space<vmem>>, vector<1x16xf32>,
        %get3A_731 = vector.shape_cast %get3A_730 : vector<1x16xf32> to vector<16xf32>
        %add3A_732 = arith.addf %get3A_727, %get3A_731 : vector<16xf32>
        %swap3A_733 = arith.index_cast %scan3A_25 : i32 to index
        %swap3A_734 = arith.constant 656 : index
        %swap3A_735 = tpu.vector_load %arg9[%swap3A_733, %swap3A_734] {strides = array<i32>} : memref<64x768xf32, #tpu.memory_space<vmem>>, vector<1x16xf32>,
        %swap3A_736 = vector.shape_cast %swap3A_735 : vector<1x16xf32> to vector<16xf32>
        %swap3A_737 = vector.shape_cast %add3A_732 : vector<16xf32> to vector<1x16xf32>
        tpu.vector_store %arg9[%swap3A_733, %swap3A_734], %swap3A_737 {strides = array<i32>} : memref<64x768xf32, #tpu.memory_space<vmem>>, vector<1x16xf32>,
        %add3A_738 = arith.addf %add3A_721, %add3A_732 : vector<16xf32>
        %mul3A_739 = arith.mulf %add3A_732, %add3A_732 : vector<16xf32>
        %add3A_740 = arith.addf %add3A_723, %mul3A_739 : vector<16xf32>
        %get3A_741 = arith.index_cast %scan3A_25 : i32 to index
        %get3A_742 = arith.constant 672 : index
        %get3A_743 = tpu.vector_load %arg9[%get3A_741, %get3A_742] {strides = array<i32>} : memref<64x768xf32, #tpu.memory_space<vmem>>, vector<1x16xf32>,
        %get3A_744 = vector.shape_cast %get3A_743 : vector<1x16xf32> to vector<16xf32>
        %get3A_745 = arith.index_cast %scan3A_25 : i32 to index
        %get3A_746 = arith.constant 672 : index
        %get3A_747 = tpu.vector_load %arg10[%get3A_745, %get3A_746] {strides = array<i32>} : memref<64x768xf32, #tpu.memory_space<vmem>>, vector<1x16xf32>,
        %get3A_748 = vector.shape_cast %get3A_747 : vector<1x16xf32> to vector<16xf32>
        %add3A_749 = arith.addf %get3A_744, %get3A_748 : vector<16xf32>
        %swap3A_750 = arith.index_cast %scan3A_25 : i32 to index
        %swap3A_751 = arith.constant 672 : index
        %swap3A_752 = tpu.vector_load %arg9[%swap3A_750, %swap3A_751] {strides = array<i32>} : memref<64x768xf32, #tpu.memory_space<vmem>>, vector<1x16xf32>,
        %swap3A_753 = vector.shape_cast %swap3A_752 : vector<1x16xf32> to vector<16xf32>
        %swap3A_754 = vector.shape_cast %add3A_749 : vector<16xf32> to vector<1x16xf32>
        tpu.vector_store %arg9[%swap3A_750, %swap3A_751], %swap3A_754 {strides = array<i32>} : memref<64x768xf32, #tpu.memory_space<vmem>>, vector<1x16xf32>,
        %add3A_755 = arith.addf %add3A_738, %add3A_749 : vector<16xf32>
        %mul3A_756 = arith.mulf %add3A_749, %add3A_749 : vector<16xf32>
        %add3A_757 = arith.addf %add3A_740, %mul3A_756 : vector<16xf32>
        %get3A_758 = arith.index_cast %scan3A_25 : i32 to index
        %get3A_759 = arith.constant 688 : index
        %get3A_760 = tpu.vector_load %arg9[%get3A_758, %get3A_759] {strides = array<i32>} : memref<64x768xf32, #tpu.memory_space<vmem>>, vector<1x16xf32>,
        %get3A_761 = vector.shape_cast %get3A_760 : vector<1x16xf32> to vector<16xf32>
        %get3A_762 = arith.index_cast %scan3A_25 : i32 to index
        %get3A_763 = arith.constant 688 : index
        %get3A_764 = tpu.vector_load %arg10[%get3A_762, %get3A_763] {strides = array<i32>} : memref<64x768xf32, #tpu.memory_space<vmem>>, vector<1x16xf32>,
        %get3A_765 = vector.shape_cast %get3A_764 : vector<1x16xf32> to vector<16xf32>
        %add3A_766 = arith.addf %get3A_761, %get3A_765 : vector<16xf32>
        %swap3A_767 = arith.index_cast %scan3A_25 : i32 to index
        %swap3A_768 = arith.constant 688 : index
        %swap3A_769 = tpu.vector_load %arg9[%swap3A_767, %swap3A_768] {strides = array<i32>} : memref<64x768xf32, #tpu.memory_space<vmem>>, vector<1x16xf32>,
        %swap3A_770 = vector.shape_cast %swap3A_769 : vector<1x16xf32> to vector<16xf32>
        %swap3A_771 = vector.shape_cast %add3A_766 : vector<16xf32> to vector<1x16xf32>
        tpu.vector_store %arg9[%swap3A_767, %swap3A_768], %swap3A_771 {strides = array<i32>} : memref<64x768xf32, #tpu.memory_space<vmem>>, vector<1x16xf32>,
        %add3A_772 = arith.addf %add3A_755, %add3A_766 : vector<16xf32>
        %mul3A_773 = arith.mulf %add3A_766, %add3A_766 : vector<16xf32>
        %add3A_774 = arith.addf %add3A_757, %mul3A_773 : vector<16xf32>
        %get3A_775 = arith.index_cast %scan3A_25 : i32 to index
        %get3A_776 = arith.constant 704 : index
        %get3A_777 = tpu.vector_load %arg9[%get3A_775, %get3A_776] {strides = array<i32>} : memref<64x768xf32, #tpu.memory_space<vmem>>, vector<1x16xf32>,
        %get3A_778 = vector.shape_cast %get3A_777 : vector<1x16xf32> to vector<16xf32>
        %get3A_779 = arith.index_cast %scan3A_25 : i32 to index
        %get3A_780 = arith.constant 704 : index
        %get3A_781 = tpu.vector_load %arg10[%get3A_779, %get3A_780] {strides = array<i32>} : memref<64x768xf32, #tpu.memory_space<vmem>>, vector<1x16xf32>,
        %get3A_782 = vector.shape_cast %get3A_781 : vector<1x16xf32> to vector<16xf32>
        %add3A_783 = arith.addf %get3A_778, %get3A_782 : vector<16xf32>
        %swap3A_784 = arith.index_cast %scan3A_25 : i32 to index
        %swap3A_785 = arith.constant 704 : index
        %swap3A_786 = tpu.vector_load %arg9[%swap3A_784, %swap3A_785] {strides = array<i32>} : memref<64x768xf32, #tpu.memory_space<vmem>>, vector<1x16xf32>,
        %swap3A_787 = vector.shape_cast %swap3A_786 : vector<1x16xf32> to vector<16xf32>
        %swap3A_788 = vector.shape_cast %add3A_783 : vector<16xf32> to vector<1x16xf32>
        tpu.vector_store %arg9[%swap3A_784, %swap3A_785], %swap3A_788 {strides = array<i32>} : memref<64x768xf32, #tpu.memory_space<vmem>>, vector<1x16xf32>,
        %add3A_789 = arith.addf %add3A_772, %add3A_783 : vector<16xf32>
        %mul3A_790 = arith.mulf %add3A_783, %add3A_783 : vector<16xf32>
        %add3A_791 = arith.addf %add3A_774, %mul3A_790 : vector<16xf32>
        %get3A_792 = arith.index_cast %scan3A_25 : i32 to index
        %get3A_793 = arith.constant 720 : index
        %get3A_794 = tpu.vector_load %arg9[%get3A_792, %get3A_793] {strides = array<i32>} : memref<64x768xf32, #tpu.memory_space<vmem>>, vector<1x16xf32>,
        %get3A_795 = vector.shape_cast %get3A_794 : vector<1x16xf32> to vector<16xf32>
        %get3A_796 = arith.index_cast %scan3A_25 : i32 to index
        %get3A_797 = arith.constant 720 : index
        %get3A_798 = tpu.vector_load %arg10[%get3A_796, %get3A_797] {strides = array<i32>} : memref<64x768xf32, #tpu.memory_space<vmem>>, vector<1x16xf32>,
        %get3A_799 = vector.shape_cast %get3A_798 : vector<1x16xf32> to vector<16xf32>
        %add3A_800 = arith.addf %get3A_795, %get3A_799 : vector<16xf32>
        %swap3A_801 = arith.index_cast %scan3A_25 : i32 to index
        %swap3A_802 = arith.constant 720 : index
        %swap3A_803 = tpu.vector_load %arg9[%swap3A_801, %swap3A_802] {strides = array<i32>} : memref<64x768xf32, #tpu.memory_space<vmem>>, vector<1x16xf32>,
        %swap3A_804 = vector.shape_cast %swap3A_803 : vector<1x16xf32> to vector<16xf32>
        %swap3A_805 = vector.shape_cast %add3A_800 : vector<16xf32> to vector<1x16xf32>
        tpu.vector_store %arg9[%swap3A_801, %swap3A_802], %swap3A_805 {strides = array<i32>} : memref<64x768xf32, #tpu.memory_space<vmem>>, vector<1x16xf32>,
        %add3A_806 = arith.addf %add3A_789, %add3A_800 : vector<16xf32>
        %mul3A_807 = arith.mulf %add3A_800, %add3A_800 : vector<16xf32>
        %add3A_808 = arith.addf %add3A_791, %mul3A_807 : vector<16xf32>
        %get3A_809 = arith.index_cast %scan3A_25 : i32 to index
        %get3A_810 = arith.constant 736 : index
        %get3A_811 = tpu.vector_load %arg9[%get3A_809, %get3A_810] {strides = array<i32>} : memref<64x768xf32, #tpu.memory_space<vmem>>, vector<1x16xf32>,
        %get3A_812 = vector.shape_cast %get3A_811 : vector<1x16xf32> to vector<16xf32>
        %get3A_813 = arith.index_cast %scan3A_25 : i32 to index
        %get3A_814 = arith.constant 736 : index
        %get3A_815 = tpu.vector_load %arg10[%get3A_813, %get3A_814] {strides = array<i32>} : memref<64x768xf32, #tpu.memory_space<vmem>>, vector<1x16xf32>,
        %get3A_816 = vector.shape_cast %get3A_815 : vector<1x16xf32> to vector<16xf32>
        %add3A_817 = arith.addf %get3A_812, %get3A_816 : vector<16xf32>
        %swap3A_818 = arith.index_cast %scan3A_25 : i32 to index
        %swap3A_819 = arith.constant 736 : index
        %swap3A_820 = tpu.vector_load %arg9[%swap3A_818, %swap3A_819] {strides = array<i32>} : memref<64x768xf32, #tpu.memory_space<vmem>>, vector<1x16xf32>,
        %swap3A_821 = vector.shape_cast %swap3A_820 : vector<1x16xf32> to vector<16xf32>
        %swap3A_822 = vector.shape_cast %add3A_817 : vector<16xf32> to vector<1x16xf32>
        tpu.vector_store %arg9[%swap3A_818, %swap3A_819], %swap3A_822 {strides = array<i32>} : memref<64x768xf32, #tpu.memory_space<vmem>>, vector<1x16xf32>,
        %add3A_823 = arith.addf %add3A_806, %add3A_817 : vector<16xf32>
        %mul3A_824 = arith.mulf %add3A_817, %add3A_817 : vector<16xf32>
        %add3A_825 = arith.addf %add3A_808, %mul3A_824 : vector<16xf32>
        %get3A_826 = arith.index_cast %scan3A_25 : i32 to index
        %get3A_827 = arith.constant 752 : index
        %get3A_828 = tpu.vector_load %arg9[%get3A_826, %get3A_827] {strides = array<i32>} : memref<64x768xf32, #tpu.memory_space<vmem>>, vector<1x16xf32>,
        %get3A_829 = vector.shape_cast %get3A_828 : vector<1x16xf32> to vector<16xf32>
        %get3A_830 = arith.index_cast %scan3A_25 : i32 to index
        %get3A_831 = arith.constant 752 : index
        %get3A_832 = tpu.vector_load %arg10[%get3A_830, %get3A_831] {strides = array<i32>} : memref<64x768xf32, #tpu.memory_space<vmem>>, vector<1x16xf32>,
        %get3A_833 = vector.shape_cast %get3A_832 : vector<1x16xf32> to vector<16xf32>
        %add3A_834 = arith.addf %get3A_829, %get3A_833 : vector<16xf32>
        %swap3A_835 = arith.index_cast %scan3A_25 : i32 to index
        %swap3A_836 = arith.constant 752 : index
        %swap3A_837 = tpu.vector_load %arg9[%swap3A_835, %swap3A_836] {strides = array<i32>} : memref<64x768xf32, #tpu.memory_space<vmem>>, vector<1x16xf32>,
        %swap3A_838 = vector.shape_cast %swap3A_837 : vector<1x16xf32> to vector<16xf32>
        %swap3A_839 = vector.shape_cast %add3A_834 : vector<16xf32> to vector<1x16xf32>
        tpu.vector_store %arg9[%swap3A_835, %swap3A_836], %swap3A_839 {strides = array<i32>} : memref<64x768xf32, #tpu.memory_space<vmem>>, vector<1x16xf32>,
        %add3A_840 = arith.addf %add3A_823, %add3A_834 : vector<16xf32>
        %mul3A_841 = arith.mulf %add3A_834, %add3A_834 : vector<16xf32>
        %add3A_842 = arith.addf %add3A_825, %mul3A_841 : vector<16xf32>
        %slice3A = vector.extract_strided_slice %add3A_840 {offsets = [0], sizes = [1], strides = [1]} : vector<16xf32> to vector<1xf32>
        %squeeze3A = vector.extract %slice3A[0] : f32 from vector<1xf32>
        %slice3A_843 = vector.extract_strided_slice %add3A_840 {offsets = [1], sizes = [1], strides = [1]} : vector<16xf32> to vector<1xf32>
        %squeeze3A_844 = vector.extract %slice3A_843[0] : f32 from vector<1xf32>
        %slice3A_845 = vector.extract_strided_slice %add3A_840 {offsets = [2], sizes = [1], strides = [1]} : vector<16xf32> to vector<1xf32>
        %squeeze3A_846 = vector.extract %slice3A_845[0] : f32 from vector<1xf32>
        %slice3A_847 = vector.extract_strided_slice %add3A_840 {offsets = [3], sizes = [1], strides = [1]} : vector<16xf32> to vector<1xf32>
        %squeeze3A_848 = vector.extract %slice3A_847[0] : f32 from vector<1xf32>
        %slice3A_849 = vector.extract_strided_slice %add3A_840 {offsets = [4], sizes = [1], strides = [1]} : vector<16xf32> to vector<1xf32>
        %squeeze3A_850 = vector.extract %slice3A_849[0] : f32 from vector<1xf32>
        %slice3A_851 = vector.extract_strided_slice %add3A_840 {offsets = [5], sizes = [1], strides = [1]} : vector<16xf32> to vector<1xf32>
        %squeeze3A_852 = vector.extract %slice3A_851[0] : f32 from vector<1xf32>
        %slice3A_853 = vector.extract_strided_slice %add3A_840 {offsets = [6], sizes = [1], strides = [1]} : vector<16xf32> to vector<1xf32>
        %squeeze3A_854 = vector.extract %slice3A_853[0] : f32 from vector<1xf32>
        %slice3A_855 = vector.extract_strided_slice %add3A_840 {offsets = [7], sizes = [1], strides = [1]} : vector<16xf32> to vector<1xf32>
        %squeeze3A_856 = vector.extract %slice3A_855[0] : f32 from vector<1xf32>
        %slice3A_857 = vector.extract_strided_slice %add3A_840 {offsets = [8], sizes = [1], strides = [1]} : vector<16xf32> to vector<1xf32>
        %squeeze3A_858 = vector.extract %slice3A_857[0] : f32 from vector<1xf32>
        %slice3A_859 = vector.extract_strided_slice %add3A_840 {offsets = [9], sizes = [1], strides = [1]} : vector<16xf32> to vector<1xf32>
        %squeeze3A_860 = vector.extract %slice3A_859[0] : f32 from vector<1xf32>
        %slice3A_861 = vector.extract_strided_slice %add3A_840 {offsets = [10], sizes = [1], strides = [1]} : vector<16xf32> to vector<1xf32>
        %squeeze3A_862 = vector.extract %slice3A_861[0] : f32 from vector<1xf32>
        %slice3A_863 = vector.extract_strided_slice %add3A_840 {offsets = [11], sizes = [1], strides = [1]} : vector<16xf32> to vector<1xf32>
        %squeeze3A_864 = vector.extract %slice3A_863[0] : f32 from vector<1xf32>
        %slice3A_865 = vector.extract_strided_slice %add3A_840 {offsets = [12], sizes = [1], strides = [1]} : vector<16xf32> to vector<1xf32>
        %squeeze3A_866 = vector.extract %slice3A_865[0] : f32 from vector<1xf32>
        %slice3A_867 = vector.extract_strided_slice %add3A_840 {offsets = [13], sizes = [1], strides = [1]} : vector<16xf32> to vector<1xf32>
        %squeeze3A_868 = vector.extract %slice3A_867[0] : f32 from vector<1xf32>
        %slice3A_869 = vector.extract_strided_slice %add3A_840 {offsets = [14], sizes = [1], strides = [1]} : vector<16xf32> to vector<1xf32>
        %squeeze3A_870 = vector.extract %slice3A_869[0] : f32 from vector<1xf32>
        %slice3A_871 = vector.extract_strided_slice %add3A_840 {offsets = [15], sizes = [1], strides = [1]} : vector<16xf32> to vector<1xf32>
        %squeeze3A_872 = vector.extract %slice3A_871[0] : f32 from vector<1xf32>
        %add3A_873 = arith.addf %squeeze3A, %squeeze3A_844 : f32
        %add3A_874 = arith.addf %squeeze3A_846, %squeeze3A_848 : f32
        %add3A_875 = arith.addf %squeeze3A_850, %squeeze3A_852 : f32
        %add3A_876 = arith.addf %squeeze3A_854, %squeeze3A_856 : f32
        %add3A_877 = arith.addf %squeeze3A_858, %squeeze3A_860 : f32
        %add3A_878 = arith.addf %squeeze3A_862, %squeeze3A_864 : f32
        %add3A_879 = arith.addf %squeeze3A_866, %squeeze3A_868 : f32
        %add3A_880 = arith.addf %squeeze3A_870, %squeeze3A_872 : f32
        %add3A_881 = arith.addf %add3A_873, %add3A_874 : f32
        %add3A_882 = arith.addf %add3A_875, %add3A_876 : f32
        %add3A_883 = arith.addf %add3A_877, %add3A_878 : f32
        %add3A_884 = arith.addf %add3A_879, %add3A_880 : f32
        %add3A_885 = arith.addf %add3A_881, %add3A_882 : f32
        %add3A_886 = arith.addf %add3A_883, %add3A_884 : f32
        %add3A_887 = arith.addf %add3A_885, %add3A_886 : f32
        %mul3A_888 = arith.constant 0.00130208337 : f32
        %mul3A_889 = arith.mulf %add3A_887, %mul3A_888 : f32
        %slice3A_890 = vector.extract_strided_slice %add3A_842 {offsets = [0], sizes = [1], strides = [1]} : vector<16xf32> to vector<1xf32>
        %squeeze3A_891 = vector.extract %slice3A_890[0] : f32 from vector<1xf32>
        %slice3A_892 = vector.extract_strided_slice %add3A_842 {offsets = [1], sizes = [1], strides = [1]} : vector<16xf32> to vector<1xf32>
        %squeeze3A_893 = vector.extract %slice3A_892[0] : f32 from vector<1xf32>
        %slice3A_894 = vector.extract_strided_slice %add3A_842 {offsets = [2], sizes = [1], strides = [1]} : vector<16xf32> to vector<1xf32>
        %squeeze3A_895 = vector.extract %slice3A_894[0] : f32 from vector<1xf32>
        %slice3A_896 = vector.extract_strided_slice %add3A_842 {offsets = [3], sizes = [1], strides = [1]} : vector<16xf32> to vector<1xf32>
        %squeeze3A_897 = vector.extract %slice3A_896[0] : f32 from vector<1xf32>
        %slice3A_898 = vector.extract_strided_slice %add3A_842 {offsets = [4], sizes = [1], strides = [1]} : vector<16xf32> to vector<1xf32>
        %squeeze3A_899 = vector.extract %slice3A_898[0] : f32 from vector<1xf32>
        %slice3A_900 = vector.extract_strided_slice %add3A_842 {offsets = [5], sizes = [1], strides = [1]} : vector<16xf32> to vector<1xf32>
        %squeeze3A_901 = vector.extract %slice3A_900[0] : f32 from vector<1xf32>
        %slice3A_902 = vector.extract_strided_slice %add3A_842 {offsets = [6], sizes = [1], strides = [1]} : vector<16xf32> to vector<1xf32>
        %squeeze3A_903 = vector.extract %slice3A_902[0] : f32 from vector<1xf32>
        %slice3A_904 = vector.extract_strided_slice %add3A_842 {offsets = [7], sizes = [1], strides = [1]} : vector<16xf32> to vector<1xf32>
        %squeeze3A_905 = vector.extract %slice3A_904[0] : f32 from vector<1xf32>
        %slice3A_906 = vector.extract_strided_slice %add3A_842 {offsets = [8], sizes = [1], strides = [1]} : vector<16xf32> to vector<1xf32>
        %squeeze3A_907 = vector.extract %slice3A_906[0] : f32 from vector<1xf32>
        %slice3A_908 = vector.extract_strided_slice %add3A_842 {offsets = [9], sizes = [1], strides = [1]} : vector<16xf32> to vector<1xf32>
        %squeeze3A_909 = vector.extract %slice3A_908[0] : f32 from vector<1xf32>
        %slice3A_910 = vector.extract_strided_slice %add3A_842 {offsets = [10], sizes = [1], strides = [1]} : vector<16xf32> to vector<1xf32>
        %squeeze3A_911 = vector.extract %slice3A_910[0] : f32 from vector<1xf32>
        %slice3A_912 = vector.extract_strided_slice %add3A_842 {offsets = [11], sizes = [1], strides = [1]} : vector<16xf32> to vector<1xf32>
        %squeeze3A_913 = vector.extract %slice3A_912[0] : f32 from vector<1xf32>
        %slice3A_914 = vector.extract_strided_slice %add3A_842 {offsets = [12], sizes = [1], strides = [1]} : vector<16xf32> to vector<1xf32>
        %squeeze3A_915 = vector.extract %slice3A_914[0] : f32 from vector<1xf32>
        %slice3A_916 = vector.extract_strided_slice %add3A_842 {offsets = [13], sizes = [1], strides = [1]} : vector<16xf32> to vector<1xf32>
        %squeeze3A_917 = vector.extract %slice3A_916[0] : f32 from vector<1xf32>
        %slice3A_918 = vector.extract_strided_slice %add3A_842 {offsets = [14], sizes = [1], strides = [1]} : vector<16xf32> to vector<1xf32>
        %squeeze3A_919 = vector.extract %slice3A_918[0] : f32 from vector<1xf32>
        %slice3A_920 = vector.extract_strided_slice %add3A_842 {offsets = [15], sizes = [1], strides = [1]} : vector<16xf32> to vector<1xf32>
        %squeeze3A_921 = vector.extract %slice3A_920[0] : f32 from vector<1xf32>
        %add3A_922 = arith.addf %squeeze3A_891, %squeeze3A_893 : f32
        %add3A_923 = arith.addf %squeeze3A_895, %squeeze3A_897 : f32
        %add3A_924 = arith.addf %squeeze3A_899, %squeeze3A_901 : f32
        %add3A_925 = arith.addf %squeeze3A_903, %squeeze3A_905 : f32
        %add3A_926 = arith.addf %squeeze3A_907, %squeeze3A_909 : f32
        %add3A_927 = arith.addf %squeeze3A_911, %squeeze3A_913 : f32
        %add3A_928 = arith.addf %squeeze3A_915, %squeeze3A_917 : f32
        %add3A_929 = arith.addf %squeeze3A_919, %squeeze3A_921 : f32
        %add3A_930 = arith.addf %add3A_922, %add3A_923 : f32
        %add3A_931 = arith.addf %add3A_924, %add3A_925 : f32
        %add3A_932 = arith.addf %add3A_926, %add3A_927 : f32
        %add3A_933 = arith.addf %add3A_928, %add3A_929 : f32
        %add3A_934 = arith.addf %add3A_930, %add3A_931 : f32
        %add3A_935 = arith.addf %add3A_932, %add3A_933 : f32
        %add3A_936 = arith.addf %add3A_934, %add3A_935 : f32
        %mul3A_937 = arith.constant 0.00130208337 : f32
        %mul3A_938 = arith.mulf %add3A_936, %mul3A_937 : f32
        %mul3A_939 = arith.mulf %mul3A_889, %mul3A_889 : f32
        %sub3A = arith.subf %mul3A_938, %mul3A_939 : f32
        %broadcast_in_dim3A_940 = vector.broadcast %mul3A_889 : f32 to vector<16xf32>
        %add3A_941 = arith.constant 9.99999974E-6 : f32
        %add3A_942 = arith.addf %sub3A, %add3A_941 : f32
        %bitcast_convert_type3A = arith.bitcast %add3A_942 : f32 to i32
        %shift_right_arithmetic3A = arith.constant 1 : i32
        %shift_right_arithmetic3A_943 = arith.shrsi %bitcast_convert_type3A, %shift_right_arithmetic3A : i32
        %sub3A_944 = arith.constant 1597463007 : i32
        %sub3A_945 = arith.subi %sub3A_944, %shift_right_arithmetic3A_943 : i32
        %bitcast_convert_type3A_946 = arith.bitcast %sub3A_945 : i32 to f32
        %mul3A_947 = arith.constant 5.000000e-01 : f32
        %mul3A_948 = arith.mulf %mul3A_947, %add3A_942 : f32
        %mul3A_949 = arith.mulf %mul3A_948, %bitcast_convert_type3A_946 : f32
        %mul3A_950 = arith.mulf %mul3A_949, %bitcast_convert_type3A_946 : f32
        %sub3A_951 = arith.constant 1.500000e+00 : f32
        %sub3A_952 = arith.subf %sub3A_951, %mul3A_950 : f32
        %mul3A_953 = arith.mulf %bitcast_convert_type3A_946, %sub3A_952 : f32
        %mul3A_954 = arith.constant 5.000000e-01 : f32
        %mul3A_955 = arith.mulf %mul3A_954, %add3A_942 : f32
        %mul3A_956 = arith.mulf %mul3A_955, %mul3A_953 : f32
        %mul3A_957 = arith.mulf %mul3A_956, %mul3A_953 : f32
        %sub3A_958 = arith.constant 1.500000e+00 : f32
        %sub3A_959 = arith.subf %sub3A_958, %mul3A_957 : f32
        %mul3A_960 = arith.mulf %mul3A_953, %sub3A_959 : f32
        %mul3A_961 = arith.constant 5.000000e-01 : f32
        %mul3A_962 = arith.mulf %mul3A_961, %add3A_942 : f32
        %mul3A_963 = arith.mulf %mul3A_962, %mul3A_960 : f32
        %mul3A_964 = arith.mulf %mul3A_963, %mul3A_960 : f32
        %sub3A_965 = arith.constant 1.500000e+00 : f32
        %sub3A_966 = arith.subf %sub3A_965, %mul3A_964 : f32
        %mul3A_967 = arith.mulf %mul3A_960, %sub3A_966 : f32
        %mul3A_968 = arith.constant 5.000000e-01 : f32
        %mul3A_969 = arith.mulf %mul3A_968, %add3A_942 : f32
        %mul3A_970 = arith.mulf %mul3A_969, %mul3A_967 : f32
        %mul3A_971 = arith.mulf %mul3A_970, %mul3A_967 : f32
        %sub3A_972 = arith.constant 1.500000e+00 : f32
        %sub3A_973 = arith.subf %sub3A_972, %mul3A_971 : f32
        %mul3A_974 = arith.mulf %mul3A_967, %sub3A_973 : f32
        %broadcast_in_dim3A_975 = vector.broadcast %mul3A_974 : f32 to vector<16xf32>
        %get3A_976 = arith.index_cast %scan3A_25 : i32 to index
        %get3A_977 = arith.constant 0 : index
        %get3A_978 = tpu.vector_load %arg9[%get3A_976, %get3A_977] {strides = array<i32>} : memref<64x768xf32, #tpu.memory_space<vmem>>, vector<1x16xf32>,
        %get3A_979 = vector.shape_cast %get3A_978 : vector<1x16xf32> to vector<16xf32>
        %sub3A_980 = arith.subf %get3A_979, %broadcast_in_dim3A_940 : vector<16xf32>
        %mul3A_981 = arith.mulf %sub3A_980, %broadcast_in_dim3A_975 : vector<16xf32>
        %get3A_982 = arith.constant 0 : index
        %get3A_983 = tpu.vector_load %arg11[%get3A_982] {strides = array<i32>} : memref<768xf32, #tpu.memory_space<vmem>>, vector<16xf32>,
        %get3A_984 = vector.shape_cast %get3A_983 : vector<16xf32> to vector<16xf32>
        %mul3A_985 = arith.mulf %mul3A_981, %get3A_984 : vector<16xf32>
        %get3A_986 = arith.constant 0 : index
        %get3A_987 = tpu.vector_load %arg12[%get3A_986] {strides = array<i32>} : memref<768xf32, #tpu.memory_space<vmem>>, vector<16xf32>,
        %get3A_988 = vector.shape_cast %get3A_987 : vector<16xf32> to vector<16xf32>
        %add3A_989 = arith.addf %mul3A_985, %get3A_988 : vector<16xf32>
        %swap3A_990 = arith.index_cast %scan3A_25 : i32 to index
        %swap3A_991 = arith.constant 0 : index
        %swap3A_992 = tpu.vector_load %arg9[%swap3A_990, %swap3A_991] {strides = array<i32>} : memref<64x768xf32, #tpu.memory_space<vmem>>, vector<1x16xf32>,
        %swap3A_993 = vector.shape_cast %swap3A_992 : vector<1x16xf32> to vector<16xf32>
        %swap3A_994 = vector.shape_cast %add3A_989 : vector<16xf32> to vector<1x16xf32>
        tpu.vector_store %arg9[%swap3A_990, %swap3A_991], %swap3A_994 {strides = array<i32>} : memref<64x768xf32, #tpu.memory_space<vmem>>, vector<1x16xf32>,
        %get3A_995 = arith.index_cast %scan3A_25 : i32 to index
        %get3A_996 = arith.constant 16 : index
        %get3A_997 = tpu.vector_load %arg9[%get3A_995, %get3A_996] {strides = array<i32>} : memref<64x768xf32, #tpu.memory_space<vmem>>, vector<1x16xf32>,
        %get3A_998 = vector.shape_cast %get3A_997 : vector<1x16xf32> to vector<16xf32>
        %sub3A_999 = arith.subf %get3A_998, %broadcast_in_dim3A_940 : vector<16xf32>
        %mul3A_1000 = arith.mulf %sub3A_999, %broadcast_in_dim3A_975 : vector<16xf32>
        %get3A_1001 = arith.constant 16 : index
        %get3A_1002 = tpu.vector_load %arg11[%get3A_1001] {strides = array<i32>} : memref<768xf32, #tpu.memory_space<vmem>>, vector<16xf32>,
        %get3A_1003 = vector.shape_cast %get3A_1002 : vector<16xf32> to vector<16xf32>
        %mul3A_1004 = arith.mulf %mul3A_1000, %get3A_1003 : vector<16xf32>
        %get3A_1005 = arith.constant 16 : index
        %get3A_1006 = tpu.vector_load %arg12[%get3A_1005] {strides = array<i32>} : memref<768xf32, #tpu.memory_space<vmem>>, vector<16xf32>,
        %get3A_1007 = vector.shape_cast %get3A_1006 : vector<16xf32> to vector<16xf32>
        %add3A_1008 = arith.addf %mul3A_1004, %get3A_1007 : vector<16xf32>
        %swap3A_1009 = arith.index_cast %scan3A_25 : i32 to index
        %swap3A_1010 = arith.constant 16 : index
        %swap3A_1011 = tpu.vector_load %arg9[%swap3A_1009, %swap3A_1010] {strides = array<i32>} : memref<64x768xf32, #tpu.memory_space<vmem>>, vector<1x16xf32>,
        %swap3A_1012 = vector.shape_cast %swap3A_1011 : vector<1x16xf32> to vector<16xf32>
        %swap3A_1013 = vector.shape_cast %add3A_1008 : vector<16xf32> to vector<1x16xf32>
        tpu.vector_store %arg9[%swap3A_1009, %swap3A_1010], %swap3A_1013 {strides = array<i32>} : memref<64x768xf32, #tpu.memory_space<vmem>>, vector<1x16xf32>,
        %get3A_1014 = arith.index_cast %scan3A_25 : i32 to index
        %get3A_1015 = arith.constant 32 : index
        %get3A_1016 = tpu.vector_load %arg9[%get3A_1014, %get3A_1015] {strides = array<i32>} : memref<64x768xf32, #tpu.memory_space<vmem>>, vector<1x16xf32>,
        %get3A_1017 = vector.shape_cast %get3A_1016 : vector<1x16xf32> to vector<16xf32>
        %sub3A_1018 = arith.subf %get3A_1017, %broadcast_in_dim3A_940 : vector<16xf32>
        %mul3A_1019 = arith.mulf %sub3A_1018, %broadcast_in_dim3A_975 : vector<16xf32>
        %get3A_1020 = arith.constant 32 : index
        %get3A_1021 = tpu.vector_load %arg11[%get3A_1020] {strides = array<i32>} : memref<768xf32, #tpu.memory_space<vmem>>, vector<16xf32>,
        %get3A_1022 = vector.shape_cast %get3A_1021 : vector<16xf32> to vector<16xf32>
        %mul3A_1023 = arith.mulf %mul3A_1019, %get3A_1022 : vector<16xf32>
        %get3A_1024 = arith.constant 32 : index
        %get3A_1025 = tpu.vector_load %arg12[%get3A_1024] {strides = array<i32>} : memref<768xf32, #tpu.memory_space<vmem>>, vector<16xf32>,
        %get3A_1026 = vector.shape_cast %get3A_1025 : vector<16xf32> to vector<16xf32>
        %add3A_1027 = arith.addf %mul3A_1023, %get3A_1026 : vector<16xf32>
        %swap3A_1028 = arith.index_cast %scan3A_25 : i32 to index
        %swap3A_1029 = arith.constant 32 : index
        %swap3A_1030 = tpu.vector_load %arg9[%swap3A_1028, %swap3A_1029] {strides = array<i32>} : memref<64x768xf32, #tpu.memory_space<vmem>>, vector<1x16xf32>,
        %swap3A_1031 = vector.shape_cast %swap3A_1030 : vector<1x16xf32> to vector<16xf32>
        %swap3A_1032 = vector.shape_cast %add3A_1027 : vector<16xf32> to vector<1x16xf32>
        tpu.vector_store %arg9[%swap3A_1028, %swap3A_1029], %swap3A_1032 {strides = array<i32>} : memref<64x768xf32, #tpu.memory_space<vmem>>, vector<1x16xf32>,
        %get3A_1033 = arith.index_cast %scan3A_25 : i32 to index
        %get3A_1034 = arith.constant 48 : index
        %get3A_1035 = tpu.vector_load %arg9[%get3A_1033, %get3A_1034] {strides = array<i32>} : memref<64x768xf32, #tpu.memory_space<vmem>>, vector<1x16xf32>,
        %get3A_1036 = vector.shape_cast %get3A_1035 : vector<1x16xf32> to vector<16xf32>
        %sub3A_1037 = arith.subf %get3A_1036, %broadcast_in_dim3A_940 : vector<16xf32>
        %mul3A_1038 = arith.mulf %sub3A_1037, %broadcast_in_dim3A_975 : vector<16xf32>
        %get3A_1039 = arith.constant 48 : index
        %get3A_1040 = tpu.vector_load %arg11[%get3A_1039] {strides = array<i32>} : memref<768xf32, #tpu.memory_space<vmem>>, vector<16xf32>,
        %get3A_1041 = vector.shape_cast %get3A_1040 : vector<16xf32> to vector<16xf32>
        %mul3A_1042 = arith.mulf %mul3A_1038, %get3A_1041 : vector<16xf32>
        %get3A_1043 = arith.constant 48 : index
        %get3A_1044 = tpu.vector_load %arg12[%get3A_1043] {strides = array<i32>} : memref<768xf32, #tpu.memory_space<vmem>>, vector<16xf32>,
        %get3A_1045 = vector.shape_cast %get3A_1044 : vector<16xf32> to vector<16xf32>
        %add3A_1046 = arith.addf %mul3A_1042, %get3A_1045 : vector<16xf32>
        %swap3A_1047 = arith.index_cast %scan3A_25 : i32 to index
        %swap3A_1048 = arith.constant 48 : index
        %swap3A_1049 = tpu.vector_load %arg9[%swap3A_1047, %swap3A_1048] {strides = array<i32>} : memref<64x768xf32, #tpu.memory_space<vmem>>, vector<1x16xf32>,
        %swap3A_1050 = vector.shape_cast %swap3A_1049 : vector<1x16xf32> to vector<16xf32>
        %swap3A_1051 = vector.shape_cast %add3A_1046 : vector<16xf32> to vector<1x16xf32>
        tpu.vector_store %arg9[%swap3A_1047, %swap3A_1048], %swap3A_1051 {strides = array<i32>} : memref<64x768xf32, #tpu.memory_space<vmem>>, vector<1x16xf32>,
        %get3A_1052 = arith.index_cast %scan3A_25 : i32 to index
        %get3A_1053 = arith.constant 64 : index
        %get3A_1054 = tpu.vector_load %arg9[%get3A_1052, %get3A_1053] {strides = array<i32>} : memref<64x768xf32, #tpu.memory_space<vmem>>, vector<1x16xf32>,
        %get3A_1055 = vector.shape_cast %get3A_1054 : vector<1x16xf32> to vector<16xf32>
        %sub3A_1056 = arith.subf %get3A_1055, %broadcast_in_dim3A_940 : vector<16xf32>
        %mul3A_1057 = arith.mulf %sub3A_1056, %broadcast_in_dim3A_975 : vector<16xf32>
        %get3A_1058 = arith.constant 64 : index
        %get3A_1059 = tpu.vector_load %arg11[%get3A_1058] {strides = array<i32>} : memref<768xf32, #tpu.memory_space<vmem>>, vector<16xf32>,
        %get3A_1060 = vector.shape_cast %get3A_1059 : vector<16xf32> to vector<16xf32>
        %mul3A_1061 = arith.mulf %mul3A_1057, %get3A_1060 : vector<16xf32>
        %get3A_1062 = arith.constant 64 : index
        %get3A_1063 = tpu.vector_load %arg12[%get3A_1062] {strides = array<i32>} : memref<768xf32, #tpu.memory_space<vmem>>, vector<16xf32>,
        %get3A_1064 = vector.shape_cast %get3A_1063 : vector<16xf32> to vector<16xf32>
        %add3A_1065 = arith.addf %mul3A_1061, %get3A_1064 : vector<16xf32>
        %swap3A_1066 = arith.index_cast %scan3A_25 : i32 to index
        %swap3A_1067 = arith.constant 64 : index
        %swap3A_1068 = tpu.vector_load %arg9[%swap3A_1066, %swap3A_1067] {strides = array<i32>} : memref<64x768xf32, #tpu.memory_space<vmem>>, vector<1x16xf32>,
        %swap3A_1069 = vector.shape_cast %swap3A_1068 : vector<1x16xf32> to vector<16xf32>
        %swap3A_1070 = vector.shape_cast %add3A_1065 : vector<16xf32> to vector<1x16xf32>
        tpu.vector_store %arg9[%swap3A_1066, %swap3A_1067], %swap3A_1070 {strides = array<i32>} : memref<64x768xf32, #tpu.memory_space<vmem>>, vector<1x16xf32>,
        %get3A_1071 = arith.index_cast %scan3A_25 : i32 to index
        %get3A_1072 = arith.constant 80 : index
        %get3A_1073 = tpu.vector_load %arg9[%get3A_1071, %get3A_1072] {strides = array<i32>} : memref<64x768xf32, #tpu.memory_space<vmem>>, vector<1x16xf32>,
        %get3A_1074 = vector.shape_cast %get3A_1073 : vector<1x16xf32> to vector<16xf32>
        %sub3A_1075 = arith.subf %get3A_1074, %broadcast_in_dim3A_940 : vector<16xf32>
        %mul3A_1076 = arith.mulf %sub3A_1075, %broadcast_in_dim3A_975 : vector<16xf32>
        %get3A_1077 = arith.constant 80 : index
        %get3A_1078 = tpu.vector_load %arg11[%get3A_1077] {strides = array<i32>} : memref<768xf32, #tpu.memory_space<vmem>>, vector<16xf32>,
        %get3A_1079 = vector.shape_cast %get3A_1078 : vector<16xf32> to vector<16xf32>
        %mul3A_1080 = arith.mulf %mul3A_1076, %get3A_1079 : vector<16xf32>
        %get3A_1081 = arith.constant 80 : index
        %get3A_1082 = tpu.vector_load %arg12[%get3A_1081] {strides = array<i32>} : memref<768xf32, #tpu.memory_space<vmem>>, vector<16xf32>,
        %get3A_1083 = vector.shape_cast %get3A_1082 : vector<16xf32> to vector<16xf32>
        %add3A_1084 = arith.addf %mul3A_1080, %get3A_1083 : vector<16xf32>
        %swap3A_1085 = arith.index_cast %scan3A_25 : i32 to index
        %swap3A_1086 = arith.constant 80 : index
        %swap3A_1087 = tpu.vector_load %arg9[%swap3A_1085, %swap3A_1086] {strides = array<i32>} : memref<64x768xf32, #tpu.memory_space<vmem>>, vector<1x16xf32>,
        %swap3A_1088 = vector.shape_cast %swap3A_1087 : vector<1x16xf32> to vector<16xf32>
        %swap3A_1089 = vector.shape_cast %add3A_1084 : vector<16xf32> to vector<1x16xf32>
        tpu.vector_store %arg9[%swap3A_1085, %swap3A_1086], %swap3A_1089 {strides = array<i32>} : memref<64x768xf32, #tpu.memory_space<vmem>>, vector<1x16xf32>,
        %get3A_1090 = arith.index_cast %scan3A_25 : i32 to index
        %get3A_1091 = arith.constant 96 : index
        %get3A_1092 = tpu.vector_load %arg9[%get3A_1090, %get3A_1091] {strides = array<i32>} : memref<64x768xf32, #tpu.memory_space<vmem>>, vector<1x16xf32>,
        %get3A_1093 = vector.shape_cast %get3A_1092 : vector<1x16xf32> to vector<16xf32>
        %sub3A_1094 = arith.subf %get3A_1093, %broadcast_in_dim3A_940 : vector<16xf32>
        %mul3A_1095 = arith.mulf %sub3A_1094, %broadcast_in_dim3A_975 : vector<16xf32>
        %get3A_1096 = arith.constant 96 : index
        %get3A_1097 = tpu.vector_load %arg11[%get3A_1096] {strides = array<i32>} : memref<768xf32, #tpu.memory_space<vmem>>, vector<16xf32>,
        %get3A_1098 = vector.shape_cast %get3A_1097 : vector<16xf32> to vector<16xf32>
        %mul3A_1099 = arith.mulf %mul3A_1095, %get3A_1098 : vector<16xf32>
        %get3A_1100 = arith.constant 96 : index
        %get3A_1101 = tpu.vector_load %arg12[%get3A_1100] {strides = array<i32>} : memref<768xf32, #tpu.memory_space<vmem>>, vector<16xf32>,
        %get3A_1102 = vector.shape_cast %get3A_1101 : vector<16xf32> to vector<16xf32>
        %add3A_1103 = arith.addf %mul3A_1099, %get3A_1102 : vector<16xf32>
        %swap3A_1104 = arith.index_cast %scan3A_25 : i32 to index
        %swap3A_1105 = arith.constant 96 : index
        %swap3A_1106 = tpu.vector_load %arg9[%swap3A_1104, %swap3A_1105] {strides = array<i32>} : memref<64x768xf32, #tpu.memory_space<vmem>>, vector<1x16xf32>,
        %swap3A_1107 = vector.shape_cast %swap3A_1106 : vector<1x16xf32> to vector<16xf32>
        %swap3A_1108 = vector.shape_cast %add3A_1103 : vector<16xf32> to vector<1x16xf32>
        tpu.vector_store %arg9[%swap3A_1104, %swap3A_1105], %swap3A_1108 {strides = array<i32>} : memref<64x768xf32, #tpu.memory_space<vmem>>, vector<1x16xf32>,
        %get3A_1109 = arith.index_cast %scan3A_25 : i32 to index
        %get3A_1110 = arith.constant 112 : index
        %get3A_1111 = tpu.vector_load %arg9[%get3A_1109, %get3A_1110] {strides = array<i32>} : memref<64x768xf32, #tpu.memory_space<vmem>>, vector<1x16xf32>,
        %get3A_1112 = vector.shape_cast %get3A_1111 : vector<1x16xf32> to vector<16xf32>
        %sub3A_1113 = arith.subf %get3A_1112, %broadcast_in_dim3A_940 : vector<16xf32>
        %mul3A_1114 = arith.mulf %sub3A_1113, %broadcast_in_dim3A_975 : vector<16xf32>
        %get3A_1115 = arith.constant 112 : index
        %get3A_1116 = tpu.vector_load %arg11[%get3A_1115] {strides = array<i32>} : memref<768xf32, #tpu.memory_space<vmem>>, vector<16xf32>,
        %get3A_1117 = vector.shape_cast %get3A_1116 : vector<16xf32> to vector<16xf32>
        %mul3A_1118 = arith.mulf %mul3A_1114, %get3A_1117 : vector<16xf32>
        %get3A_1119 = arith.constant 112 : index
        %get3A_1120 = tpu.vector_load %arg12[%get3A_1119] {strides = array<i32>} : memref<768xf32, #tpu.memory_space<vmem>>, vector<16xf32>,
        %get3A_1121 = vector.shape_cast %get3A_1120 : vector<16xf32> to vector<16xf32>
        %add3A_1122 = arith.addf %mul3A_1118, %get3A_1121 : vector<16xf32>
        %swap3A_1123 = arith.index_cast %scan3A_25 : i32 to index
        %swap3A_1124 = arith.constant 112 : index
        %swap3A_1125 = tpu.vector_load %arg9[%swap3A_1123, %swap3A_1124] {strides = array<i32>} : memref<64x768xf32, #tpu.memory_space<vmem>>, vector<1x16xf32>,
        %swap3A_1126 = vector.shape_cast %swap3A_1125 : vector<1x16xf32> to vector<16xf32>
        %swap3A_1127 = vector.shape_cast %add3A_1122 : vector<16xf32> to vector<1x16xf32>
        tpu.vector_store %arg9[%swap3A_1123, %swap3A_1124], %swap3A_1127 {strides = array<i32>} : memref<64x768xf32, #tpu.memory_space<vmem>>, vector<1x16xf32>,
        %get3A_1128 = arith.index_cast %scan3A_25 : i32 to index
        %get3A_1129 = arith.constant 128 : index
        %get3A_1130 = tpu.vector_load %arg9[%get3A_1128, %get3A_1129] {strides = array<i32>} : memref<64x768xf32, #tpu.memory_space<vmem>>, vector<1x16xf32>,
        %get3A_1131 = vector.shape_cast %get3A_1130 : vector<1x16xf32> to vector<16xf32>
        %sub3A_1132 = arith.subf %get3A_1131, %broadcast_in_dim3A_940 : vector<16xf32>
        %mul3A_1133 = arith.mulf %sub3A_1132, %broadcast_in_dim3A_975 : vector<16xf32>
        %get3A_1134 = arith.constant 128 : index
        %get3A_1135 = tpu.vector_load %arg11[%get3A_1134] {strides = array<i32>} : memref<768xf32, #tpu.memory_space<vmem>>, vector<16xf32>,
        %get3A_1136 = vector.shape_cast %get3A_1135 : vector<16xf32> to vector<16xf32>
        %mul3A_1137 = arith.mulf %mul3A_1133, %get3A_1136 : vector<16xf32>
        %get3A_1138 = arith.constant 128 : index
        %get3A_1139 = tpu.vector_load %arg12[%get3A_1138] {strides = array<i32>} : memref<768xf32, #tpu.memory_space<vmem>>, vector<16xf32>,
        %get3A_1140 = vector.shape_cast %get3A_1139 : vector<16xf32> to vector<16xf32>
        %add3A_1141 = arith.addf %mul3A_1137, %get3A_1140 : vector<16xf32>
        %swap3A_1142 = arith.index_cast %scan3A_25 : i32 to index
        %swap3A_1143 = arith.constant 128 : index
        %swap3A_1144 = tpu.vector_load %arg9[%swap3A_1142, %swap3A_1143] {strides = array<i32>} : memref<64x768xf32, #tpu.memory_space<vmem>>, vector<1x16xf32>,
        %swap3A_1145 = vector.shape_cast %swap3A_1144 : vector<1x16xf32> to vector<16xf32>
        %swap3A_1146 = vector.shape_cast %add3A_1141 : vector<16xf32> to vector<1x16xf32>
        tpu.vector_store %arg9[%swap3A_1142, %swap3A_1143], %swap3A_1146 {strides = array<i32>} : memref<64x768xf32, #tpu.memory_space<vmem>>, vector<1x16xf32>,
        %get3A_1147 = arith.index_cast %scan3A_25 : i32 to index
        %get3A_1148 = arith.constant 144 : index
        %get3A_1149 = tpu.vector_load %arg9[%get3A_1147, %get3A_1148] {strides = array<i32>} : memref<64x768xf32, #tpu.memory_space<vmem>>, vector<1x16xf32>,
        %get3A_1150 = vector.shape_cast %get3A_1149 : vector<1x16xf32> to vector<16xf32>
        %sub3A_1151 = arith.subf %get3A_1150, %broadcast_in_dim3A_940 : vector<16xf32>
        %mul3A_1152 = arith.mulf %sub3A_1151, %broadcast_in_dim3A_975 : vector<16xf32>
        %get3A_1153 = arith.constant 144 : index
        %get3A_1154 = tpu.vector_load %arg11[%get3A_1153] {strides = array<i32>} : memref<768xf32, #tpu.memory_space<vmem>>, vector<16xf32>,
        %get3A_1155 = vector.shape_cast %get3A_1154 : vector<16xf32> to vector<16xf32>
        %mul3A_1156 = arith.mulf %mul3A_1152, %get3A_1155 : vector<16xf32>
        %get3A_1157 = arith.constant 144 : index
        %get3A_1158 = tpu.vector_load %arg12[%get3A_1157] {strides = array<i32>} : memref<768xf32, #tpu.memory_space<vmem>>, vector<16xf32>,
        %get3A_1159 = vector.shape_cast %get3A_1158 : vector<16xf32> to vector<16xf32>
        %add3A_1160 = arith.addf %mul3A_1156, %get3A_1159 : vector<16xf32>
        %swap3A_1161 = arith.index_cast %scan3A_25 : i32 to index
        %swap3A_1162 = arith.constant 144 : index
        %swap3A_1163 = tpu.vector_load %arg9[%swap3A_1161, %swap3A_1162] {strides = array<i32>} : memref<64x768xf32, #tpu.memory_space<vmem>>, vector<1x16xf32>,
        %swap3A_1164 = vector.shape_cast %swap3A_1163 : vector<1x16xf32> to vector<16xf32>
        %swap3A_1165 = vector.shape_cast %add3A_1160 : vector<16xf32> to vector<1x16xf32>
        tpu.vector_store %arg9[%swap3A_1161, %swap3A_1162], %swap3A_1165 {strides = array<i32>} : memref<64x768xf32, #tpu.memory_space<vmem>>, vector<1x16xf32>,
        %get3A_1166 = arith.index_cast %scan3A_25 : i32 to index
        %get3A_1167 = arith.constant 160 : index
        %get3A_1168 = tpu.vector_load %arg9[%get3A_1166, %get3A_1167] {strides = array<i32>} : memref<64x768xf32, #tpu.memory_space<vmem>>, vector<1x16xf32>,
        %get3A_1169 = vector.shape_cast %get3A_1168 : vector<1x16xf32> to vector<16xf32>
        %sub3A_1170 = arith.subf %get3A_1169, %broadcast_in_dim3A_940 : vector<16xf32>
        %mul3A_1171 = arith.mulf %sub3A_1170, %broadcast_in_dim3A_975 : vector<16xf32>
        %get3A_1172 = arith.constant 160 : index
        %get3A_1173 = tpu.vector_load %arg11[%get3A_1172] {strides = array<i32>} : memref<768xf32, #tpu.memory_space<vmem>>, vector<16xf32>,
        %get3A_1174 = vector.shape_cast %get3A_1173 : vector<16xf32> to vector<16xf32>
        %mul3A_1175 = arith.mulf %mul3A_1171, %get3A_1174 : vector<16xf32>
        %get3A_1176 = arith.constant 160 : index
        %get3A_1177 = tpu.vector_load %arg12[%get3A_1176] {strides = array<i32>} : memref<768xf32, #tpu.memory_space<vmem>>, vector<16xf32>,
        %get3A_1178 = vector.shape_cast %get3A_1177 : vector<16xf32> to vector<16xf32>
        %add3A_1179 = arith.addf %mul3A_1175, %get3A_1178 : vector<16xf32>
        %swap3A_1180 = arith.index_cast %scan3A_25 : i32 to index
        %swap3A_1181 = arith.constant 160 : index
        %swap3A_1182 = tpu.vector_load %arg9[%swap3A_1180, %swap3A_1181] {strides = array<i32>} : memref<64x768xf32, #tpu.memory_space<vmem>>, vector<1x16xf32>,
        %swap3A_1183 = vector.shape_cast %swap3A_1182 : vector<1x16xf32> to vector<16xf32>
        %swap3A_1184 = vector.shape_cast %add3A_1179 : vector<16xf32> to vector<1x16xf32>
        tpu.vector_store %arg9[%swap3A_1180, %swap3A_1181], %swap3A_1184 {strides = array<i32>} : memref<64x768xf32, #tpu.memory_space<vmem>>, vector<1x16xf32>,
        %get3A_1185 = arith.index_cast %scan3A_25 : i32 to index
        %get3A_1186 = arith.constant 176 : index
        %get3A_1187 = tpu.vector_load %arg9[%get3A_1185, %get3A_1186] {strides = array<i32>} : memref<64x768xf32, #tpu.memory_space<vmem>>, vector<1x16xf32>,
        %get3A_1188 = vector.shape_cast %get3A_1187 : vector<1x16xf32> to vector<16xf32>
        %sub3A_1189 = arith.subf %get3A_1188, %broadcast_in_dim3A_940 : vector<16xf32>
        %mul3A_1190 = arith.mulf %sub3A_1189, %broadcast_in_dim3A_975 : vector<16xf32>
        %get3A_1191 = arith.constant 176 : index
        %get3A_1192 = tpu.vector_load %arg11[%get3A_1191] {strides = array<i32>} : memref<768xf32, #tpu.memory_space<vmem>>, vector<16xf32>,
        %get3A_1193 = vector.shape_cast %get3A_1192 : vector<16xf32> to vector<16xf32>
        %mul3A_1194 = arith.mulf %mul3A_1190, %get3A_1193 : vector<16xf32>
        %get3A_1195 = arith.constant 176 : index
        %get3A_1196 = tpu.vector_load %arg12[%get3A_1195] {strides = array<i32>} : memref<768xf32, #tpu.memory_space<vmem>>, vector<16xf32>,
        %get3A_1197 = vector.shape_cast %get3A_1196 : vector<16xf32> to vector<16xf32>
        %add3A_1198 = arith.addf %mul3A_1194, %get3A_1197 : vector<16xf32>
        %swap3A_1199 = arith.index_cast %scan3A_25 : i32 to index
        %swap3A_1200 = arith.constant 176 : index
        %swap3A_1201 = tpu.vector_load %arg9[%swap3A_1199, %swap3A_1200] {strides = array<i32>} : memref<64x768xf32, #tpu.memory_space<vmem>>, vector<1x16xf32>,
        %swap3A_1202 = vector.shape_cast %swap3A_1201 : vector<1x16xf32> to vector<16xf32>
        %swap3A_1203 = vector.shape_cast %add3A_1198 : vector<16xf32> to vector<1x16xf32>
        tpu.vector_store %arg9[%swap3A_1199, %swap3A_1200], %swap3A_1203 {strides = array<i32>} : memref<64x768xf32, #tpu.memory_space<vmem>>, vector<1x16xf32>,
        %get3A_1204 = arith.index_cast %scan3A_25 : i32 to index
        %get3A_1205 = arith.constant 192 : index
        %get3A_1206 = tpu.vector_load %arg9[%get3A_1204, %get3A_1205] {strides = array<i32>} : memref<64x768xf32, #tpu.memory_space<vmem>>, vector<1x16xf32>,
        %get3A_1207 = vector.shape_cast %get3A_1206 : vector<1x16xf32> to vector<16xf32>
        %sub3A_1208 = arith.subf %get3A_1207, %broadcast_in_dim3A_940 : vector<16xf32>
        %mul3A_1209 = arith.mulf %sub3A_1208, %broadcast_in_dim3A_975 : vector<16xf32>
        %get3A_1210 = arith.constant 192 : index
        %get3A_1211 = tpu.vector_load %arg11[%get3A_1210] {strides = array<i32>} : memref<768xf32, #tpu.memory_space<vmem>>, vector<16xf32>,
        %get3A_1212 = vector.shape_cast %get3A_1211 : vector<16xf32> to vector<16xf32>
        %mul3A_1213 = arith.mulf %mul3A_1209, %get3A_1212 : vector<16xf32>
        %get3A_1214 = arith.constant 192 : index
        %get3A_1215 = tpu.vector_load %arg12[%get3A_1214] {strides = array<i32>} : memref<768xf32, #tpu.memory_space<vmem>>, vector<16xf32>,
        %get3A_1216 = vector.shape_cast %get3A_1215 : vector<16xf32> to vector<16xf32>
        %add3A_1217 = arith.addf %mul3A_1213, %get3A_1216 : vector<16xf32>
        %swap3A_1218 = arith.index_cast %scan3A_25 : i32 to index
        %swap3A_1219 = arith.constant 192 : index
        %swap3A_1220 = tpu.vector_load %arg9[%swap3A_1218, %swap3A_1219] {strides = array<i32>} : memref<64x768xf32, #tpu.memory_space<vmem>>, vector<1x16xf32>,
        %swap3A_1221 = vector.shape_cast %swap3A_1220 : vector<1x16xf32> to vector<16xf32>
        %swap3A_1222 = vector.shape_cast %add3A_1217 : vector<16xf32> to vector<1x16xf32>
        tpu.vector_store %arg9[%swap3A_1218, %swap3A_1219], %swap3A_1222 {strides = array<i32>} : memref<64x768xf32, #tpu.memory_space<vmem>>, vector<1x16xf32>,
        %get3A_1223 = arith.index_cast %scan3A_25 : i32 to index
        %get3A_1224 = arith.constant 208 : index
        %get3A_1225 = tpu.vector_load %arg9[%get3A_1223, %get3A_1224] {strides = array<i32>} : memref<64x768xf32, #tpu.memory_space<vmem>>, vector<1x16xf32>,
        %get3A_1226 = vector.shape_cast %get3A_1225 : vector<1x16xf32> to vector<16xf32>
        %sub3A_1227 = arith.subf %get3A_1226, %broadcast_in_dim3A_940 : vector<16xf32>
        %mul3A_1228 = arith.mulf %sub3A_1227, %broadcast_in_dim3A_975 : vector<16xf32>
        %get3A_1229 = arith.constant 208 : index
        %get3A_1230 = tpu.vector_load %arg11[%get3A_1229] {strides = array<i32>} : memref<768xf32, #tpu.memory_space<vmem>>, vector<16xf32>,
        %get3A_1231 = vector.shape_cast %get3A_1230 : vector<16xf32> to vector<16xf32>
        %mul3A_1232 = arith.mulf %mul3A_1228, %get3A_1231 : vector<16xf32>
        %get3A_1233 = arith.constant 208 : index
        %get3A_1234 = tpu.vector_load %arg12[%get3A_1233] {strides = array<i32>} : memref<768xf32, #tpu.memory_space<vmem>>, vector<16xf32>,
        %get3A_1235 = vector.shape_cast %get3A_1234 : vector<16xf32> to vector<16xf32>
        %add3A_1236 = arith.addf %mul3A_1232, %get3A_1235 : vector<16xf32>
        %swap3A_1237 = arith.index_cast %scan3A_25 : i32 to index
        %swap3A_1238 = arith.constant 208 : index
        %swap3A_1239 = tpu.vector_load %arg9[%swap3A_1237, %swap3A_1238] {strides = array<i32>} : memref<64x768xf32, #tpu.memory_space<vmem>>, vector<1x16xf32>,
        %swap3A_1240 = vector.shape_cast %swap3A_1239 : vector<1x16xf32> to vector<16xf32>
        %swap3A_1241 = vector.shape_cast %add3A_1236 : vector<16xf32> to vector<1x16xf32>
        tpu.vector_store %arg9[%swap3A_1237, %swap3A_1238], %swap3A_1241 {strides = array<i32>} : memref<64x768xf32, #tpu.memory_space<vmem>>, vector<1x16xf32>,
        %get3A_1242 = arith.index_cast %scan3A_25 : i32 to index
        %get3A_1243 = arith.constant 224 : index
        %get3A_1244 = tpu.vector_load %arg9[%get3A_1242, %get3A_1243] {strides = array<i32>} : memref<64x768xf32, #tpu.memory_space<vmem>>, vector<1x16xf32>,
        %get3A_1245 = vector.shape_cast %get3A_1244 : vector<1x16xf32> to vector<16xf32>
        %sub3A_1246 = arith.subf %get3A_1245, %broadcast_in_dim3A_940 : vector<16xf32>
        %mul3A_1247 = arith.mulf %sub3A_1246, %broadcast_in_dim3A_975 : vector<16xf32>
        %get3A_1248 = arith.constant 224 : index
        %get3A_1249 = tpu.vector_load %arg11[%get3A_1248] {strides = array<i32>} : memref<768xf32, #tpu.memory_space<vmem>>, vector<16xf32>,
        %get3A_1250 = vector.shape_cast %get3A_1249 : vector<16xf32> to vector<16xf32>
        %mul3A_1251 = arith.mulf %mul3A_1247, %get3A_1250 : vector<16xf32>
        %get3A_1252 = arith.constant 224 : index
        %get3A_1253 = tpu.vector_load %arg12[%get3A_1252] {strides = array<i32>} : memref<768xf32, #tpu.memory_space<vmem>>, vector<16xf32>,
        %get3A_1254 = vector.shape_cast %get3A_1253 : vector<16xf32> to vector<16xf32>
        %add3A_1255 = arith.addf %mul3A_1251, %get3A_1254 : vector<16xf32>
        %swap3A_1256 = arith.index_cast %scan3A_25 : i32 to index
        %swap3A_1257 = arith.constant 224 : index
        %swap3A_1258 = tpu.vector_load %arg9[%swap3A_1256, %swap3A_1257] {strides = array<i32>} : memref<64x768xf32, #tpu.memory_space<vmem>>, vector<1x16xf32>,
        %swap3A_1259 = vector.shape_cast %swap3A_1258 : vector<1x16xf32> to vector<16xf32>
        %swap3A_1260 = vector.shape_cast %add3A_1255 : vector<16xf32> to vector<1x16xf32>
        tpu.vector_store %arg9[%swap3A_1256, %swap3A_1257], %swap3A_1260 {strides = array<i32>} : memref<64x768xf32, #tpu.memory_space<vmem>>, vector<1x16xf32>,
        %get3A_1261 = arith.index_cast %scan3A_25 : i32 to index
        %get3A_1262 = arith.constant 240 : index
        %get3A_1263 = tpu.vector_load %arg9[%get3A_1261, %get3A_1262] {strides = array<i32>} : memref<64x768xf32, #tpu.memory_space<vmem>>, vector<1x16xf32>,
        %get3A_1264 = vector.shape_cast %get3A_1263 : vector<1x16xf32> to vector<16xf32>
        %sub3A_1265 = arith.subf %get3A_1264, %broadcast_in_dim3A_940 : vector<16xf32>
        %mul3A_1266 = arith.mulf %sub3A_1265, %broadcast_in_dim3A_975 : vector<16xf32>
        %get3A_1267 = arith.constant 240 : index
        %get3A_1268 = tpu.vector_load %arg11[%get3A_1267] {strides = array<i32>} : memref<768xf32, #tpu.memory_space<vmem>>, vector<16xf32>,
        %get3A_1269 = vector.shape_cast %get3A_1268 : vector<16xf32> to vector<16xf32>
        %mul3A_1270 = arith.mulf %mul3A_1266, %get3A_1269 : vector<16xf32>
        %get3A_1271 = arith.constant 240 : index
        %get3A_1272 = tpu.vector_load %arg12[%get3A_1271] {strides = array<i32>} : memref<768xf32, #tpu.memory_space<vmem>>, vector<16xf32>,
        %get3A_1273 = vector.shape_cast %get3A_1272 : vector<16xf32> to vector<16xf32>
        %add3A_1274 = arith.addf %mul3A_1270, %get3A_1273 : vector<16xf32>
        %swap3A_1275 = arith.index_cast %scan3A_25 : i32 to index
        %swap3A_1276 = arith.constant 240 : index
        %swap3A_1277 = tpu.vector_load %arg9[%swap3A_1275, %swap3A_1276] {strides = array<i32>} : memref<64x768xf32, #tpu.memory_space<vmem>>, vector<1x16xf32>,
        %swap3A_1278 = vector.shape_cast %swap3A_1277 : vector<1x16xf32> to vector<16xf32>
        %swap3A_1279 = vector.shape_cast %add3A_1274 : vector<16xf32> to vector<1x16xf32>
        tpu.vector_store %arg9[%swap3A_1275, %swap3A_1276], %swap3A_1279 {strides = array<i32>} : memref<64x768xf32, #tpu.memory_space<vmem>>, vector<1x16xf32>,
        %get3A_1280 = arith.index_cast %scan3A_25 : i32 to index
        %get3A_1281 = arith.constant 256 : index
        %get3A_1282 = tpu.vector_load %arg9[%get3A_1280, %get3A_1281] {strides = array<i32>} : memref<64x768xf32, #tpu.memory_space<vmem>>, vector<1x16xf32>,
        %get3A_1283 = vector.shape_cast %get3A_1282 : vector<1x16xf32> to vector<16xf32>
        %sub3A_1284 = arith.subf %get3A_1283, %broadcast_in_dim3A_940 : vector<16xf32>
        %mul3A_1285 = arith.mulf %sub3A_1284, %broadcast_in_dim3A_975 : vector<16xf32>
        %get3A_1286 = arith.constant 256 : index
        %get3A_1287 = tpu.vector_load %arg11[%get3A_1286] {strides = array<i32>} : memref<768xf32, #tpu.memory_space<vmem>>, vector<16xf32>,
        %get3A_1288 = vector.shape_cast %get3A_1287 : vector<16xf32> to vector<16xf32>
        %mul3A_1289 = arith.mulf %mul3A_1285, %get3A_1288 : vector<16xf32>
        %get3A_1290 = arith.constant 256 : index
        %get3A_1291 = tpu.vector_load %arg12[%get3A_1290] {strides = array<i32>} : memref<768xf32, #tpu.memory_space<vmem>>, vector<16xf32>,
        %get3A_1292 = vector.shape_cast %get3A_1291 : vector<16xf32> to vector<16xf32>
        %add3A_1293 = arith.addf %mul3A_1289, %get3A_1292 : vector<16xf32>
        %swap3A_1294 = arith.index_cast %scan3A_25 : i32 to index
        %swap3A_1295 = arith.constant 256 : index
        %swap3A_1296 = tpu.vector_load %arg9[%swap3A_1294, %swap3A_1295] {strides = array<i32>} : memref<64x768xf32, #tpu.memory_space<vmem>>, vector<1x16xf32>,
        %swap3A_1297 = vector.shape_cast %swap3A_1296 : vector<1x16xf32> to vector<16xf32>
        %swap3A_1298 = vector.shape_cast %add3A_1293 : vector<16xf32> to vector<1x16xf32>
        tpu.vector_store %arg9[%swap3A_1294, %swap3A_1295], %swap3A_1298 {strides = array<i32>} : memref<64x768xf32, #tpu.memory_space<vmem>>, vector<1x16xf32>,
        %get3A_1299 = arith.index_cast %scan3A_25 : i32 to index
        %get3A_1300 = arith.constant 272 : index
        %get3A_1301 = tpu.vector_load %arg9[%get3A_1299, %get3A_1300] {strides = array<i32>} : memref<64x768xf32, #tpu.memory_space<vmem>>, vector<1x16xf32>,
        %get3A_1302 = vector.shape_cast %get3A_1301 : vector<1x16xf32> to vector<16xf32>
        %sub3A_1303 = arith.subf %get3A_1302, %broadcast_in_dim3A_940 : vector<16xf32>
        %mul3A_1304 = arith.mulf %sub3A_1303, %broadcast_in_dim3A_975 : vector<16xf32>
        %get3A_1305 = arith.constant 272 : index
        %get3A_1306 = tpu.vector_load %arg11[%get3A_1305] {strides = array<i32>} : memref<768xf32, #tpu.memory_space<vmem>>, vector<16xf32>,
        %get3A_1307 = vector.shape_cast %get3A_1306 : vector<16xf32> to vector<16xf32>
        %mul3A_1308 = arith.mulf %mul3A_1304, %get3A_1307 : vector<16xf32>
        %get3A_1309 = arith.constant 272 : index
        %get3A_1310 = tpu.vector_load %arg12[%get3A_1309] {strides = array<i32>} : memref<768xf32, #tpu.memory_space<vmem>>, vector<16xf32>,
        %get3A_1311 = vector.shape_cast %get3A_1310 : vector<16xf32> to vector<16xf32>
        %add3A_1312 = arith.addf %mul3A_1308, %get3A_1311 : vector<16xf32>
        %swap3A_1313 = arith.index_cast %scan3A_25 : i32 to index
        %swap3A_1314 = arith.constant 272 : index
        %swap3A_1315 = tpu.vector_load %arg9[%swap3A_1313, %swap3A_1314] {strides = array<i32>} : memref<64x768xf32, #tpu.memory_space<vmem>>, vector<1x16xf32>,
        %swap3A_1316 = vector.shape_cast %swap3A_1315 : vector<1x16xf32> to vector<16xf32>
        %swap3A_1317 = vector.shape_cast %add3A_1312 : vector<16xf32> to vector<1x16xf32>
        tpu.vector_store %arg9[%swap3A_1313, %swap3A_1314], %swap3A_1317 {strides = array<i32>} : memref<64x768xf32, #tpu.memory_space<vmem>>, vector<1x16xf32>,
        %get3A_1318 = arith.index_cast %scan3A_25 : i32 to index
        %get3A_1319 = arith.constant 288 : index
        %get3A_1320 = tpu.vector_load %arg9[%get3A_1318, %get3A_1319] {strides = array<i32>} : memref<64x768xf32, #tpu.memory_space<vmem>>, vector<1x16xf32>,
        %get3A_1321 = vector.shape_cast %get3A_1320 : vector<1x16xf32> to vector<16xf32>
        %sub3A_1322 = arith.subf %get3A_1321, %broadcast_in_dim3A_940 : vector<16xf32>
        %mul3A_1323 = arith.mulf %sub3A_1322, %broadcast_in_dim3A_975 : vector<16xf32>
        %get3A_1324 = arith.constant 288 : index
        %get3A_1325 = tpu.vector_load %arg11[%get3A_1324] {strides = array<i32>} : memref<768xf32, #tpu.memory_space<vmem>>, vector<16xf32>,
        %get3A_1326 = vector.shape_cast %get3A_1325 : vector<16xf32> to vector<16xf32>
        %mul3A_1327 = arith.mulf %mul3A_1323, %get3A_1326 : vector<16xf32>
        %get3A_1328 = arith.constant 288 : index
        %get3A_1329 = tpu.vector_load %arg12[%get3A_1328] {strides = array<i32>} : memref<768xf32, #tpu.memory_space<vmem>>, vector<16xf32>,
        %get3A_1330 = vector.shape_cast %get3A_1329 : vector<16xf32> to vector<16xf32>
        %add3A_1331 = arith.addf %mul3A_1327, %get3A_1330 : vector<16xf32>
        %swap3A_1332 = arith.index_cast %scan3A_25 : i32 to index
        %swap3A_1333 = arith.constant 288 : index
        %swap3A_1334 = tpu.vector_load %arg9[%swap3A_1332, %swap3A_1333] {strides = array<i32>} : memref<64x768xf32, #tpu.memory_space<vmem>>, vector<1x16xf32>,
        %swap3A_1335 = vector.shape_cast %swap3A_1334 : vector<1x16xf32> to vector<16xf32>
        %swap3A_1336 = vector.shape_cast %add3A_1331 : vector<16xf32> to vector<1x16xf32>
        tpu.vector_store %arg9[%swap3A_1332, %swap3A_1333], %swap3A_1336 {strides = array<i32>} : memref<64x768xf32, #tpu.memory_space<vmem>>, vector<1x16xf32>,
        %get3A_1337 = arith.index_cast %scan3A_25 : i32 to index
        %get3A_1338 = arith.constant 304 : index
        %get3A_1339 = tpu.vector_load %arg9[%get3A_1337, %get3A_1338] {strides = array<i32>} : memref<64x768xf32, #tpu.memory_space<vmem>>, vector<1x16xf32>,
        %get3A_1340 = vector.shape_cast %get3A_1339 : vector<1x16xf32> to vector<16xf32>
        %sub3A_1341 = arith.subf %get3A_1340, %broadcast_in_dim3A_940 : vector<16xf32>
        %mul3A_1342 = arith.mulf %sub3A_1341, %broadcast_in_dim3A_975 : vector<16xf32>
        %get3A_1343 = arith.constant 304 : index
        %get3A_1344 = tpu.vector_load %arg11[%get3A_1343] {strides = array<i32>} : memref<768xf32, #tpu.memory_space<vmem>>, vector<16xf32>,
        %get3A_1345 = vector.shape_cast %get3A_1344 : vector<16xf32> to vector<16xf32>
        %mul3A_1346 = arith.mulf %mul3A_1342, %get3A_1345 : vector<16xf32>
        %get3A_1347 = arith.constant 304 : index
        %get3A_1348 = tpu.vector_load %arg12[%get3A_1347] {strides = array<i32>} : memref<768xf32, #tpu.memory_space<vmem>>, vector<16xf32>,
        %get3A_1349 = vector.shape_cast %get3A_1348 : vector<16xf32> to vector<16xf32>
        %add3A_1350 = arith.addf %mul3A_1346, %get3A_1349 : vector<16xf32>
        %swap3A_1351 = arith.index_cast %scan3A_25 : i32 to index
        %swap3A_1352 = arith.constant 304 : index
        %swap3A_1353 = tpu.vector_load %arg9[%swap3A_1351, %swap3A_1352] {strides = array<i32>} : memref<64x768xf32, #tpu.memory_space<vmem>>, vector<1x16xf32>,
        %swap3A_1354 = vector.shape_cast %swap3A_1353 : vector<1x16xf32> to vector<16xf32>
        %swap3A_1355 = vector.shape_cast %add3A_1350 : vector<16xf32> to vector<1x16xf32>
        tpu.vector_store %arg9[%swap3A_1351, %swap3A_1352], %swap3A_1355 {strides = array<i32>} : memref<64x768xf32, #tpu.memory_space<vmem>>, vector<1x16xf32>,
        %get3A_1356 = arith.index_cast %scan3A_25 : i32 to index
        %get3A_1357 = arith.constant 320 : index
        %get3A_1358 = tpu.vector_load %arg9[%get3A_1356, %get3A_1357] {strides = array<i32>} : memref<64x768xf32, #tpu.memory_space<vmem>>, vector<1x16xf32>,
        %get3A_1359 = vector.shape_cast %get3A_1358 : vector<1x16xf32> to vector<16xf32>
        %sub3A_1360 = arith.subf %get3A_1359, %broadcast_in_dim3A_940 : vector<16xf32>
        %mul3A_1361 = arith.mulf %sub3A_1360, %broadcast_in_dim3A_975 : vector<16xf32>
        %get3A_1362 = arith.constant 320 : index
        %get3A_1363 = tpu.vector_load %arg11[%get3A_1362] {strides = array<i32>} : memref<768xf32, #tpu.memory_space<vmem>>, vector<16xf32>,
        %get3A_1364 = vector.shape_cast %get3A_1363 : vector<16xf32> to vector<16xf32>
        %mul3A_1365 = arith.mulf %mul3A_1361, %get3A_1364 : vector<16xf32>
        %get3A_1366 = arith.constant 320 : index
        %get3A_1367 = tpu.vector_load %arg12[%get3A_1366] {strides = array<i32>} : memref<768xf32, #tpu.memory_space<vmem>>, vector<16xf32>,
        %get3A_1368 = vector.shape_cast %get3A_1367 : vector<16xf32> to vector<16xf32>
        %add3A_1369 = arith.addf %mul3A_1365, %get3A_1368 : vector<16xf32>
        %swap3A_1370 = arith.index_cast %scan3A_25 : i32 to index
        %swap3A_1371 = arith.constant 320 : index
        %swap3A_1372 = tpu.vector_load %arg9[%swap3A_1370, %swap3A_1371] {strides = array<i32>} : memref<64x768xf32, #tpu.memory_space<vmem>>, vector<1x16xf32>,
        %swap3A_1373 = vector.shape_cast %swap3A_1372 : vector<1x16xf32> to vector<16xf32>
        %swap3A_1374 = vector.shape_cast %add3A_1369 : vector<16xf32> to vector<1x16xf32>
        tpu.vector_store %arg9[%swap3A_1370, %swap3A_1371], %swap3A_1374 {strides = array<i32>} : memref<64x768xf32, #tpu.memory_space<vmem>>, vector<1x16xf32>,
        %get3A_1375 = arith.index_cast %scan3A_25 : i32 to index
        %get3A_1376 = arith.constant 336 : index
        %get3A_1377 = tpu.vector_load %arg9[%get3A_1375, %get3A_1376] {strides = array<i32>} : memref<64x768xf32, #tpu.memory_space<vmem>>, vector<1x16xf32>,
        %get3A_1378 = vector.shape_cast %get3A_1377 : vector<1x16xf32> to vector<16xf32>
        %sub3A_1379 = arith.subf %get3A_1378, %broadcast_in_dim3A_940 : vector<16xf32>
        %mul3A_1380 = arith.mulf %sub3A_1379, %broadcast_in_dim3A_975 : vector<16xf32>
        %get3A_1381 = arith.constant 336 : index
        %get3A_1382 = tpu.vector_load %arg11[%get3A_1381] {strides = array<i32>} : memref<768xf32, #tpu.memory_space<vmem>>, vector<16xf32>,
        %get3A_1383 = vector.shape_cast %get3A_1382 : vector<16xf32> to vector<16xf32>
        %mul3A_1384 = arith.mulf %mul3A_1380, %get3A_1383 : vector<16xf32>
        %get3A_1385 = arith.constant 336 : index
        %get3A_1386 = tpu.vector_load %arg12[%get3A_1385] {strides = array<i32>} : memref<768xf32, #tpu.memory_space<vmem>>, vector<16xf32>,
        %get3A_1387 = vector.shape_cast %get3A_1386 : vector<16xf32> to vector<16xf32>
        %add3A_1388 = arith.addf %mul3A_1384, %get3A_1387 : vector<16xf32>
        %swap3A_1389 = arith.index_cast %scan3A_25 : i32 to index
        %swap3A_1390 = arith.constant 336 : index
        %swap3A_1391 = tpu.vector_load %arg9[%swap3A_1389, %swap3A_1390] {strides = array<i32>} : memref<64x768xf32, #tpu.memory_space<vmem>>, vector<1x16xf32>,
        %swap3A_1392 = vector.shape_cast %swap3A_1391 : vector<1x16xf32> to vector<16xf32>
        %swap3A_1393 = vector.shape_cast %add3A_1388 : vector<16xf32> to vector<1x16xf32>
        tpu.vector_store %arg9[%swap3A_1389, %swap3A_1390], %swap3A_1393 {strides = array<i32>} : memref<64x768xf32, #tpu.memory_space<vmem>>, vector<1x16xf32>,
        %get3A_1394 = arith.index_cast %scan3A_25 : i32 to index
        %get3A_1395 = arith.constant 352 : index
        %get3A_1396 = tpu.vector_load %arg9[%get3A_1394, %get3A_1395] {strides = array<i32>} : memref<64x768xf32, #tpu.memory_space<vmem>>, vector<1x16xf32>,
        %get3A_1397 = vector.shape_cast %get3A_1396 : vector<1x16xf32> to vector<16xf32>
        %sub3A_1398 = arith.subf %get3A_1397, %broadcast_in_dim3A_940 : vector<16xf32>
        %mul3A_1399 = arith.mulf %sub3A_1398, %broadcast_in_dim3A_975 : vector<16xf32>
        %get3A_1400 = arith.constant 352 : index
        %get3A_1401 = tpu.vector_load %arg11[%get3A_1400] {strides = array<i32>} : memref<768xf32, #tpu.memory_space<vmem>>, vector<16xf32>,
        %get3A_1402 = vector.shape_cast %get3A_1401 : vector<16xf32> to vector<16xf32>
        %mul3A_1403 = arith.mulf %mul3A_1399, %get3A_1402 : vector<16xf32>
        %get3A_1404 = arith.constant 352 : index
        %get3A_1405 = tpu.vector_load %arg12[%get3A_1404] {strides = array<i32>} : memref<768xf32, #tpu.memory_space<vmem>>, vector<16xf32>,
        %get3A_1406 = vector.shape_cast %get3A_1405 : vector<16xf32> to vector<16xf32>
        %add3A_1407 = arith.addf %mul3A_1403, %get3A_1406 : vector<16xf32>
        %swap3A_1408 = arith.index_cast %scan3A_25 : i32 to index
        %swap3A_1409 = arith.constant 352 : index
        %swap3A_1410 = tpu.vector_load %arg9[%swap3A_1408, %swap3A_1409] {strides = array<i32>} : memref<64x768xf32, #tpu.memory_space<vmem>>, vector<1x16xf32>,
        %swap3A_1411 = vector.shape_cast %swap3A_1410 : vector<1x16xf32> to vector<16xf32>
        %swap3A_1412 = vector.shape_cast %add3A_1407 : vector<16xf32> to vector<1x16xf32>
        tpu.vector_store %arg9[%swap3A_1408, %swap3A_1409], %swap3A_1412 {strides = array<i32>} : memref<64x768xf32, #tpu.memory_space<vmem>>, vector<1x16xf32>,
        %get3A_1413 = arith.index_cast %scan3A_25 : i32 to index
        %get3A_1414 = arith.constant 368 : index
        %get3A_1415 = tpu.vector_load %arg9[%get3A_1413, %get3A_1414] {strides = array<i32>} : memref<64x768xf32, #tpu.memory_space<vmem>>, vector<1x16xf32>,
        %get3A_1416 = vector.shape_cast %get3A_1415 : vector<1x16xf32> to vector<16xf32>
        %sub3A_1417 = arith.subf %get3A_1416, %broadcast_in_dim3A_940 : vector<16xf32>
        %mul3A_1418 = arith.mulf %sub3A_1417, %broadcast_in_dim3A_975 : vector<16xf32>
        %get3A_1419 = arith.constant 368 : index
        %get3A_1420 = tpu.vector_load %arg11[%get3A_1419] {strides = array<i32>} : memref<768xf32, #tpu.memory_space<vmem>>, vector<16xf32>,
        %get3A_1421 = vector.shape_cast %get3A_1420 : vector<16xf32> to vector<16xf32>
        %mul3A_1422 = arith.mulf %mul3A_1418, %get3A_1421 : vector<16xf32>
        %get3A_1423 = arith.constant 368 : index
        %get3A_1424 = tpu.vector_load %arg12[%get3A_1423] {strides = array<i32>} : memref<768xf32, #tpu.memory_space<vmem>>, vector<16xf32>,
        %get3A_1425 = vector.shape_cast %get3A_1424 : vector<16xf32> to vector<16xf32>
        %add3A_1426 = arith.addf %mul3A_1422, %get3A_1425 : vector<16xf32>
        %swap3A_1427 = arith.index_cast %scan3A_25 : i32 to index
        %swap3A_1428 = arith.constant 368 : index
        %swap3A_1429 = tpu.vector_load %arg9[%swap3A_1427, %swap3A_1428] {strides = array<i32>} : memref<64x768xf32, #tpu.memory_space<vmem>>, vector<1x16xf32>,
        %swap3A_1430 = vector.shape_cast %swap3A_1429 : vector<1x16xf32> to vector<16xf32>
        %swap3A_1431 = vector.shape_cast %add3A_1426 : vector<16xf32> to vector<1x16xf32>
        tpu.vector_store %arg9[%swap3A_1427, %swap3A_1428], %swap3A_1431 {strides = array<i32>} : memref<64x768xf32, #tpu.memory_space<vmem>>, vector<1x16xf32>,
        %get3A_1432 = arith.index_cast %scan3A_25 : i32 to index
        %get3A_1433 = arith.constant 384 : index
        %get3A_1434 = tpu.vector_load %arg9[%get3A_1432, %get3A_1433] {strides = array<i32>} : memref<64x768xf32, #tpu.memory_space<vmem>>, vector<1x16xf32>,
        %get3A_1435 = vector.shape_cast %get3A_1434 : vector<1x16xf32> to vector<16xf32>
        %sub3A_1436 = arith.subf %get3A_1435, %broadcast_in_dim3A_940 : vector<16xf32>
        %mul3A_1437 = arith.mulf %sub3A_1436, %broadcast_in_dim3A_975 : vector<16xf32>
        %get3A_1438 = arith.constant 384 : index
        %get3A_1439 = tpu.vector_load %arg11[%get3A_1438] {strides = array<i32>} : memref<768xf32, #tpu.memory_space<vmem>>, vector<16xf32>,
        %get3A_1440 = vector.shape_cast %get3A_1439 : vector<16xf32> to vector<16xf32>
        %mul3A_1441 = arith.mulf %mul3A_1437, %get3A_1440 : vector<16xf32>
        %get3A_1442 = arith.constant 384 : index
        %get3A_1443 = tpu.vector_load %arg12[%get3A_1442] {strides = array<i32>} : memref<768xf32, #tpu.memory_space<vmem>>, vector<16xf32>,
        %get3A_1444 = vector.shape_cast %get3A_1443 : vector<16xf32> to vector<16xf32>
        %add3A_1445 = arith.addf %mul3A_1441, %get3A_1444 : vector<16xf32>
        %swap3A_1446 = arith.index_cast %scan3A_25 : i32 to index
        %swap3A_1447 = arith.constant 384 : index
        %swap3A_1448 = tpu.vector_load %arg9[%swap3A_1446, %swap3A_1447] {strides = array<i32>} : memref<64x768xf32, #tpu.memory_space<vmem>>, vector<1x16xf32>,
        %swap3A_1449 = vector.shape_cast %swap3A_1448 : vector<1x16xf32> to vector<16xf32>
        %swap3A_1450 = vector.shape_cast %add3A_1445 : vector<16xf32> to vector<1x16xf32>
        tpu.vector_store %arg9[%swap3A_1446, %swap3A_1447], %swap3A_1450 {strides = array<i32>} : memref<64x768xf32, #tpu.memory_space<vmem>>, vector<1x16xf32>,
        %get3A_1451 = arith.index_cast %scan3A_25 : i32 to index
        %get3A_1452 = arith.constant 400 : index
        %get3A_1453 = tpu.vector_load %arg9[%get3A_1451, %get3A_1452] {strides = array<i32>} : memref<64x768xf32, #tpu.memory_space<vmem>>, vector<1x16xf32>,
        %get3A_1454 = vector.shape_cast %get3A_1453 : vector<1x16xf32> to vector<16xf32>
        %sub3A_1455 = arith.subf %get3A_1454, %broadcast_in_dim3A_940 : vector<16xf32>
        %mul3A_1456 = arith.mulf %sub3A_1455, %broadcast_in_dim3A_975 : vector<16xf32>
        %get3A_1457 = arith.constant 400 : index
        %get3A_1458 = tpu.vector_load %arg11[%get3A_1457] {strides = array<i32>} : memref<768xf32, #tpu.memory_space<vmem>>, vector<16xf32>,
        %get3A_1459 = vector.shape_cast %get3A_1458 : vector<16xf32> to vector<16xf32>
        %mul3A_1460 = arith.mulf %mul3A_1456, %get3A_1459 : vector<16xf32>
        %get3A_1461 = arith.constant 400 : index
        %get3A_1462 = tpu.vector_load %arg12[%get3A_1461] {strides = array<i32>} : memref<768xf32, #tpu.memory_space<vmem>>, vector<16xf32>,
        %get3A_1463 = vector.shape_cast %get3A_1462 : vector<16xf32> to vector<16xf32>
        %add3A_1464 = arith.addf %mul3A_1460, %get3A_1463 : vector<16xf32>
        %swap3A_1465 = arith.index_cast %scan3A_25 : i32 to index
        %swap3A_1466 = arith.constant 400 : index
        %swap3A_1467 = tpu.vector_load %arg9[%swap3A_1465, %swap3A_1466] {strides = array<i32>} : memref<64x768xf32, #tpu.memory_space<vmem>>, vector<1x16xf32>,
        %swap3A_1468 = vector.shape_cast %swap3A_1467 : vector<1x16xf32> to vector<16xf32>
        %swap3A_1469 = vector.shape_cast %add3A_1464 : vector<16xf32> to vector<1x16xf32>
        tpu.vector_store %arg9[%swap3A_1465, %swap3A_1466], %swap3A_1469 {strides = array<i32>} : memref<64x768xf32, #tpu.memory_space<vmem>>, vector<1x16xf32>,
        %get3A_1470 = arith.index_cast %scan3A_25 : i32 to index
        %get3A_1471 = arith.constant 416 : index
        %get3A_1472 = tpu.vector_load %arg9[%get3A_1470, %get3A_1471] {strides = array<i32>} : memref<64x768xf32, #tpu.memory_space<vmem>>, vector<1x16xf32>,
        %get3A_1473 = vector.shape_cast %get3A_1472 : vector<1x16xf32> to vector<16xf32>
        %sub3A_1474 = arith.subf %get3A_1473, %broadcast_in_dim3A_940 : vector<16xf32>
        %mul3A_1475 = arith.mulf %sub3A_1474, %broadcast_in_dim3A_975 : vector<16xf32>
        %get3A_1476 = arith.constant 416 : index
        %get3A_1477 = tpu.vector_load %arg11[%get3A_1476] {strides = array<i32>} : memref<768xf32, #tpu.memory_space<vmem>>, vector<16xf32>,
        %get3A_1478 = vector.shape_cast %get3A_1477 : vector<16xf32> to vector<16xf32>
        %mul3A_1479 = arith.mulf %mul3A_1475, %get3A_1478 : vector<16xf32>
        %get3A_1480 = arith.constant 416 : index
        %get3A_1481 = tpu.vector_load %arg12[%get3A_1480] {strides = array<i32>} : memref<768xf32, #tpu.memory_space<vmem>>, vector<16xf32>,
        %get3A_1482 = vector.shape_cast %get3A_1481 : vector<16xf32> to vector<16xf32>
        %add3A_1483 = arith.addf %mul3A_1479, %get3A_1482 : vector<16xf32>
        %swap3A_1484 = arith.index_cast %scan3A_25 : i32 to index
        %swap3A_1485 = arith.constant 416 : index
        %swap3A_1486 = tpu.vector_load %arg9[%swap3A_1484, %swap3A_1485] {strides = array<i32>} : memref<64x768xf32, #tpu.memory_space<vmem>>, vector<1x16xf32>,
        %swap3A_1487 = vector.shape_cast %swap3A_1486 : vector<1x16xf32> to vector<16xf32>
        %swap3A_1488 = vector.shape_cast %add3A_1483 : vector<16xf32> to vector<1x16xf32>
        tpu.vector_store %arg9[%swap3A_1484, %swap3A_1485], %swap3A_1488 {strides = array<i32>} : memref<64x768xf32, #tpu.memory_space<vmem>>, vector<1x16xf32>,
        %get3A_1489 = arith.index_cast %scan3A_25 : i32 to index
        %get3A_1490 = arith.constant 432 : index
        %get3A_1491 = tpu.vector_load %arg9[%get3A_1489, %get3A_1490] {strides = array<i32>} : memref<64x768xf32, #tpu.memory_space<vmem>>, vector<1x16xf32>,
        %get3A_1492 = vector.shape_cast %get3A_1491 : vector<1x16xf32> to vector<16xf32>
        %sub3A_1493 = arith.subf %get3A_1492, %broadcast_in_dim3A_940 : vector<16xf32>
        %mul3A_1494 = arith.mulf %sub3A_1493, %broadcast_in_dim3A_975 : vector<16xf32>
        %get3A_1495 = arith.constant 432 : index
        %get3A_1496 = tpu.vector_load %arg11[%get3A_1495] {strides = array<i32>} : memref<768xf32, #tpu.memory_space<vmem>>, vector<16xf32>,
        %get3A_1497 = vector.shape_cast %get3A_1496 : vector<16xf32> to vector<16xf32>
        %mul3A_1498 = arith.mulf %mul3A_1494, %get3A_1497 : vector<16xf32>
        %get3A_1499 = arith.constant 432 : index
        %get3A_1500 = tpu.vector_load %arg12[%get3A_1499] {strides = array<i32>} : memref<768xf32, #tpu.memory_space<vmem>>, vector<16xf32>,
        %get3A_1501 = vector.shape_cast %get3A_1500 : vector<16xf32> to vector<16xf32>
        %add3A_1502 = arith.addf %mul3A_1498, %get3A_1501 : vector<16xf32>
        %swap3A_1503 = arith.index_cast %scan3A_25 : i32 to index
        %swap3A_1504 = arith.constant 432 : index
        %swap3A_1505 = tpu.vector_load %arg9[%swap3A_1503, %swap3A_1504] {strides = array<i32>} : memref<64x768xf32, #tpu.memory_space<vmem>>, vector<1x16xf32>,
        %swap3A_1506 = vector.shape_cast %swap3A_1505 : vector<1x16xf32> to vector<16xf32>
        %swap3A_1507 = vector.shape_cast %add3A_1502 : vector<16xf32> to vector<1x16xf32>
        tpu.vector_store %arg9[%swap3A_1503, %swap3A_1504], %swap3A_1507 {strides = array<i32>} : memref<64x768xf32, #tpu.memory_space<vmem>>, vector<1x16xf32>,
        %get3A_1508 = arith.index_cast %scan3A_25 : i32 to index
        %get3A_1509 = arith.constant 448 : index
        %get3A_1510 = tpu.vector_load %arg9[%get3A_1508, %get3A_1509] {strides = array<i32>} : memref<64x768xf32, #tpu.memory_space<vmem>>, vector<1x16xf32>,
        %get3A_1511 = vector.shape_cast %get3A_1510 : vector<1x16xf32> to vector<16xf32>
        %sub3A_1512 = arith.subf %get3A_1511, %broadcast_in_dim3A_940 : vector<16xf32>
        %mul3A_1513 = arith.mulf %sub3A_1512, %broadcast_in_dim3A_975 : vector<16xf32>
        %get3A_1514 = arith.constant 448 : index
        %get3A_1515 = tpu.vector_load %arg11[%get3A_1514] {strides = array<i32>} : memref<768xf32, #tpu.memory_space<vmem>>, vector<16xf32>,
        %get3A_1516 = vector.shape_cast %get3A_1515 : vector<16xf32> to vector<16xf32>
        %mul3A_1517 = arith.mulf %mul3A_1513, %get3A_1516 : vector<16xf32>
        %get3A_1518 = arith.constant 448 : index
        %get3A_1519 = tpu.vector_load %arg12[%get3A_1518] {strides = array<i32>} : memref<768xf32, #tpu.memory_space<vmem>>, vector<16xf32>,
        %get3A_1520 = vector.shape_cast %get3A_1519 : vector<16xf32> to vector<16xf32>
        %add3A_1521 = arith.addf %mul3A_1517, %get3A_1520 : vector<16xf32>
        %swap3A_1522 = arith.index_cast %scan3A_25 : i32 to index
        %swap3A_1523 = arith.constant 448 : index
        %swap3A_1524 = tpu.vector_load %arg9[%swap3A_1522, %swap3A_1523] {strides = array<i32>} : memref<64x768xf32, #tpu.memory_space<vmem>>, vector<1x16xf32>,
        %swap3A_1525 = vector.shape_cast %swap3A_1524 : vector<1x16xf32> to vector<16xf32>
        %swap3A_1526 = vector.shape_cast %add3A_1521 : vector<16xf32> to vector<1x16xf32>
        tpu.vector_store %arg9[%swap3A_1522, %swap3A_1523], %swap3A_1526 {strides = array<i32>} : memref<64x768xf32, #tpu.memory_space<vmem>>, vector<1x16xf32>,
        %get3A_1527 = arith.index_cast %scan3A_25 : i32 to index
        %get3A_1528 = arith.constant 464 : index
        %get3A_1529 = tpu.vector_load %arg9[%get3A_1527, %get3A_1528] {strides = array<i32>} : memref<64x768xf32, #tpu.memory_space<vmem>>, vector<1x16xf32>,
        %get3A_1530 = vector.shape_cast %get3A_1529 : vector<1x16xf32> to vector<16xf32>
        %sub3A_1531 = arith.subf %get3A_1530, %broadcast_in_dim3A_940 : vector<16xf32>
        %mul3A_1532 = arith.mulf %sub3A_1531, %broadcast_in_dim3A_975 : vector<16xf32>
        %get3A_1533 = arith.constant 464 : index
        %get3A_1534 = tpu.vector_load %arg11[%get3A_1533] {strides = array<i32>} : memref<768xf32, #tpu.memory_space<vmem>>, vector<16xf32>,
        %get3A_1535 = vector.shape_cast %get3A_1534 : vector<16xf32> to vector<16xf32>
        %mul3A_1536 = arith.mulf %mul3A_1532, %get3A_1535 : vector<16xf32>
        %get3A_1537 = arith.constant 464 : index
        %get3A_1538 = tpu.vector_load %arg12[%get3A_1537] {strides = array<i32>} : memref<768xf32, #tpu.memory_space<vmem>>, vector<16xf32>,
        %get3A_1539 = vector.shape_cast %get3A_1538 : vector<16xf32> to vector<16xf32>
        %add3A_1540 = arith.addf %mul3A_1536, %get3A_1539 : vector<16xf32>
        %swap3A_1541 = arith.index_cast %scan3A_25 : i32 to index
        %swap3A_1542 = arith.constant 464 : index
        %swap3A_1543 = tpu.vector_load %arg9[%swap3A_1541, %swap3A_1542] {strides = array<i32>} : memref<64x768xf32, #tpu.memory_space<vmem>>, vector<1x16xf32>,
        %swap3A_1544 = vector.shape_cast %swap3A_1543 : vector<1x16xf32> to vector<16xf32>
        %swap3A_1545 = vector.shape_cast %add3A_1540 : vector<16xf32> to vector<1x16xf32>
        tpu.vector_store %arg9[%swap3A_1541, %swap3A_1542], %swap3A_1545 {strides = array<i32>} : memref<64x768xf32, #tpu.memory_space<vmem>>, vector<1x16xf32>,
        %get3A_1546 = arith.index_cast %scan3A_25 : i32 to index
        %get3A_1547 = arith.constant 480 : index
        %get3A_1548 = tpu.vector_load %arg9[%get3A_1546, %get3A_1547] {strides = array<i32>} : memref<64x768xf32, #tpu.memory_space<vmem>>, vector<1x16xf32>,
        %get3A_1549 = vector.shape_cast %get3A_1548 : vector<1x16xf32> to vector<16xf32>
        %sub3A_1550 = arith.subf %get3A_1549, %broadcast_in_dim3A_940 : vector<16xf32>
        %mul3A_1551 = arith.mulf %sub3A_1550, %broadcast_in_dim3A_975 : vector<16xf32>
        %get3A_1552 = arith.constant 480 : index
        %get3A_1553 = tpu.vector_load %arg11[%get3A_1552] {strides = array<i32>} : memref<768xf32, #tpu.memory_space<vmem>>, vector<16xf32>,
        %get3A_1554 = vector.shape_cast %get3A_1553 : vector<16xf32> to vector<16xf32>
        %mul3A_1555 = arith.mulf %mul3A_1551, %get3A_1554 : vector<16xf32>
        %get3A_1556 = arith.constant 480 : index
        %get3A_1557 = tpu.vector_load %arg12[%get3A_1556] {strides = array<i32>} : memref<768xf32, #tpu.memory_space<vmem>>, vector<16xf32>,
        %get3A_1558 = vector.shape_cast %get3A_1557 : vector<16xf32> to vector<16xf32>
        %add3A_1559 = arith.addf %mul3A_1555, %get3A_1558 : vector<16xf32>
        %swap3A_1560 = arith.index_cast %scan3A_25 : i32 to index
        %swap3A_1561 = arith.constant 480 : index
        %swap3A_1562 = tpu.vector_load %arg9[%swap3A_1560, %swap3A_1561] {strides = array<i32>} : memref<64x768xf32, #tpu.memory_space<vmem>>, vector<1x16xf32>,
        %swap3A_1563 = vector.shape_cast %swap3A_1562 : vector<1x16xf32> to vector<16xf32>
        %swap3A_1564 = vector.shape_cast %add3A_1559 : vector<16xf32> to vector<1x16xf32>
        tpu.vector_store %arg9[%swap3A_1560, %swap3A_1561], %swap3A_1564 {strides = array<i32>} : memref<64x768xf32, #tpu.memory_space<vmem>>, vector<1x16xf32>,
        %get3A_1565 = arith.index_cast %scan3A_25 : i32 to index
        %get3A_1566 = arith.constant 496 : index
        %get3A_1567 = tpu.vector_load %arg9[%get3A_1565, %get3A_1566] {strides = array<i32>} : memref<64x768xf32, #tpu.memory_space<vmem>>, vector<1x16xf32>,
        %get3A_1568 = vector.shape_cast %get3A_1567 : vector<1x16xf32> to vector<16xf32>
        %sub3A_1569 = arith.subf %get3A_1568, %broadcast_in_dim3A_940 : vector<16xf32>
        %mul3A_1570 = arith.mulf %sub3A_1569, %broadcast_in_dim3A_975 : vector<16xf32>
        %get3A_1571 = arith.constant 496 : index
        %get3A_1572 = tpu.vector_load %arg11[%get3A_1571] {strides = array<i32>} : memref<768xf32, #tpu.memory_space<vmem>>, vector<16xf32>,
        %get3A_1573 = vector.shape_cast %get3A_1572 : vector<16xf32> to vector<16xf32>
        %mul3A_1574 = arith.mulf %mul3A_1570, %get3A_1573 : vector<16xf32>
        %get3A_1575 = arith.constant 496 : index
        %get3A_1576 = tpu.vector_load %arg12[%get3A_1575] {strides = array<i32>} : memref<768xf32, #tpu.memory_space<vmem>>, vector<16xf32>,
        %get3A_1577 = vector.shape_cast %get3A_1576 : vector<16xf32> to vector<16xf32>
        %add3A_1578 = arith.addf %mul3A_1574, %get3A_1577 : vector<16xf32>
        %swap3A_1579 = arith.index_cast %scan3A_25 : i32 to index
        %swap3A_1580 = arith.constant 496 : index
        %swap3A_1581 = tpu.vector_load %arg9[%swap3A_1579, %swap3A_1580] {strides = array<i32>} : memref<64x768xf32, #tpu.memory_space<vmem>>, vector<1x16xf32>,
        %swap3A_1582 = vector.shape_cast %swap3A_1581 : vector<1x16xf32> to vector<16xf32>
        %swap3A_1583 = vector.shape_cast %add3A_1578 : vector<16xf32> to vector<1x16xf32>
        tpu.vector_store %arg9[%swap3A_1579, %swap3A_1580], %swap3A_1583 {strides = array<i32>} : memref<64x768xf32, #tpu.memory_space<vmem>>, vector<1x16xf32>,
        %get3A_1584 = arith.index_cast %scan3A_25 : i32 to index
        %get3A_1585 = arith.constant 512 : index
        %get3A_1586 = tpu.vector_load %arg9[%get3A_1584, %get3A_1585] {strides = array<i32>} : memref<64x768xf32, #tpu.memory_space<vmem>>, vector<1x16xf32>,
        %get3A_1587 = vector.shape_cast %get3A_1586 : vector<1x16xf32> to vector<16xf32>
        %sub3A_1588 = arith.subf %get3A_1587, %broadcast_in_dim3A_940 : vector<16xf32>
        %mul3A_1589 = arith.mulf %sub3A_1588, %broadcast_in_dim3A_975 : vector<16xf32>
        %get3A_1590 = arith.constant 512 : index
        %get3A_1591 = tpu.vector_load %arg11[%get3A_1590] {strides = array<i32>} : memref<768xf32, #tpu.memory_space<vmem>>, vector<16xf32>,
        %get3A_1592 = vector.shape_cast %get3A_1591 : vector<16xf32> to vector<16xf32>
        %mul3A_1593 = arith.mulf %mul3A_1589, %get3A_1592 : vector<16xf32>
        %get3A_1594 = arith.constant 512 : index
        %get3A_1595 = tpu.vector_load %arg12[%get3A_1594] {strides = array<i32>} : memref<768xf32, #tpu.memory_space<vmem>>, vector<16xf32>,
        %get3A_1596 = vector.shape_cast %get3A_1595 : vector<16xf32> to vector<16xf32>
        %add3A_1597 = arith.addf %mul3A_1593, %get3A_1596 : vector<16xf32>
        %swap3A_1598 = arith.index_cast %scan3A_25 : i32 to index
        %swap3A_1599 = arith.constant 512 : index
        %swap3A_1600 = tpu.vector_load %arg9[%swap3A_1598, %swap3A_1599] {strides = array<i32>} : memref<64x768xf32, #tpu.memory_space<vmem>>, vector<1x16xf32>,
        %swap3A_1601 = vector.shape_cast %swap3A_1600 : vector<1x16xf32> to vector<16xf32>
        %swap3A_1602 = vector.shape_cast %add3A_1597 : vector<16xf32> to vector<1x16xf32>
        tpu.vector_store %arg9[%swap3A_1598, %swap3A_1599], %swap3A_1602 {strides = array<i32>} : memref<64x768xf32, #tpu.memory_space<vmem>>, vector<1x16xf32>,
        %get3A_1603 = arith.index_cast %scan3A_25 : i32 to index
        %get3A_1604 = arith.constant 528 : index
        %get3A_1605 = tpu.vector_load %arg9[%get3A_1603, %get3A_1604] {strides = array<i32>} : memref<64x768xf32, #tpu.memory_space<vmem>>, vector<1x16xf32>,
        %get3A_1606 = vector.shape_cast %get3A_1605 : vector<1x16xf32> to vector<16xf32>
        %sub3A_1607 = arith.subf %get3A_1606, %broadcast_in_dim3A_940 : vector<16xf32>
        %mul3A_1608 = arith.mulf %sub3A_1607, %broadcast_in_dim3A_975 : vector<16xf32>
        %get3A_1609 = arith.constant 528 : index
        %get3A_1610 = tpu.vector_load %arg11[%get3A_1609] {strides = array<i32>} : memref<768xf32, #tpu.memory_space<vmem>>, vector<16xf32>,
        %get3A_1611 = vector.shape_cast %get3A_1610 : vector<16xf32> to vector<16xf32>
        %mul3A_1612 = arith.mulf %mul3A_1608, %get3A_1611 : vector<16xf32>
        %get3A_1613 = arith.constant 528 : index
        %get3A_1614 = tpu.vector_load %arg12[%get3A_1613] {strides = array<i32>} : memref<768xf32, #tpu.memory_space<vmem>>, vector<16xf32>,
        %get3A_1615 = vector.shape_cast %get3A_1614 : vector<16xf32> to vector<16xf32>
        %add3A_1616 = arith.addf %mul3A_1612, %get3A_1615 : vector<16xf32>
        %swap3A_1617 = arith.index_cast %scan3A_25 : i32 to index
        %swap3A_1618 = arith.constant 528 : index
        %swap3A_1619 = tpu.vector_load %arg9[%swap3A_1617, %swap3A_1618] {strides = array<i32>} : memref<64x768xf32, #tpu.memory_space<vmem>>, vector<1x16xf32>,
        %swap3A_1620 = vector.shape_cast %swap3A_1619 : vector<1x16xf32> to vector<16xf32>
        %swap3A_1621 = vector.shape_cast %add3A_1616 : vector<16xf32> to vector<1x16xf32>
        tpu.vector_store %arg9[%swap3A_1617, %swap3A_1618], %swap3A_1621 {strides = array<i32>} : memref<64x768xf32, #tpu.memory_space<vmem>>, vector<1x16xf32>,
        %get3A_1622 = arith.index_cast %scan3A_25 : i32 to index
        %get3A_1623 = arith.constant 544 : index
        %get3A_1624 = tpu.vector_load %arg9[%get3A_1622, %get3A_1623] {strides = array<i32>} : memref<64x768xf32, #tpu.memory_space<vmem>>, vector<1x16xf32>,
        %get3A_1625 = vector.shape_cast %get3A_1624 : vector<1x16xf32> to vector<16xf32>
        %sub3A_1626 = arith.subf %get3A_1625, %broadcast_in_dim3A_940 : vector<16xf32>
        %mul3A_1627 = arith.mulf %sub3A_1626, %broadcast_in_dim3A_975 : vector<16xf32>
        %get3A_1628 = arith.constant 544 : index
        %get3A_1629 = tpu.vector_load %arg11[%get3A_1628] {strides = array<i32>} : memref<768xf32, #tpu.memory_space<vmem>>, vector<16xf32>,
        %get3A_1630 = vector.shape_cast %get3A_1629 : vector<16xf32> to vector<16xf32>
        %mul3A_1631 = arith.mulf %mul3A_1627, %get3A_1630 : vector<16xf32>
        %get3A_1632 = arith.constant 544 : index
        %get3A_1633 = tpu.vector_load %arg12[%get3A_1632] {strides = array<i32>} : memref<768xf32, #tpu.memory_space<vmem>>, vector<16xf32>,
        %get3A_1634 = vector.shape_cast %get3A_1633 : vector<16xf32> to vector<16xf32>
        %add3A_1635 = arith.addf %mul3A_1631, %get3A_1634 : vector<16xf32>
        %swap3A_1636 = arith.index_cast %scan3A_25 : i32 to index
        %swap3A_1637 = arith.constant 544 : index
        %swap3A_1638 = tpu.vector_load %arg9[%swap3A_1636, %swap3A_1637] {strides = array<i32>} : memref<64x768xf32, #tpu.memory_space<vmem>>, vector<1x16xf32>,
        %swap3A_1639 = vector.shape_cast %swap3A_1638 : vector<1x16xf32> to vector<16xf32>
        %swap3A_1640 = vector.shape_cast %add3A_1635 : vector<16xf32> to vector<1x16xf32>
        tpu.vector_store %arg9[%swap3A_1636, %swap3A_1637], %swap3A_1640 {strides = array<i32>} : memref<64x768xf32, #tpu.memory_space<vmem>>, vector<1x16xf32>,
        %get3A_1641 = arith.index_cast %scan3A_25 : i32 to index
        %get3A_1642 = arith.constant 560 : index
        %get3A_1643 = tpu.vector_load %arg9[%get3A_1641, %get3A_1642] {strides = array<i32>} : memref<64x768xf32, #tpu.memory_space<vmem>>, vector<1x16xf32>,
        %get3A_1644 = vector.shape_cast %get3A_1643 : vector<1x16xf32> to vector<16xf32>
        %sub3A_1645 = arith.subf %get3A_1644, %broadcast_in_dim3A_940 : vector<16xf32>
        %mul3A_1646 = arith.mulf %sub3A_1645, %broadcast_in_dim3A_975 : vector<16xf32>
        %get3A_1647 = arith.constant 560 : index
        %get3A_1648 = tpu.vector_load %arg11[%get3A_1647] {strides = array<i32>} : memref<768xf32, #tpu.memory_space<vmem>>, vector<16xf32>,
        %get3A_1649 = vector.shape_cast %get3A_1648 : vector<16xf32> to vector<16xf32>
        %mul3A_1650 = arith.mulf %mul3A_1646, %get3A_1649 : vector<16xf32>
        %get3A_1651 = arith.constant 560 : index
        %get3A_1652 = tpu.vector_load %arg12[%get3A_1651] {strides = array<i32>} : memref<768xf32, #tpu.memory_space<vmem>>, vector<16xf32>,
        %get3A_1653 = vector.shape_cast %get3A_1652 : vector<16xf32> to vector<16xf32>
        %add3A_1654 = arith.addf %mul3A_1650, %get3A_1653 : vector<16xf32>
        %swap3A_1655 = arith.index_cast %scan3A_25 : i32 to index
        %swap3A_1656 = arith.constant 560 : index
        %swap3A_1657 = tpu.vector_load %arg9[%swap3A_1655, %swap3A_1656] {strides = array<i32>} : memref<64x768xf32, #tpu.memory_space<vmem>>, vector<1x16xf32>,
        %swap3A_1658 = vector.shape_cast %swap3A_1657 : vector<1x16xf32> to vector<16xf32>
        %swap3A_1659 = vector.shape_cast %add3A_1654 : vector<16xf32> to vector<1x16xf32>
        tpu.vector_store %arg9[%swap3A_1655, %swap3A_1656], %swap3A_1659 {strides = array<i32>} : memref<64x768xf32, #tpu.memory_space<vmem>>, vector<1x16xf32>,
        %get3A_1660 = arith.index_cast %scan3A_25 : i32 to index
        %get3A_1661 = arith.constant 576 : index
        %get3A_1662 = tpu.vector_load %arg9[%get3A_1660, %get3A_1661] {strides = array<i32>} : memref<64x768xf32, #tpu.memory_space<vmem>>, vector<1x16xf32>,
        %get3A_1663 = vector.shape_cast %get3A_1662 : vector<1x16xf32> to vector<16xf32>
        %sub3A_1664 = arith.subf %get3A_1663, %broadcast_in_dim3A_940 : vector<16xf32>
        %mul3A_1665 = arith.mulf %sub3A_1664, %broadcast_in_dim3A_975 : vector<16xf32>
        %get3A_1666 = arith.constant 576 : index
        %get3A_1667 = tpu.vector_load %arg11[%get3A_1666] {strides = array<i32>} : memref<768xf32, #tpu.memory_space<vmem>>, vector<16xf32>,
        %get3A_1668 = vector.shape_cast %get3A_1667 : vector<16xf32> to vector<16xf32>
        %mul3A_1669 = arith.mulf %mul3A_1665, %get3A_1668 : vector<16xf32>
        %get3A_1670 = arith.constant 576 : index
        %get3A_1671 = tpu.vector_load %arg12[%get3A_1670] {strides = array<i32>} : memref<768xf32, #tpu.memory_space<vmem>>, vector<16xf32>,
        %get3A_1672 = vector.shape_cast %get3A_1671 : vector<16xf32> to vector<16xf32>
        %add3A_1673 = arith.addf %mul3A_1669, %get3A_1672 : vector<16xf32>
        %swap3A_1674 = arith.index_cast %scan3A_25 : i32 to index
        %swap3A_1675 = arith.constant 576 : index
        %swap3A_1676 = tpu.vector_load %arg9[%swap3A_1674, %swap3A_1675] {strides = array<i32>} : memref<64x768xf32, #tpu.memory_space<vmem>>, vector<1x16xf32>,
        %swap3A_1677 = vector.shape_cast %swap3A_1676 : vector<1x16xf32> to vector<16xf32>
        %swap3A_1678 = vector.shape_cast %add3A_1673 : vector<16xf32> to vector<1x16xf32>
        tpu.vector_store %arg9[%swap3A_1674, %swap3A_1675], %swap3A_1678 {strides = array<i32>} : memref<64x768xf32, #tpu.memory_space<vmem>>, vector<1x16xf32>,
        %get3A_1679 = arith.index_cast %scan3A_25 : i32 to index
        %get3A_1680 = arith.constant 592 : index
        %get3A_1681 = tpu.vector_load %arg9[%get3A_1679, %get3A_1680] {strides = array<i32>} : memref<64x768xf32, #tpu.memory_space<vmem>>, vector<1x16xf32>,
        %get3A_1682 = vector.shape_cast %get3A_1681 : vector<1x16xf32> to vector<16xf32>
        %sub3A_1683 = arith.subf %get3A_1682, %broadcast_in_dim3A_940 : vector<16xf32>
        %mul3A_1684 = arith.mulf %sub3A_1683, %broadcast_in_dim3A_975 : vector<16xf32>
        %get3A_1685 = arith.constant 592 : index
        %get3A_1686 = tpu.vector_load %arg11[%get3A_1685] {strides = array<i32>} : memref<768xf32, #tpu.memory_space<vmem>>, vector<16xf32>,
        %get3A_1687 = vector.shape_cast %get3A_1686 : vector<16xf32> to vector<16xf32>
        %mul3A_1688 = arith.mulf %mul3A_1684, %get3A_1687 : vector<16xf32>
        %get3A_1689 = arith.constant 592 : index
        %get3A_1690 = tpu.vector_load %arg12[%get3A_1689] {strides = array<i32>} : memref<768xf32, #tpu.memory_space<vmem>>, vector<16xf32>,
        %get3A_1691 = vector.shape_cast %get3A_1690 : vector<16xf32> to vector<16xf32>
        %add3A_1692 = arith.addf %mul3A_1688, %get3A_1691 : vector<16xf32>
        %swap3A_1693 = arith.index_cast %scan3A_25 : i32 to index
        %swap3A_1694 = arith.constant 592 : index
        %swap3A_1695 = tpu.vector_load %arg9[%swap3A_1693, %swap3A_1694] {strides = array<i32>} : memref<64x768xf32, #tpu.memory_space<vmem>>, vector<1x16xf32>,
        %swap3A_1696 = vector.shape_cast %swap3A_1695 : vector<1x16xf32> to vector<16xf32>
        %swap3A_1697 = vector.shape_cast %add3A_1692 : vector<16xf32> to vector<1x16xf32>
        tpu.vector_store %arg9[%swap3A_1693, %swap3A_1694], %swap3A_1697 {strides = array<i32>} : memref<64x768xf32, #tpu.memory_space<vmem>>, vector<1x16xf32>,
        %get3A_1698 = arith.index_cast %scan3A_25 : i32 to index
        %get3A_1699 = arith.constant 608 : index
        %get3A_1700 = tpu.vector_load %arg9[%get3A_1698, %get3A_1699] {strides = array<i32>} : memref<64x768xf32, #tpu.memory_space<vmem>>, vector<1x16xf32>,
        %get3A_1701 = vector.shape_cast %get3A_1700 : vector<1x16xf32> to vector<16xf32>
        %sub3A_1702 = arith.subf %get3A_1701, %broadcast_in_dim3A_940 : vector<16xf32>
        %mul3A_1703 = arith.mulf %sub3A_1702, %broadcast_in_dim3A_975 : vector<16xf32>
        %get3A_1704 = arith.constant 608 : index
        %get3A_1705 = tpu.vector_load %arg11[%get3A_1704] {strides = array<i32>} : memref<768xf32, #tpu.memory_space<vmem>>, vector<16xf32>,
        %get3A_1706 = vector.shape_cast %get3A_1705 : vector<16xf32> to vector<16xf32>
        %mul3A_1707 = arith.mulf %mul3A_1703, %get3A_1706 : vector<16xf32>
        %get3A_1708 = arith.constant 608 : index
        %get3A_1709 = tpu.vector_load %arg12[%get3A_1708] {strides = array<i32>} : memref<768xf32, #tpu.memory_space<vmem>>, vector<16xf32>,
        %get3A_1710 = vector.shape_cast %get3A_1709 : vector<16xf32> to vector<16xf32>
        %add3A_1711 = arith.addf %mul3A_1707, %get3A_1710 : vector<16xf32>
        %swap3A_1712 = arith.index_cast %scan3A_25 : i32 to index
        %swap3A_1713 = arith.constant 608 : index
        %swap3A_1714 = tpu.vector_load %arg9[%swap3A_1712, %swap3A_1713] {strides = array<i32>} : memref<64x768xf32, #tpu.memory_space<vmem>>, vector<1x16xf32>,
        %swap3A_1715 = vector.shape_cast %swap3A_1714 : vector<1x16xf32> to vector<16xf32>
        %swap3A_1716 = vector.shape_cast %add3A_1711 : vector<16xf32> to vector<1x16xf32>
        tpu.vector_store %arg9[%swap3A_1712, %swap3A_1713], %swap3A_1716 {strides = array<i32>} : memref<64x768xf32, #tpu.memory_space<vmem>>, vector<1x16xf32>,
        %get3A_1717 = arith.index_cast %scan3A_25 : i32 to index
        %get3A_1718 = arith.constant 624 : index
        %get3A_1719 = tpu.vector_load %arg9[%get3A_1717, %get3A_1718] {strides = array<i32>} : memref<64x768xf32, #tpu.memory_space<vmem>>, vector<1x16xf32>,
        %get3A_1720 = vector.shape_cast %get3A_1719 : vector<1x16xf32> to vector<16xf32>
        %sub3A_1721 = arith.subf %get3A_1720, %broadcast_in_dim3A_940 : vector<16xf32>
        %mul3A_1722 = arith.mulf %sub3A_1721, %broadcast_in_dim3A_975 : vector<16xf32>
        %get3A_1723 = arith.constant 624 : index
        %get3A_1724 = tpu.vector_load %arg11[%get3A_1723] {strides = array<i32>} : memref<768xf32, #tpu.memory_space<vmem>>, vector<16xf32>,
        %get3A_1725 = vector.shape_cast %get3A_1724 : vector<16xf32> to vector<16xf32>
        %mul3A_1726 = arith.mulf %mul3A_1722, %get3A_1725 : vector<16xf32>
        %get3A_1727 = arith.constant 624 : index
        %get3A_1728 = tpu.vector_load %arg12[%get3A_1727] {strides = array<i32>} : memref<768xf32, #tpu.memory_space<vmem>>, vector<16xf32>,
        %get3A_1729 = vector.shape_cast %get3A_1728 : vector<16xf32> to vector<16xf32>
        %add3A_1730 = arith.addf %mul3A_1726, %get3A_1729 : vector<16xf32>
        %swap3A_1731 = arith.index_cast %scan3A_25 : i32 to index
        %swap3A_1732 = arith.constant 624 : index
        %swap3A_1733 = tpu.vector_load %arg9[%swap3A_1731, %swap3A_1732] {strides = array<i32>} : memref<64x768xf32, #tpu.memory_space<vmem>>, vector<1x16xf32>,
        %swap3A_1734 = vector.shape_cast %swap3A_1733 : vector<1x16xf32> to vector<16xf32>
        %swap3A_1735 = vector.shape_cast %add3A_1730 : vector<16xf32> to vector<1x16xf32>
        tpu.vector_store %arg9[%swap3A_1731, %swap3A_1732], %swap3A_1735 {strides = array<i32>} : memref<64x768xf32, #tpu.memory_space<vmem>>, vector<1x16xf32>,
        %get3A_1736 = arith.index_cast %scan3A_25 : i32 to index
        %get3A_1737 = arith.constant 640 : index
        %get3A_1738 = tpu.vector_load %arg9[%get3A_1736, %get3A_1737] {strides = array<i32>} : memref<64x768xf32, #tpu.memory_space<vmem>>, vector<1x16xf32>,
        %get3A_1739 = vector.shape_cast %get3A_1738 : vector<1x16xf32> to vector<16xf32>
        %sub3A_1740 = arith.subf %get3A_1739, %broadcast_in_dim3A_940 : vector<16xf32>
        %mul3A_1741 = arith.mulf %sub3A_1740, %broadcast_in_dim3A_975 : vector<16xf32>
        %get3A_1742 = arith.constant 640 : index
        %get3A_1743 = tpu.vector_load %arg11[%get3A_1742] {strides = array<i32>} : memref<768xf32, #tpu.memory_space<vmem>>, vector<16xf32>,
        %get3A_1744 = vector.shape_cast %get3A_1743 : vector<16xf32> to vector<16xf32>
        %mul3A_1745 = arith.mulf %mul3A_1741, %get3A_1744 : vector<16xf32>
        %get3A_1746 = arith.constant 640 : index
        %get3A_1747 = tpu.vector_load %arg12[%get3A_1746] {strides = array<i32>} : memref<768xf32, #tpu.memory_space<vmem>>, vector<16xf32>,
        %get3A_1748 = vector.shape_cast %get3A_1747 : vector<16xf32> to vector<16xf32>
        %add3A_1749 = arith.addf %mul3A_1745, %get3A_1748 : vector<16xf32>
        %swap3A_1750 = arith.index_cast %scan3A_25 : i32 to index
        %swap3A_1751 = arith.constant 640 : index
        %swap3A_1752 = tpu.vector_load %arg9[%swap3A_1750, %swap3A_1751] {strides = array<i32>} : memref<64x768xf32, #tpu.memory_space<vmem>>, vector<1x16xf32>,
        %swap3A_1753 = vector.shape_cast %swap3A_1752 : vector<1x16xf32> to vector<16xf32>
        %swap3A_1754 = vector.shape_cast %add3A_1749 : vector<16xf32> to vector<1x16xf32>
        tpu.vector_store %arg9[%swap3A_1750, %swap3A_1751], %swap3A_1754 {strides = array<i32>} : memref<64x768xf32, #tpu.memory_space<vmem>>, vector<1x16xf32>,
        %get3A_1755 = arith.index_cast %scan3A_25 : i32 to index
        %get3A_1756 = arith.constant 656 : index
        %get3A_1757 = tpu.vector_load %arg9[%get3A_1755, %get3A_1756] {strides = array<i32>} : memref<64x768xf32, #tpu.memory_space<vmem>>, vector<1x16xf32>,
        %get3A_1758 = vector.shape_cast %get3A_1757 : vector<1x16xf32> to vector<16xf32>
        %sub3A_1759 = arith.subf %get3A_1758, %broadcast_in_dim3A_940 : vector<16xf32>
        %mul3A_1760 = arith.mulf %sub3A_1759, %broadcast_in_dim3A_975 : vector<16xf32>
        %get3A_1761 = arith.constant 656 : index
        %get3A_1762 = tpu.vector_load %arg11[%get3A_1761] {strides = array<i32>} : memref<768xf32, #tpu.memory_space<vmem>>, vector<16xf32>,
        %get3A_1763 = vector.shape_cast %get3A_1762 : vector<16xf32> to vector<16xf32>
        %mul3A_1764 = arith.mulf %mul3A_1760, %get3A_1763 : vector<16xf32>
        %get3A_1765 = arith.constant 656 : index
        %get3A_1766 = tpu.vector_load %arg12[%get3A_1765] {strides = array<i32>} : memref<768xf32, #tpu.memory_space<vmem>>, vector<16xf32>,
        %get3A_1767 = vector.shape_cast %get3A_1766 : vector<16xf32> to vector<16xf32>
        %add3A_1768 = arith.addf %mul3A_1764, %get3A_1767 : vector<16xf32>
        %swap3A_1769 = arith.index_cast %scan3A_25 : i32 to index
        %swap3A_1770 = arith.constant 656 : index
        %swap3A_1771 = tpu.vector_load %arg9[%swap3A_1769, %swap3A_1770] {strides = array<i32>} : memref<64x768xf32, #tpu.memory_space<vmem>>, vector<1x16xf32>,
        %swap3A_1772 = vector.shape_cast %swap3A_1771 : vector<1x16xf32> to vector<16xf32>
        %swap3A_1773 = vector.shape_cast %add3A_1768 : vector<16xf32> to vector<1x16xf32>
        tpu.vector_store %arg9[%swap3A_1769, %swap3A_1770], %swap3A_1773 {strides = array<i32>} : memref<64x768xf32, #tpu.memory_space<vmem>>, vector<1x16xf32>,
        %get3A_1774 = arith.index_cast %scan3A_25 : i32 to index
        %get3A_1775 = arith.constant 672 : index
        %get3A_1776 = tpu.vector_load %arg9[%get3A_1774, %get3A_1775] {strides = array<i32>} : memref<64x768xf32, #tpu.memory_space<vmem>>, vector<1x16xf32>,
        %get3A_1777 = vector.shape_cast %get3A_1776 : vector<1x16xf32> to vector<16xf32>
        %sub3A_1778 = arith.subf %get3A_1777, %broadcast_in_dim3A_940 : vector<16xf32>
        %mul3A_1779 = arith.mulf %sub3A_1778, %broadcast_in_dim3A_975 : vector<16xf32>
        %get3A_1780 = arith.constant 672 : index
        %get3A_1781 = tpu.vector_load %arg11[%get3A_1780] {strides = array<i32>} : memref<768xf32, #tpu.memory_space<vmem>>, vector<16xf32>,
        %get3A_1782 = vector.shape_cast %get3A_1781 : vector<16xf32> to vector<16xf32>
        %mul3A_1783 = arith.mulf %mul3A_1779, %get3A_1782 : vector<16xf32>
        %get3A_1784 = arith.constant 672 : index
        %get3A_1785 = tpu.vector_load %arg12[%get3A_1784] {strides = array<i32>} : memref<768xf32, #tpu.memory_space<vmem>>, vector<16xf32>,
        %get3A_1786 = vector.shape_cast %get3A_1785 : vector<16xf32> to vector<16xf32>
        %add3A_1787 = arith.addf %mul3A_1783, %get3A_1786 : vector<16xf32>
        %swap3A_1788 = arith.index_cast %scan3A_25 : i32 to index
        %swap3A_1789 = arith.constant 672 : index
        %swap3A_1790 = tpu.vector_load %arg9[%swap3A_1788, %swap3A_1789] {strides = array<i32>} : memref<64x768xf32, #tpu.memory_space<vmem>>, vector<1x16xf32>,
        %swap3A_1791 = vector.shape_cast %swap3A_1790 : vector<1x16xf32> to vector<16xf32>
        %swap3A_1792 = vector.shape_cast %add3A_1787 : vector<16xf32> to vector<1x16xf32>
        tpu.vector_store %arg9[%swap3A_1788, %swap3A_1789], %swap3A_1792 {strides = array<i32>} : memref<64x768xf32, #tpu.memory_space<vmem>>, vector<1x16xf32>,
        %get3A_1793 = arith.index_cast %scan3A_25 : i32 to index
        %get3A_1794 = arith.constant 688 : index
        %get3A_1795 = tpu.vector_load %arg9[%get3A_1793, %get3A_1794] {strides = array<i32>} : memref<64x768xf32, #tpu.memory_space<vmem>>, vector<1x16xf32>,
        %get3A_1796 = vector.shape_cast %get3A_1795 : vector<1x16xf32> to vector<16xf32>
        %sub3A_1797 = arith.subf %get3A_1796, %broadcast_in_dim3A_940 : vector<16xf32>
        %mul3A_1798 = arith.mulf %sub3A_1797, %broadcast_in_dim3A_975 : vector<16xf32>
        %get3A_1799 = arith.constant 688 : index
        %get3A_1800 = tpu.vector_load %arg11[%get3A_1799] {strides = array<i32>} : memref<768xf32, #tpu.memory_space<vmem>>, vector<16xf32>,
        %get3A_1801 = vector.shape_cast %get3A_1800 : vector<16xf32> to vector<16xf32>
        %mul3A_1802 = arith.mulf %mul3A_1798, %get3A_1801 : vector<16xf32>
        %get3A_1803 = arith.constant 688 : index
        %get3A_1804 = tpu.vector_load %arg12[%get3A_1803] {strides = array<i32>} : memref<768xf32, #tpu.memory_space<vmem>>, vector<16xf32>,
        %get3A_1805 = vector.shape_cast %get3A_1804 : vector<16xf32> to vector<16xf32>
        %add3A_1806 = arith.addf %mul3A_1802, %get3A_1805 : vector<16xf32>
        %swap3A_1807 = arith.index_cast %scan3A_25 : i32 to index
        %swap3A_1808 = arith.constant 688 : index
        %swap3A_1809 = tpu.vector_load %arg9[%swap3A_1807, %swap3A_1808] {strides = array<i32>} : memref<64x768xf32, #tpu.memory_space<vmem>>, vector<1x16xf32>,
        %swap3A_1810 = vector.shape_cast %swap3A_1809 : vector<1x16xf32> to vector<16xf32>
        %swap3A_1811 = vector.shape_cast %add3A_1806 : vector<16xf32> to vector<1x16xf32>
        tpu.vector_store %arg9[%swap3A_1807, %swap3A_1808], %swap3A_1811 {strides = array<i32>} : memref<64x768xf32, #tpu.memory_space<vmem>>, vector<1x16xf32>,
        %get3A_1812 = arith.index_cast %scan3A_25 : i32 to index
        %get3A_1813 = arith.constant 704 : index
        %get3A_1814 = tpu.vector_load %arg9[%get3A_1812, %get3A_1813] {strides = array<i32>} : memref<64x768xf32, #tpu.memory_space<vmem>>, vector<1x16xf32>,
        %get3A_1815 = vector.shape_cast %get3A_1814 : vector<1x16xf32> to vector<16xf32>
        %sub3A_1816 = arith.subf %get3A_1815, %broadcast_in_dim3A_940 : vector<16xf32>
        %mul3A_1817 = arith.mulf %sub3A_1816, %broadcast_in_dim3A_975 : vector<16xf32>
        %get3A_1818 = arith.constant 704 : index
        %get3A_1819 = tpu.vector_load %arg11[%get3A_1818] {strides = array<i32>} : memref<768xf32, #tpu.memory_space<vmem>>, vector<16xf32>,
        %get3A_1820 = vector.shape_cast %get3A_1819 : vector<16xf32> to vector<16xf32>
        %mul3A_1821 = arith.mulf %mul3A_1817, %get3A_1820 : vector<16xf32>
        %get3A_1822 = arith.constant 704 : index
        %get3A_1823 = tpu.vector_load %arg12[%get3A_1822] {strides = array<i32>} : memref<768xf32, #tpu.memory_space<vmem>>, vector<16xf32>,
        %get3A_1824 = vector.shape_cast %get3A_1823 : vector<16xf32> to vector<16xf32>
        %add3A_1825 = arith.addf %mul3A_1821, %get3A_1824 : vector<16xf32>
        %swap3A_1826 = arith.index_cast %scan3A_25 : i32 to index
        %swap3A_1827 = arith.constant 704 : index
        %swap3A_1828 = tpu.vector_load %arg9[%swap3A_1826, %swap3A_1827] {strides = array<i32>} : memref<64x768xf32, #tpu.memory_space<vmem>>, vector<1x16xf32>,
        %swap3A_1829 = vector.shape_cast %swap3A_1828 : vector<1x16xf32> to vector<16xf32>
        %swap3A_1830 = vector.shape_cast %add3A_1825 : vector<16xf32> to vector<1x16xf32>
        tpu.vector_store %arg9[%swap3A_1826, %swap3A_1827], %swap3A_1830 {strides = array<i32>} : memref<64x768xf32, #tpu.memory_space<vmem>>, vector<1x16xf32>,
        %get3A_1831 = arith.index_cast %scan3A_25 : i32 to index
        %get3A_1832 = arith.constant 720 : index
        %get3A_1833 = tpu.vector_load %arg9[%get3A_1831, %get3A_1832] {strides = array<i32>} : memref<64x768xf32, #tpu.memory_space<vmem>>, vector<1x16xf32>,
        %get3A_1834 = vector.shape_cast %get3A_1833 : vector<1x16xf32> to vector<16xf32>
        %sub3A_1835 = arith.subf %get3A_1834, %broadcast_in_dim3A_940 : vector<16xf32>
        %mul3A_1836 = arith.mulf %sub3A_1835, %broadcast_in_dim3A_975 : vector<16xf32>
        %get3A_1837 = arith.constant 720 : index
        %get3A_1838 = tpu.vector_load %arg11[%get3A_1837] {strides = array<i32>} : memref<768xf32, #tpu.memory_space<vmem>>, vector<16xf32>,
        %get3A_1839 = vector.shape_cast %get3A_1838 : vector<16xf32> to vector<16xf32>
        %mul3A_1840 = arith.mulf %mul3A_1836, %get3A_1839 : vector<16xf32>
        %get3A_1841 = arith.constant 720 : index
        %get3A_1842 = tpu.vector_load %arg12[%get3A_1841] {strides = array<i32>} : memref<768xf32, #tpu.memory_space<vmem>>, vector<16xf32>,
        %get3A_1843 = vector.shape_cast %get3A_1842 : vector<16xf32> to vector<16xf32>
        %add3A_1844 = arith.addf %mul3A_1840, %get3A_1843 : vector<16xf32>
        %swap3A_1845 = arith.index_cast %scan3A_25 : i32 to index
        %swap3A_1846 = arith.constant 720 : index
        %swap3A_1847 = tpu.vector_load %arg9[%swap3A_1845, %swap3A_1846] {strides = array<i32>} : memref<64x768xf32, #tpu.memory_space<vmem>>, vector<1x16xf32>,
        %swap3A_1848 = vector.shape_cast %swap3A_1847 : vector<1x16xf32> to vector<16xf32>
        %swap3A_1849 = vector.shape_cast %add3A_1844 : vector<16xf32> to vector<1x16xf32>
        tpu.vector_store %arg9[%swap3A_1845, %swap3A_1846], %swap3A_1849 {strides = array<i32>} : memref<64x768xf32, #tpu.memory_space<vmem>>, vector<1x16xf32>,
        %get3A_1850 = arith.index_cast %scan3A_25 : i32 to index
        %get3A_1851 = arith.constant 736 : index
        %get3A_1852 = tpu.vector_load %arg9[%get3A_1850, %get3A_1851] {strides = array<i32>} : memref<64x768xf32, #tpu.memory_space<vmem>>, vector<1x16xf32>,
        %get3A_1853 = vector.shape_cast %get3A_1852 : vector<1x16xf32> to vector<16xf32>
        %sub3A_1854 = arith.subf %get3A_1853, %broadcast_in_dim3A_940 : vector<16xf32>
        %mul3A_1855 = arith.mulf %sub3A_1854, %broadcast_in_dim3A_975 : vector<16xf32>
        %get3A_1856 = arith.constant 736 : index
        %get3A_1857 = tpu.vector_load %arg11[%get3A_1856] {strides = array<i32>} : memref<768xf32, #tpu.memory_space<vmem>>, vector<16xf32>,
        %get3A_1858 = vector.shape_cast %get3A_1857 : vector<16xf32> to vector<16xf32>
        %mul3A_1859 = arith.mulf %mul3A_1855, %get3A_1858 : vector<16xf32>
        %get3A_1860 = arith.constant 736 : index
        %get3A_1861 = tpu.vector_load %arg12[%get3A_1860] {strides = array<i32>} : memref<768xf32, #tpu.memory_space<vmem>>, vector<16xf32>,
        %get3A_1862 = vector.shape_cast %get3A_1861 : vector<16xf32> to vector<16xf32>
        %add3A_1863 = arith.addf %mul3A_1859, %get3A_1862 : vector<16xf32>
        %swap3A_1864 = arith.index_cast %scan3A_25 : i32 to index
        %swap3A_1865 = arith.constant 736 : index
        %swap3A_1866 = tpu.vector_load %arg9[%swap3A_1864, %swap3A_1865] {strides = array<i32>} : memref<64x768xf32, #tpu.memory_space<vmem>>, vector<1x16xf32>,
        %swap3A_1867 = vector.shape_cast %swap3A_1866 : vector<1x16xf32> to vector<16xf32>
        %swap3A_1868 = vector.shape_cast %add3A_1863 : vector<16xf32> to vector<1x16xf32>
        tpu.vector_store %arg9[%swap3A_1864, %swap3A_1865], %swap3A_1868 {strides = array<i32>} : memref<64x768xf32, #tpu.memory_space<vmem>>, vector<1x16xf32>,
        %get3A_1869 = arith.index_cast %scan3A_25 : i32 to index
        %get3A_1870 = arith.constant 752 : index
        %get3A_1871 = tpu.vector_load %arg9[%get3A_1869, %get3A_1870] {strides = array<i32>} : memref<64x768xf32, #tpu.memory_space<vmem>>, vector<1x16xf32>,
        %get3A_1872 = vector.shape_cast %get3A_1871 : vector<1x16xf32> to vector<16xf32>
        %sub3A_1873 = arith.subf %get3A_1872, %broadcast_in_dim3A_940 : vector<16xf32>
        %mul3A_1874 = arith.mulf %sub3A_1873, %broadcast_in_dim3A_975 : vector<16xf32>
        %get3A_1875 = arith.constant 752 : index
        %get3A_1876 = tpu.vector_load %arg11[%get3A_1875] {strides = array<i32>} : memref<768xf32, #tpu.memory_space<vmem>>, vector<16xf32>,
        %get3A_1877 = vector.shape_cast %get3A_1876 : vector<16xf32> to vector<16xf32>
        %mul3A_1878 = arith.mulf %mul3A_1874, %get3A_1877 : vector<16xf32>
        %get3A_1879 = arith.constant 752 : index
        %get3A_1880 = tpu.vector_load %arg12[%get3A_1879] {strides = array<i32>} : memref<768xf32, #tpu.memory_space<vmem>>, vector<16xf32>,
        %get3A_1881 = vector.shape_cast %get3A_1880 : vector<16xf32> to vector<16xf32>
        %add3A_1882 = arith.addf %mul3A_1878, %get3A_1881 : vector<16xf32>
        %swap3A_1883 = arith.index_cast %scan3A_25 : i32 to index
        %swap3A_1884 = arith.constant 752 : index
        %swap3A_1885 = tpu.vector_load %arg9[%swap3A_1883, %swap3A_1884] {strides = array<i32>} : memref<64x768xf32, #tpu.memory_space<vmem>>, vector<1x16xf32>,
        %swap3A_1886 = vector.shape_cast %swap3A_1885 : vector<1x16xf32> to vector<16xf32>
        %swap3A_1887 = vector.shape_cast %add3A_1882 : vector<16xf32> to vector<1x16xf32>
        tpu.vector_store %arg9[%swap3A_1883, %swap3A_1884], %swap3A_1887 {strides = array<i32>} : memref<64x768xf32, #tpu.memory_space<vmem>>, vector<1x16xf32>,
      }
      %scan3A_23 = arith.constant 64 : i32
      %add3A_24 = arith.addi %mul3A_2, %mul3A_11 : i32
      "tpu.region"() ({
        %run_scoped3A = tpu.sem_alloc : memref<!tpu.dma_semaphore, #tpu.memory_space<semaphore_mem>>
        %dma_start3A_25 = arith.constant 0 : i32
        %dma_start3A_26 = tpu.memref_slice %arg7[%add3A_24, %dma_start3A_25] : memref<16384x768xf32, #tpu.memory_space<hbm>> -> memref<64x768xf32, #tpu.memory_space<hbm>>
        %dma_start3A_27 = arith.constant 0 : i32
        %dma_start3A_28 = tpu.memref_slice %arg7[%add3A_24, %dma_start3A_27] : memref<16384x768xf32, #tpu.memory_space<hbm>> -> memref<64x768xf32, #tpu.memory_space<hbm>>
        tpu.enqueue_dma source(%arg9 : memref<64x768xf32, #tpu.memory_space<vmem>>) target(%dma_start3A_28 : memref<64x768xf32, #tpu.memory_space<hbm>>) target_semaphore(%run_scoped3A : memref<!tpu.dma_semaphore, #tpu.memory_space<semaphore_mem>>)
        %dma_wait3A_29 = arith.constant 0 : i32
        %dma_wait3A_30 = tpu.memref_slice %arg7[%add3A_24, %dma_wait3A_29] : memref<16384x768xf32, #tpu.memory_space<hbm>> -> memref<64x768xf32, #tpu.memory_space<hbm>>
        %dma_wait3A_31 = arith.constant 0 : i32
        %dma_wait3A_32 = tpu.memref_slice %arg7[%add3A_24, %dma_wait3A_31] : memref<16384x768xf32, #tpu.memory_space<hbm>> -> memref<64x768xf32, #tpu.memory_space<hbm>>
        tpu.wait_dma2 semaphore(%run_scoped3A : memref<!tpu.dma_semaphore, #tpu.memory_space<semaphore_mem>>) src(%arg9 : memref<64x768xf32, #tpu.memory_space<vmem>>) dst(%dma_wait3A_32 : memref<64x768xf32, #tpu.memory_space<hbm>>)
        tpu.yield
      }) : () -> ()
    }
    %scan3A_8 = arith.constant 8 : i32
    return
  }
}

</mosaic_0001>

<sc_bundles>
// kernel: kernel.3.cloned.1.call-start
scs
__scs_entry_jumppad:
0x0: {  	(pc) =	sbr.rel $0x88, $3  }
0x1: {  	(tag) =	ssettag $0x0;
	lr =	simm.s32 $0x1  }
0x2: {  	[smem:$0x3F9C] =	sst lr;
	_ =	strace $0xD0000000  }
0x3: {  	_ = 	snop  }
0x4: {  	_ = 	snop  }
0x5: {  	_ = 	snop  }
0x6: {  	_ = 	snop  }
0x7: {  	_ = 	snop  }
__scs_overlays_trampoline_lowered:
0x8: {  	[smem:$0x3FAB] =	sst s0  }
0x9: {  	[smem:$0x3FAC] =	sst s1  }
0xa: {  	[smem:$0x3FAD] =	sst s2  }
0xb: {  	[smem:$0x3FAE] =	sst s3  }
0xc: {  	[smem:$0x3FAF] =	sst s4  }
0xd: {  	[smem:$0x3FB0] =	sst s5  }
0xe: {  	[smem:$0x3FB1] =	sst s6  }
0xf: {  	[smem:$0x3FB2] =	sst s7  }
0x10: {  	[smem:$0x3FB3] =	sst s8  }
0x11: {  	[smem:$0x3FB4] =	sst s9;
	s0 =	simm.s32 @!p0 $0x0  }
0x12: {  	s1 =	sld [smem:$0x3F9A];
	s0 =	simm.s32 @p0 $0x1  }
0x13: {  	[smem:$0x3FB5] =	sst s0;
	s0 =	simm.s32 @!p1 $0x0  }
0x14: {  	s2 =	sld [smem:$0x3F99];
	s0 =	simm.s32 @p1 $0x1  }
0x15: {  	[smem:$0x3FB6] =	sst s0;
	s0 =	simm.s32 @!p2 $0x0  }
0x16: {  	s3 =	sld [smem:$0x3FDB];
	s0 =	simm.s32 @p2 $0x1  }
0x17: {  	s4 =	simm.s32 $0x1BF5;
	[smem:$0x3FB8] =	sst s0  }
0x18: {  	s0 =	sld [smem:$0x3F9B];
	_ =	swait.ge [sflag:s4], $0x0  }
0x19: {  	s7 =	sld [smem:$0x3F9C]  }
0x1a: {  	s8 =	sadd.s32 $0xFFFFE003, lr  }
0x1b: {  	s9 =	sadd.s32 $0xFFFFFEF7, lr;
	s5 =	simm.s32 $0xFFFFFFFF;
	p2 =	slt.u32 s8, $0xFFFFF086  }
0x1c: {  	p1 =	slt.u32 s9, $0xF7A;
	s5 =	simm.s32 @!p2 $0x0  }
0x1d: {  	s5 =	simm.s32 @p1 $0x1;
	p0 =	seq.s32 s7, s2  }
0x1e: {  	s7 =	smul.u32 @!p0 $0xF7A, s2;
	p2 =	seq.s32 @!p0 s5, $0x0  }
0x1f: {  	s9 =	smul.u32 $0xF7A, s1;
	s8 =	simm.s32 @!p0 $0x1BF5;
	p2 =	por !p2, p0  }
0x20: {  	[sflag:s8] =	ssyncset.s32 @!p0 $0xFFFFF086;
	s6 =	sadd.s32 @!p0 s3, s7;
	s7 =	simm.s32 @!p0 $0x108  }
0x21: {  	s3 =	sadd.s32 s3, s9;
	s6 =	sadd.s32 @!p0 $0x88, s6;
	s7 =	simm.s32 @p2 $0x1082  }
0x22: {  	[simem:s7], [sflag:s8] =	dma.local @!p0 [hbm:s6], $0xF7A  }
0x23: {  	s9 =	sor.u32 $0xD0000000, s2;
	s6 =	simm.s32 $0x108;
	_ =	swait.ge @!p0 [sflag:s8], $0x0  }
0x24: {  	s3 =	sadd.s32 $0x88, s3;
	s6 =	simm.s32 @!p1 $0x1082;
	[sflag:s4] =	ssyncset.s32 $0xFFFFF086  }
0x25: {  	[simem:s6], [sflag:s4] =	dma.local [hbm:s3], $0xF7A  }
0x26: {  	[smem:$0x3F9C] =	sst s1;
	(tag) =	ssettag s2;
	_ =	strace s9  }
0x27: {  	s1 =	sld [smem:$0x3FAC]  }
0x28: {  	s2 =	sld [smem:$0x3FAD]  }
0x29: {  	s4 =	sld [smem:$0x3FAF]  }
0x2a: {  	p0 =	seq.s32 s5, $0x0;
	s5 =	sld [smem:$0x3FB0]  }
0x2b: {  	s6 =	sld [smem:$0x3FB1]  }
0x2c: {  	s7 =	sld [smem:$0x3FB2]  }
0x2d: {  	s3 =	simm.s32 $0x108;
	s8 =	sld [smem:$0x3FB3]  }
0x2e: {  	s3 =	simm.s32 @!p0 $0x1082;
	s9 =	sld [smem:$0x3FB4]  }
0x2f: {  	lr =	sadd.s32 s0, s3;
	s0 =	sld [smem:$0x3FAB]  }
0x30: {  	s3 =	sld [smem:$0x3FAE]  }
0x31: {  	[smem:$0x3FB7] =	sst s10  }
0x32: {  	s10 =	sld [smem:$0x3FB5];
	_ =	sdelay $0x3  }
0x33: {  	p0 =	seq.s32 s10, $0x1;
	s10 =	sld [smem:$0x3FB7];
	_ =	sdelay $0x3  }
0x34: {  	[smem:$0x3FB7] =	sst s10  }
0x35: {  	s10 =	sld [smem:$0x3FB6];
	_ =	sdelay $0x3  }
0x36: {  	p1 =	seq.s32 s10, $0x1;
	s10 =	sld [smem:$0x3FB7];
	_ =	sdelay $0x3  }
0x37: {  	[smem:$0x3FB7] =	sst s10  }
0x38: {  	s10 =	sld [smem:$0x3FB8]  }
0x39: {  	_ = 	snop;
	(pc) =	sbr.ind lr, $3  }
0x3a: {  	_ = 	snop  }
0x3b: {  	_ = 	snop  }
0x3c: {  	p2 =	seq.s32 s10, $0x1;
	s10 =	sld [smem:$0x3FB7]  }
0x3d: {  	_ =	shalt  }
0x3e: {  	_ =	shalt  }
0x3f: {  	_ =	shalt  }
0x40: {  	_ =	shalt  }
0x41: {  	_ =	shalt  }
0x42: {  	_ =	shalt  }
0x43: {  	_ =	shalt  }
0x44: {  	_ =	shalt  }
0x45: {  	_ =	shalt  }
0x46: {  	_ =	shalt  }
0x47: {  	_ =	shalt  }
0x48: {  	_ =	shalt  }
0x49: {  	_ =	shalt  }
0x4a: {  	_ =	shalt  }
0x4b: {  	_ =	shalt  }
0x4c: {  	_ =	shalt  }
0x4d: {  	_ =	shalt  }
0x4e: {  	_ =	shalt  }
0x4f: {  	_ =	shalt  }
0x50: {  	_ =	shalt  }
0x51: {  	_ =	shalt  }
0x52: {  	_ =	shalt  }
0x53: {  	_ =	shalt  }
0x54: {  	_ =	shalt  }
0x55: {  	_ =	shalt  }
0x56: {  	_ =	shalt  }
0x57: {  	_ =	shalt  }
0x58: {  	_ =	shalt  }
0x59: {  	_ =	shalt  }
0x5a: {  	_ =	shalt  }
0x5b: {  	_ =	shalt  }
0x5c: {  	_ =	shalt  }
0x5d: {  	_ =	shalt  }
0x5e: {  	_ =	shalt  }
0x5f: {  	_ =	shalt  }
0x60: {  	_ =	shalt  }
0x61: {  	_ =	shalt  }
0x62: {  	_ =	shalt  }
0x63: {  	_ =	shalt  }
0x64: {  	_ =	shalt  }
0x65: {  	_ =	shalt  }
0x66: {  	_ =	shalt  }
0x67: {  	_ =	shalt  }
0x68: {  	_ =	shalt  }
0x69: {  	_ =	shalt  }
0x6a: {  	_ =	shalt  }
0x6b: {  	_ =	shalt  }
0x6c: {  	_ =	shalt  }
0x6d: {  	_ =	shalt  }
0x6e: {  	_ =	shalt  }
0x6f: {  	_ =	shalt  }
0x70: {  	_ =	shalt  }
0x71: {  	_ =	shalt  }
0x72: {  	_ =	shalt  }
0x73: {  	_ =	shalt  }
0x74: {  	_ =	shalt  }
0x75: {  	_ =	shalt  }
0x76: {  	_ =	shalt  }
0x77: {  	_ =	shalt  }
0x78: {  	_ =	shalt  }
0x79: {  	_ =	shalt  }
0x7a: {  	_ =	shalt  }
0x7b: {  	_ =	shalt  }
0x7c: {  	_ =	shalt  }
0x7d: {  	_ =	shalt  }
0x7e: {  	_ =	shalt  }
0x7f: {  	_ =	shalt  }
0x80: {  	_ =	shalt  }
0x81: {  	_ =	shalt  }
0x82: {  	_ =	shalt  }
0x83: {  	_ =	shalt  }
0x84: {  	_ =	shalt  }
0x85: {  	_ =	shalt  }
0x86: {  	_ =	shalt  }
0x87: {  	_ =	shalt  }
.Lfunc_end0:
.L_simem_size_0:
called_computation_lowered:
.L_overlay_start_0:
0x88: {  	s2 =	sld [smem:$0x3FD9]  }
0x89: {  	s3 =	sld [smem:$0x3FFE];
	_ =	sdelay $0x1  }
0x8a: {  	s1 =	srdreg.scid  }
0x8b: {  	s0 =	sand.u32 $0x1, s1  }
0x8c: {  	s17 =	sshll.u32 s0, $0xA;
	s2 =	sadd.s32 s3, s2  }
0x8d: {  	s2 =	sadd.s32 s2, s17  }
0x8e: {  	[smem:$0x3FC3] =	sst s2  }
0x8f: {  	_ = 	snop  }
0x90: {  	s2 =	sld [smem:$0x3FC8]  }
0x91: {  	s18 =	sld [smem:$0x3FC7]  }
0x92: {  	s4 =	sld [smem:$0x3FC6]  }
0x93: {  	s5 =	sld [smem:$0x3FC5]  }
0x94: {  	s6 =	sld [smem:$0x3FD0];
	(tm) =	ssettm $0x1  }
0x95: {  	s7 =	sld [smem:$0x3FFB];
	_ =	sdelay $0x3  }
0x96: {  	_ =	strace s7  }
0x97: {  	s7 =	sld [smem:$0x3FFC];
	_ =	sdelay $0x3  }
0x98: {  	_ =	strace s7  }
0x99: {  	s7 =	sld [smem:$0x3FFD];
	_ =	sdelay $0x3  }
0x9a: {  	_ =	strace s7  }
0x9b: {  	_ =	strace $0x8FFFFFFF  }
0x9c: {  	s19 =	sld [smem:$0x3FDB];
	_ =	sdelay $0x1  }
0x9d: {  	s8 =	simm.s32 $_scs_section_size  }
0x9e: {  	s9 =	simm.s32 $_size__tile_overlayer_lowered;
	s10 =	simm.s32 $_tile_overlayer_lowered  }
0x9f: {  	s22 =	simm.s32 $0x1BFF;
	s21 =	sshll.u32 s10, $0x1;
	s7 =	sadd.s32 s8, s19  }
0xa0: {  	s11 =	simm.s32 $0x0;
	s20 =	sshll.u32 s9, $0x1;
	s9 =	sadd.s32 s21, s7  }
0xa1: {  	[timem:s11], [sflag:s22] =	dma.local [hbm:s9], s20  }
0xa2: {  	_ =	swait.ge [sflag:s22], s20  }
0xa3: {  	s8 =	ssub.s32 $0x0, s20;
	[sflag:s22] =	ssyncset.done $0x0  }
0xa4: {  	[sflag:s22] =	ssyncadd.s32 s8;
	_ =	sdelay $0x1  }
0xa5: {  	s23 =	simm.s32 $0x1B8B  }
0xa6: {  	_ =	swait.ge [sflag:s23], $0x1  }
0xa7: {  	[sflag:s23] =	ssyncset.done $0x0  }
0xa8: {  	s25 =	simm.s32 $0x1B8E;
	s24 =	sld [smem:$0x3FFE];
	[sflag:s23] =	ssyncadd.s32 $0xFFFFFFFF  }
0xa9: {  	s26 =	simm.s32 $execute0_lowered;
	[smem:$0x3FD2] =	sst s25  }
0xaa: {  	s9 =	sshll.u32 s26, $0x1;
	_ =	strace $0x80000046;
	[dreg:$0x1] =	wrdreg $0xFFFFFFFF  }
0xab: {  	s28 =	simm.s32 $_size_execute0_lowered;
	s7 =	sadd.s32 s7, s9;
	[dreg:$0x0] =	wrdreg $0x0  }
0xac: {  	s9 =	sshll.u32 s28, $0x1;
	[dreg:$0x2] =	wrdreg s7  }
0xad: {  	[dreg:$0x3] =	wrdreg s9  }
0xae: {  	[dreg:$0x4] =	wrdreg $0xC0  }
0xaf: {  	_ =	task [dreg:s11], $0x5FFFF  }
0xb0: {  	[dreg:$0x1] =	wrdreg $0xFFFFFFFF  }
0xb1: {  	[dreg:$0x0] =	wrdreg $0x60  }
0xb2: {  	[dreg:$0x2] =	wrdreg s24  }
0xb3: {  	[dreg:$0x3] =	wrdreg s2  }
0xb4: {  	[dreg:$0x4] =	wrdreg s18  }
0xb5: {  	[dreg:$0x5] =	wrdreg s4  }
0xb6: {  	[dreg:$0x6] =	wrdreg s5  }
0xb7: {  	[dreg:$0x7] =	wrdreg s6  }
0xb8: {  	[dreg:$0x8] =	wrdreg $0x9  }
0xb9: {  	_ =	task.clear_ibuf [dreg:s11], $0x9FFFF;
	_ =	strace $0x90000046  }
0xba: {  	s29 =	simm.s32 $0x9;
	_ =	strace $0x80000048  }
0xbb: {  	_ =	swait.ge [sflag:s29], $0x1  }
0xbc: {  	[sflag:s29] =	ssyncadd.s32 $0xFFFFFFFF  }
0xbd: {  	_ =	strace $0x90000048  }
0xbe: {  	_ =	sfence  }
0xbf: {  	s30 =	sld [smem:$0x0];
	_ =	sdelay $0x2  }
0xc0: {  	s31 =	sshll.u32 s1, $0xD;
	s1 =	sshrl.u32 s1, $0x2  }
0xc1: {  	s3 =	sand.u32 $0x4000, s31;
	s1 =	sadd.s32 s1, s30  }
0xc2: {  	s0 =	sor.u32 s3, s0;
	s1 =	sshll.u32 s1, $0x11  }
0xc3: {  	s0 =	sor.u32 s1, s0  }
0xc4: {  	s0 =	sadd.s32 $0x8F2B, s0  }
0xc5: {  	[sflag:s0] =	ssyncadd.remote.s32 $0x1  }
0xc6: {  	_ =	sfence.sel $0xFFFF  }
0xc7: {  	[dreg:$0x0] =	wrdreg $0xFFFFFFFF;
	(pc) =	sbr.abs _section_cstart, $3  }
0xc8: {  	[dreg:$0x1] =	wrdreg $0xFFFFFFFF  }
0xc9: {  	_ =	task.clear_ibuf [dreg:s11], $0x2FFFF;
	_ =	strace $0x9FFFFFFF  }
0xca: {  	(tm) =	ssettm $0x7FFFFFFF  }
0xcb: {  	_ =	shalt  }
tec
execute0_lowered:
.L_overlay_start_1:
0x0: {  	(tag) =	ssettag $0x1  }
0x1: {  	s0 =	rddreg [dreg:$0x0]  }
0x2: {  	s1 =	rddreg [dreg:$0x1];
	s7 =	simm.s32 $0x0;
	s2 =	srdreg.scid  }
0x3: {  	s4 =	stileid.u32;
	s15 =	simm.s32 $0x2;
	s17 =	simm.s32 $0x80  }
0x4: {  	s18 =	simm.s32 $0xB880;
	s19 =	simm.s32 $0x1;
	s20 =	simm.s32 $0xC080  }
0x5: {  	[smem:$0x7FF] =	sst s7;
	s2 =	sand.u32 $0x1, s2;
	s4 =	sshll.u32 s4, $0xA  }
0x6: {  	s9 =	sadd.s32 $0x400, s0;
	s11 =	sadd.s32 $0x100, s1;
	s3 =	ssub.s32 $0x2, s2  }
0x7: {  	s12 =	sadd.s32 $0x200, s1;
	s2 =	sshll.u32 s2, $0x9;
	s5 =	sshrl.u32 s3, $0x1  }
0x8: {  	v2 =	vlaneseq.u32;
	_ =	strace $0x80000047;
	s8 =	sor.u32 s2, s4;
	s31 =	ssub.s32 s3, s5  }
0x9: {  	vm0 =	vmmov $0xffff;
	v1 =	vshrl.u32 v2, $0x3;
	s2 =	simm.s32 $0xA880;
	s10 =	sand.u32 $0xE00, s8;
	s0 =	smax.u32 s31, $0x1  }
0xa: {  	v0 =	vand.u32 $0x7, v2;
	v2 =	vor.u32 $0x8, v2;
	v1 =	vmul.u32 $0x8, v1;
	s5 =	simm.s32 $0xB080;
	s3 =	simm.s32 $0x0;
	[dreg:$0x7] =	wrdreg s0  }
.LBB2_1:
0xb: {  	[dreg:$0x8] =	wrdreg s3  }
0xc: {  	s0 =	rddreg [dreg:$0x3];
	s29 =	simm.s32 $0x18080  }
0xd: {  	[tilespmem:s29], [sflag:$0x2] =	stream.linear.gather [hbm4b:s0+s7], $0x300, $0x38;
	[tilespmem:$0x18680] =	vst v63  }
0xe: {  	_ =	swait.ge [sflag:s15], $0x300  }
0xf: {  	[sflag:s15] =	ssyncset.done $0x0  }
0x10: {  	[sflag:s15] =	ssyncadd.s32 $0xFFFFFD00  }
0x11: {  	s31 =	simm.s32 $0x18380;
	s30 =	rddreg [dreg:$0x4]  }
0x12: {  	[tilespmem:s31], [sflag:$0x2] =	stream.linear.gather [hbm4b:s30+s7], $0x300, $0x38;
	[tilespmem:$0x18680] =	vst v63  }
0x13: {  	_ =	swait.ge [sflag:s15], $0x300  }
0x14: {  	[sflag:s15] =	ssyncset.done $0x0  }
0x15: {  	s21 =	simm.s32 $0x0;
	[sflag:s15] =	ssyncadd.s32 $0xFFFFFD00  }
.LBB2_2:
0x16: {  	s24 =	sshll.u32 s21, $0x6  }
0x17: {  	s22 =	sor.u32 s8, s24  }
0x18: {  	s22 =	sshrl.u32 s22, $0x3  }
0x19: {  	s23 =	simm.s32 $0x0;
	s25 =	sadd.s32 s9, s22  }
0x1a: {  	[tilespmem:s23], [sflag:$0x2] =	stream.linear.gather [hbm4b:s25+s23], $0x40, $0x38;
	[tilespmem:$0x18680] =	vst v63  }
0x1b: {  	_ =	swait.ge [sflag:s15], $0x40  }
0x1c: {  	[sflag:s15] =	ssyncset.done $0x0  }
0x1d: {  	[sflag:s15] =	ssyncadd.s32 $0xFFFFFFC0  }
0x1e: {  	v3 =	vld [tilespmem:$0x0];
	_ =	sdelay $0x4  }
0x1f: {  	v4 =	vshrl.u32 v3, $0x3  }
0x20: {  	v4 =	vmul.u32 $0x30, v4  }
0x21: {  	v3 =	vand.u32 $0x7, v3  }
0x22: {  	v3 =	vor.u32 v3, v4  }
0x23: {  	v4 =	vperm.xlane v3, v0;
	_ =	sdelay $0x1  }
0x24: {  	v4 =	vadd.s32 v1, v4;
	_ =	sdelay $0x3  }
0x25: {  	v3 =	vperm.xlane v3, v2  }
0x26: {  	[tilespmem:s17], [sflag:$0x1] =	stream.indirect_vreg.gather [hbm4b:s1+s23], $0x80, v4, vm0, $0xb8;
	[tilespmem:$0x18680] =	vst v63  }
0x27: {  	s0 =	simm.s32 $0x880;
	v3 =	vadd.s32 v1, v3  }
0x28: {  	[tilespmem:s0], [sflag:$0x1] =	stream.indirect_vreg.gather [hbm4b:s11+s23], $0x80, v4, vm0, $0xb8;
	[tilespmem:$0x18680] =	vst v63  }
0x29: {  	s14 =	simm.s32 $0x1080  }
0x2a: {  	[tilespmem:s14], [sflag:$0x1] =	stream.indirect_vreg.gather [hbm4b:s12+s23], $0x80, v4, vm0, $0xb8;
	[tilespmem:$0x18680] =	vst v63  }
0x2b: {  	s16 =	simm.s32 $0x1880  }
0x2c: {  	[tilespmem:s16], [sflag:$0x1] =	stream.indirect_vreg.gather [hbm4b:s1+s23], $0x80, v3, vm0, $0xb8;
	[tilespmem:$0x18680] =	vst v63  }
0x2d: {  	s25 =	simm.s32 $0x2080  }
0x2e: {  	[tilespmem:s25], [sflag:$0x1] =	stream.indirect_vreg.gather [hbm4b:s11+s23], $0x80, v3, vm0, $0xb8;
	[tilespmem:$0x18680] =	vst v63  }
0x2f: {  	s26 =	simm.s32 $0x2880  }
0x30: {  	[tilespmem:s26], [sflag:$0x1] =	stream.indirect_vreg.gather [hbm4b:s12+s23], $0x80, v3, vm0, $0xb8;
	[tilespmem:$0x18680] =	vst v63  }
0x31: {  	v3 =	vld [tilespmem:$0x10];
	_ =	sdelay $0x4  }
0x32: {  	v61 =	vshrl.u32 v3, $0x3  }
0x33: {  	v4 =	vmul.u32 $0x30, v61  }
0x34: {  	v3 =	vand.u32 $0x7, v3  }
0x35: {  	v3 =	vor.u32 v3, v4  }
0x36: {  	v4 =	vperm.xlane v3, v0;
	_ =	sdelay $0x1  }
0x37: {  	v4 =	vadd.s32 v1, v4;
	_ =	sdelay $0x3  }
0x38: {  	s28 =	simm.s32 $0x3080;
	v3 =	vperm.xlane v3, v2  }
0x39: {  	[tilespmem:s28], [sflag:$0x1] =	stream.indirect_vreg.gather [hbm4b:s1+s23], $0x80, v4, vm0, $0xb8;
	[tilespmem:$0x18680] =	vst v63  }
0x3a: {  	s29 =	simm.s32 $0x3880;
	v3 =	vadd.s32 v1, v3  }
0x3b: {  	[tilespmem:s29], [sflag:$0x1] =	stream.indirect_vreg.gather [hbm4b:s11+s23], $0x80, v4, vm0, $0xb8;
	[tilespmem:$0x18680] =	vst v63  }
0x3c: {  	s30 =	simm.s32 $0x4080  }
0x3d: {  	[tilespmem:s30], [sflag:$0x1] =	stream.indirect_vreg.gather [hbm4b:s12+s23], $0x80, v4, vm0, $0xb8;
	[tilespmem:$0x18680] =	vst v63  }
0x3e: {  	s31 =	simm.s32 $0x4880  }
0x3f: {  	[tilespmem:s31], [sflag:$0x1] =	stream.indirect_vreg.gather [hbm4b:s1+s23], $0x80, v3, vm0, $0xb8;
	[tilespmem:$0x18680] =	vst v63  }
0x40: {  	s3 =	simm.s32 $0x5080  }
0x41: {  	[tilespmem:s3], [sflag:$0x1] =	stream.indirect_vreg.gather [hbm4b:s11+s23], $0x80, v3, vm0, $0xb8;
	[tilespmem:$0x18680] =	vst v63  }
0x42: {  	s4 =	simm.s32 $0x5880  }
0x43: {  	[tilespmem:s4], [sflag:$0x1] =	stream.indirect_vreg.gather [hbm4b:s12+s23], $0x80, v3, vm0, $0xb8;
	[tilespmem:$0x18680] =	vst v63  }
0x44: {  	v3 =	vld [tilespmem:$0x20];
	_ =	sdelay $0x4  }
0x45: {  	v62 =	vshrl.u32 v3, $0x3  }
0x46: {  	v4 =	vmul.u32 $0x30, v62  }
0x47: {  	v3 =	vand.u32 $0x7, v3  }
0x48: {  	v3 =	vor.u32 v3, v4  }
0x49: {  	v4 =	vperm.xlane v3, v0;
	_ =	sdelay $0x1  }
0x4a: {  	v4 =	vadd.s32 v1, v4;
	_ =	sdelay $0x3  }
0x4b: {  	s6 =	simm.s32 $0x6080;
	v3 =	vperm.xlane v3, v2  }
0x4c: {  	[tilespmem:s6], [sflag:$0x1] =	stream.indirect_vreg.gather [hbm4b:s1+s23], $0x80, v4, vm0, $0xb8;
	[tilespmem:$0x18680] =	vst v63  }
0x4d: {  	s13 =	simm.s32 $0x6880;
	v3 =	vadd.s32 v1, v3  }
0x4e: {  	[tilespmem:s13], [sflag:$0x1] =	stream.indirect_vreg.gather [hbm4b:s11+s23], $0x80, v4, vm0, $0xb8;
	[tilespmem:$0x18680] =	vst v63  }
0x4f: {  	s14 =	simm.s32 $0x7080  }
0x50: {  	[tilespmem:s14], [sflag:$0x1] =	stream.indirect_vreg.gather [hbm4b:s12+s23], $0x80, v4, vm0, $0xb8;
	[tilespmem:$0x18680] =	vst v63  }
0x51: {  	s16 =	simm.s32 $0x7880  }
0x52: {  	[tilespmem:s16], [sflag:$0x1] =	stream.indirect_vreg.gather [hbm4b:s1+s23], $0x80, v3, vm0, $0xb8;
	[tilespmem:$0x18680] =	vst v63  }
0x53: {  	s25 =	simm.s32 $0x8080  }
0x54: {  	[tilespmem:s25], [sflag:$0x1] =	stream.indirect_vreg.gather [hbm4b:s11+s23], $0x80, v3, vm0, $0xb8;
	[tilespmem:$0x18680] =	vst v63  }
0x55: {  	s26 =	simm.s32 $0x8880  }
0x56: {  	[tilespmem:s26], [sflag:$0x1] =	stream.indirect_vreg.gather [hbm4b:s12+s23], $0x80, v3, vm0, $0xb8;
	[tilespmem:$0x18680] =	vst v63  }
0x57: {  	v3 =	vld [tilespmem:$0x30];
	_ =	sdelay $0x4  }
0x58: {  	v63 =	vshrl.u32 v3, $0x3  }
0x59: {  	v4 =	vmul.u32 $0x30, v63  }
0x5a: {  	v3 =	vand.u32 $0x7, v3  }
0x5b: {  	v3 =	vor.u32 v3, v4  }
0x5c: {  	v4 =	vperm.xlane v3, v0;
	_ =	sdelay $0x1  }
0x5d: {  	v4 =	vadd.s32 v1, v4;
	_ =	sdelay $0x3  }
0x5e: {  	s28 =	simm.s32 $0x9080;
	v3 =	vperm.xlane v3, v2  }
0x5f: {  	[tilespmem:s28], [sflag:$0x1] =	stream.indirect_vreg.gather [hbm4b:s1+s23], $0x80, v4, vm0, $0xb8;
	[tilespmem:$0x18680] =	vst v63  }
0x60: {  	s29 =	simm.s32 $0x9880;
	v3 =	vadd.s32 v1, v3  }
0x61: {  	[tilespmem:s29], [sflag:$0x1] =	stream.indirect_vreg.gather [hbm4b:s11+s23], $0x80, v4, vm0, $0xb8;
	[tilespmem:$0x18680] =	vst v63  }
0x62: {  	s30 =	simm.s32 $0xA080  }
0x63: {  	[tilespmem:s30], [sflag:$0x1] =	stream.indirect_vreg.gather [hbm4b:s12+s23], $0x80, v4, vm0, $0xb8;
	[tilespmem:$0x18680] =	vst v63  }
0x64: {  	_ = 	snop  }
0x65: {  	[tilespmem:s2], [sflag:$0x1] =	stream.indirect_vreg.gather [hbm4b:s1+s23], $0x80, v3, vm0, $0xb8;
	[tilespmem:$0x18680] =	vst v63  }
0x66: {  	_ = 	snop  }
0x67: {  	[tilespmem:s5], [sflag:$0x1] =	stream.indirect_vreg.gather [hbm4b:s11+s23], $0x80, v3, vm0, $0xb8;
	[tilespmem:$0x18680] =	vst v63  }
0x68: {  	_ = 	snop  }
0x69: {  	[tilespmem:s18], [sflag:$0x1] =	stream.indirect_vreg.gather [hbm4b:s12+s23], $0x80, v3, vm0, $0xb8;
	[tilespmem:$0x18680] =	vst v63  }
0x6a: {  	s24 =	sor.u32 s10, s24;
	_ =	swait.ge [sflag:s19], $0xC000  }
0x6b: {  	s24 =	sshrl.u32 s24, $0x3;
	[sflag:s19] =	ssyncset.done $0x0  }
0x6c: {  	s24 =	smul.u32 $0x300, s24;
	[sflag:s19] =	ssyncadd.s32 $0xFFFF4000  }
0x6d: {  	s31 =	rddreg [dreg:$0x2]  }
0x6e: {  	s24 =	sadd.s32 s31, s24  }
0x6f: {  	[tilespmem:s20], [sflag:$0x2] =	stream.linear.gather [hbm4b:s24+s23], $0xC000, $0x38;
	[tilespmem:$0x18680] =	vst v63  }
0x70: {  	_ =	swait.ge [sflag:s15], $0xC000  }
0x71: {  	[sflag:s15] =	ssyncset.done $0x0  }
0x72: {  	s24 =	simm.s32 $0x0;
	[sflag:s15] =	ssyncadd.s32 $0xFFFF4000  }
.LBB2_3:
0x73: {  	s25 =	sshrl.u32 s24, $0x3  }
0x74: {  	s25 =	smul.u32 $0x1800, s25  }
0x75: {  	s26 =	sand.u32 $0x380, s23  }
0x76: {  	s25 =	sor.u32 s26, s25  }
0x77: {  	v3 =	vld [tilespmem:s25+$0x80]  }
0x78: {  	v4 =	vld [tilespmem:s25+$0xC080]  }
0x79: {  	v5 =	vld [tilespmem:s25+$0x90]  }
0x7a: {  	v6 =	vld [tilespmem:s25+$0xC090]  }
0x7b: {  	v7 =	vld [tilespmem:s25+$0xA0]  }
0x7c: {  	v8 =	vld [tilespmem:s25+$0xC0A0]  }
0x7d: {  	v9 =	vld [tilespmem:s25+$0xB0]  }
0x7e: {  	v10 =	vld [tilespmem:s25+$0xC0B0];
	v3 =	vadd.f32 v4, v3  }
0x7f: {  	v12 =	vld [tilespmem:s25+$0xC0]  }
0x80: {  	v13 =	vld [tilespmem:s25+$0xC0C0];
	v4 =	vadd.f32 v6, v5;
	v11 =	vadd.f32 $0.0e+00, v3  }
0x81: {  	v26 =	vld [tilespmem:s25+$0xD0]  }
0x82: {  	v27 =	vld [tilespmem:s25+$0xC0D0];
	v5 =	vadd.f32 v8, v7;
	v6 =	vadd.f32 v4, v11  }
0x83: {  	v28 =	vld [tilespmem:s25+$0xE0]  }
0x84: {  	v29 =	vld [tilespmem:s25+$0xC0E0];
	v7 =	vadd.f32 v5, v6;
	v6 =	vadd.f32 v10, v9  }
0x85: {  	v30 =	vld [tilespmem:s25+$0xF0]  }
0x86: {  	v31 =	vld [tilespmem:s25+$0xC0F0];
	v14 =	vadd.f32 v6, v7;
	v7 =	vadd.f32 v13, v12  }
0x87: {  	v32 =	vld [tilespmem:s25+$0x480]  }
0x88: {  	v15 =	vld [tilespmem:s25+$0xC480];
	v8 =	vadd.f32 v27, v26;
	v14 =	vadd.f32 v7, v14  }
0x89: {  	v16 =	vld [tilespmem:s25+$0x490]  }
0x8a: {  	v17 =	vld [tilespmem:s25+$0xC490];
	v9 =	vadd.f32 v29, v28;
	v14 =	vadd.f32 v8, v14  }
0x8b: {  	v33 =	vld [tilespmem:s25+$0x4A0]  }
0x8c: {  	v18 =	vld [tilespmem:s25+$0xC4A0];
	v10 =	vadd.f32 v31, v30;
	v14 =	vadd.f32 v9, v14  }
0x8d: {  	v34 =	vld [tilespmem:s25+$0x4B0]  }
0x8e: {  	v20 =	vld [tilespmem:s25+$0xC4B0];
	v11 =	vadd.f32 v15, v32;
	v12 =	vadd.f32 v10, v14  }
0x8f: {  	v36 =	vld [tilespmem:s25+$0x4C0];
	v35 =	vmul.f32 v3, v3;
	v19 =	vmul.f32 v4, v4  }
0x90: {  	v38 =	vld [tilespmem:s25+$0xC4C0];
	v21 =	vadd.f32 v11, v12;
	v12 =	vadd.f32 v17, v16  }
0x91: {  	v39 =	vld [tilespmem:s25+$0x4D0];
	v37 =	vmul.f32 v5, v5;
	v15 =	vadd.f32 v19, v35  }
0x92: {  	v22 =	vld [tilespmem:s25+$0xC4D0];
	v13 =	vadd.f32 v18, v33;
	v21 =	vadd.f32 v12, v21  }
0x93: {  	v41 =	vld [tilespmem:s25+$0x4E0];
	v15 =	vadd.f32 v37, v15;
	v40 =	vmul.f32 v6, v6  }
0x94: {  	v24 =	vld [tilespmem:s25+$0xC4E0];
	v14 =	vadd.f32 v20, v34;
	v21 =	vadd.f32 v13, v21  }
0x95: {  	v42 =	vld [tilespmem:s25+$0x4F0];
	v23 =	vmul.f32 v7, v7;
	v17 =	vadd.f32 v40, v15  }
0x96: {  	v25 =	vld [tilespmem:s25+$0xC4F0];
	v15 =	vadd.f32 v38, v36;
	v21 =	vadd.f32 v14, v21  }
0x97: {  	v44 =	vld [tilespmem:s25+$0x880];
	v43 =	vmul.f32 v8, v8;
	v17 =	vadd.f32 v23, v17  }
0x98: {  	v47 =	vld [tilespmem:s25+$0x890];
	v16 =	vadd.f32 v22, v39;
	v21 =	vadd.f32 v15, v21  }
0x99: {  	v26 =	vld [tilespmem:s25+$0xC880];
	v46 =	vmul.f32 v9, v9;
	v45 =	vadd.f32 v43, v17  }
0x9a: {  	v49 =	vld [tilespmem:s25+$0x8A0];
	v17 =	vadd.f32 v24, v41;
	v21 =	vadd.f32 v16, v21  }
0x9b: {  	v27 =	vld [tilespmem:s25+$0xC890];
	v48 =	vmul.f32 v10, v10;
	v23 =	vadd.f32 v46, v45  }
0x9c: {  	v51 =	vld [tilespmem:s25+$0x8B0];
	v18 =	vadd.f32 v25, v42;
	v21 =	vadd.f32 v17, v21  }
0x9d: {  	v50 =	vmul.f32 v11, v11;
	v28 =	vld [tilespmem:s25+$0xC8A0];
	v23 =	vadd.f32 v48, v23  }
0x9e: {  	v53 =	vld [tilespmem:s25+$0xC8B0];
	v19 =	vadd.f32 v26, v44;
	v21 =	vadd.f32 v18, v21  }
0x9f: {  	v54 =	vld [tilespmem:s25+$0x8C0];
	v52 =	vmul.f32 v12, v12;
	v23 =	vadd.f32 v50, v23  }
0xa0: {  	v56 =	vld [tilespmem:s25+$0x8D0];
	v20 =	vadd.f32 v27, v47;
	v21 =	vadd.f32 v19, v21  }
0xa1: {  	v29 =	vld [tilespmem:s25+$0xC8C0];
	v55 =	vmul.f32 v13, v13;
	v23 =	vadd.f32 v52, v23  }
0xa2: {  	v58 =	vld [tilespmem:s25+$0xC8D0];
	v30 =	vadd.f32 v20, v21;
	v21 =	vadd.f32 v28, v49  }
0xa3: {  	v59 =	vld [tilespmem:s25+$0x8E0];
	v57 =	vmul.f32 v14, v14;
	v23 =	vadd.f32 v55, v23  }
0xa4: {  	v60 =	vld [tilespmem:s25+$0x8F0];
	v22 =	vadd.f32 v53, v51;
	v30 =	vadd.f32 v21, v30  }
0xa5: {  	v32 =	vld [tilespmem:s25+$0xC8E0];
	v31 =	vmul.f32 v15, v15;
	v24 =	vadd.f32 v57, v23  }
0xa6: {  	v63 =	vld [tilespmem:s25+$0xC80];
	v23 =	vadd.f32 v29, v54;
	v30 =	vadd.f32 v22, v30  }
0xa7: {  	v33 =	vld [tilespmem:s25+$0xC8F0];
	v62 =	vmul.f32 v16, v16;
	v61 =	vadd.f32 v31, v24  }
0xa8: {  	v35 =	vld [tilespmem:s25+$0xCC90];
	v24 =	vadd.f32 v58, v56;
	v30 =	vadd.f32 v23, v30  }
0xa9: {  	v34 =	vld [tilespmem:s25+$0xCC80];
	v39 =	vmul.f32 v17, v17;
	v29 =	vadd.f32 v62, v61  }
0xaa: {  	v44 =	vld [tilespmem:s25+$0xCB0];
	v25 =	vadd.f32 v32, v59;
	v30 =	vadd.f32 v24, v30  }
0xab: {  	v40 =	vld [tilespmem:s25+$0xC90];
	v41 =	vmul.f32 v18, v18;
	v29 =	vadd.f32 v39, v29  }
0xac: {  	v42 =	vld [tilespmem:s25+$0xCA0];
	v26 =	vadd.f32 v33, v60;
	v30 =	vadd.f32 v25, v30  }
0xad: {  	v36 =	vld [tilespmem:s25+$0xCCA0];
	v43 =	vmul.f32 v19, v19;
	v29 =	vadd.f32 v41, v29  }
0xae: {  	v37 =	vld [tilespmem:s25+$0xCCB0];
	v27 =	vadd.f32 v34, v63;
	v30 =	vadd.f32 v26, v30  }
0xaf: {  	v59 =	vld [tilespmem:s25+$0x10A0];
	v45 =	vmul.f32 v20, v20;
	v29 =	vadd.f32 v43, v29  }
0xb0: {  	v38 =	vld [tilespmem:s25+$0xCCC0];
	v28 =	vadd.f32 v35, v40;
	v30 =	vadd.f32 v27, v30  }
0xb1: {  	v46 =	vld [tilespmem:s25+$0xCC0];
	v47 =	vmul.f32 v21, v21;
	v31 =	vadd.f32 v45, v29  }
0xb2: {  	v48 =	vld [tilespmem:s25+$0xCD0];
	v29 =	vadd.f32 v36, v42;
	v30 =	vadd.f32 v28, v30  }
0xb3: {  	v50 =	vld [tilespmem:s25+$0xCCD0];
	v49 =	vmul.f32 v22, v22;
	v31 =	vadd.f32 v47, v31  }
0xb4: {  	v51 =	vld [tilespmem:s25+$0xCE0];
	v39 =	vadd.f32 v29, v30;
	v30 =	vadd.f32 v37, v44  }
0xb5: {  	v52 =	vmul.f32 v23, v23;
	v40 =	vld [tilespmem:s25+$0xCCE0];
	v35 =	vadd.f32 v49, v31  }
0xb6: {  	v53 =	vld [tilespmem:s25+$0xCF0];
	v31 =	vadd.f32 v38, v46;
	v39 =	vadd.f32 v30, v39  }
0xb7: {  	v54 =	vmul.f32 v24, v24;
	v41 =	vld [tilespmem:s25+$0xCCF0];
	v35 =	vadd.f32 v52, v35  }
0xb8: {  	v55 =	vld [tilespmem:s25+$0x1080];
	v32 =	vadd.f32 v50, v48;
	v39 =	vadd.f32 v31, v39  }
0xb9: {  	v56 =	vmul.f32 v25, v25;
	v42 =	vld [tilespmem:s25+$0xD080];
	v35 =	vadd.f32 v54, v35  }
0xba: {  	v57 =	vld [tilespmem:s25+$0x1090];
	v33 =	vadd.f32 v40, v51;
	v39 =	vadd.f32 v32, v39  }
0xbb: {  	v58 =	vmul.f32 v26, v26;
	v43 =	vld [tilespmem:s25+$0xD090];
	v35 =	vadd.f32 v56, v35  }
0xbc: {  	v63 =	vld [tilespmem:s25+$0x10C0];
	v34 =	vadd.f32 v41, v53;
	v39 =	vadd.f32 v33, v39  }
0xbd: {  	v60 =	vmul.f32 v27, v27;
	v44 =	vld [tilespmem:s25+$0xD0A0];
	v37 =	vadd.f32 v58, v35  }
0xbe: {  	v61 =	vld [tilespmem:s25+$0x10B0];
	v35 =	vadd.f32 v42, v55;
	v39 =	vadd.f32 v34, v39  }
0xbf: {  	v62 =	vmul.f32 v28, v28;
	v45 =	vld [tilespmem:s25+$0xD0B0];
	v37 =	vadd.f32 v60, v37  }
0xc0: {  	v50 =	vld [tilespmem:s25+$0xD480];
	v36 =	vadd.f32 v43, v57;
	v39 =	vadd.f32 v35, v39  }
0xc1: {  	v51 =	vmul.f32 v29, v29;
	v46 =	vld [tilespmem:s25+$0xD0C0];
	v41 =	vadd.f32 v62, v37  }
0xc2: {  	v47 =	vld [tilespmem:s25+$0xD0D0];
	v37 =	vadd.f32 v44, v59;
	v39 =	vadd.f32 v36, v39  }
0xc3: {  	v52 =	vld [tilespmem:s25+$0x10D0];
	v53 =	vmul.f32 v30, v30;
	v41 =	vadd.f32 v51, v41  }
0xc4: {  	v38 =	vadd.f32 v45, v61;
	v54 =	vld [tilespmem:s25+$0x10E0];
	v39 =	vadd.f32 v37, v39  }
0xc5: {  	v56 =	vld [tilespmem:s25+$0xD0E0];
	v55 =	vmul.f32 v31, v31;
	v41 =	vadd.f32 v53, v41  }
0xc6: {  	v57 =	vld [tilespmem:s25+$0x10F0];
	v48 =	vadd.f32 v38, v39;
	v39 =	vadd.f32 v46, v63  }
0xc7: {  	v49 =	vld [tilespmem:s25+$0xD0F0];
	v58 =	vmul.f32 v32, v32;
	v41 =	vadd.f32 v55, v41  }
0xc8: {  	v61 =	vld [tilespmem:s25+$0x1490];
	v40 =	vadd.f32 v47, v52;
	v48 =	vadd.f32 v39, v48  }
0xc9: {  	v60 =	vmul.f32 v33, v33;
	v59 =	vld [tilespmem:s25+$0x1480];
	v43 =	vadd.f32 v58, v41  }
0xca: {  	v52 =	vld [tilespmem:s25+$0xD4A0];
	v41 =	vadd.f32 v56, v54;
	v48 =	vadd.f32 v40, v48  }
0xcb: {  	v62 =	vmul.f32 v34, v34;
	v51 =	vld [tilespmem:s25+$0xD490];
	v43 =	vadd.f32 v60, v43  }
0xcc: {  	v42 =	vadd.f32 v49, v57;
	v53 =	vld [tilespmem:s25+$0xD4B0];
	v48 =	vadd.f32 v41, v48  }
0xcd: {  	v57 =	vmul.f32 v35, v35;
	v63 =	vld [tilespmem:s25+$0x14A0];
	v47 =	vadd.f32 v62, v43  }
0xce: {  	v55 =	vld [tilespmem:s25+$0xD4D0];
	v43 =	vadd.f32 v50, v59;
	v48 =	vadd.f32 v42, v48  }
0xcf: {  	v58 =	vld [tilespmem:s25+$0x14B0];
	v59 =	vmul.f32 v36, v36;
	v47 =	vadd.f32 v57, v47  }
0xd0: {  	v44 =	vadd.f32 v51, v61;
	v51 =	vld [tilespmem:s25+$0x14C0];
	v48 =	vadd.f32 v43, v48  }
0xd1: {  	v54 =	vld [tilespmem:s25+$0xD4C0];
	v60 =	vmul.f32 v37, v37;
	v47 =	vadd.f32 v59, v47  }
0xd2: {  	v61 =	vld [tilespmem:s25+$0x14D0];
	v45 =	vadd.f32 v52, v63;
	v48 =	vadd.f32 v44, v48  }
0xd3: {  	v56 =	vld [tilespmem:s25+$0xD4E0];
	v62 =	vmul.f32 v38, v38;
	v47 =	vadd.f32 v60, v47  }
0xd4: {  	v50 =	vld [tilespmem:s25+$0x14E0];
	v46 =	vadd.f32 v53, v58;
	v48 =	vadd.f32 v45, v48  }
0xd5: {  	v58 =	vld [tilespmem:s25+$0x14F0];
	v63 =	vmul.f32 v39, v39;
	v49 =	vadd.f32 v62, v47  }
0xd6: {  	v60 =	vld [tilespmem:s25+$0xD4F0];
	v47 =	vadd.f32 v54, v51;
	v57 =	vadd.f32 v46, v48  }
0xd7: {  	v59 =	vmul.f32 v40, v40;
	v49 =	vadd.f32 v63, v49  }
0xd8: {  	v48 =	vadd.f32 v55, v61;
	v61 =	vadd.f32 v47, v57  }
0xd9: {  	v53 =	vadd.f32 v59, v49  }
0xda: {  	v62 =	vmul.f32 v41, v41;
	v49 =	vadd.f32 v56, v50;
	v52 =	vadd.f32 v48, v61  }
0xdb: {  	v50 =	vadd.f32 v60, v58  }
0xdc: {  	v63 =	vmul.f32 v42, v42;
	v53 =	vadd.f32 v62, v53;
	v52 =	vadd.f32 v49, v52;
	_ =	sdelay $0x1  }
0xdd: {  	v56 =	vmul.f32 v43, v43;
	v51 =	vadd.f32 v63, v53;
	v52 =	vadd.f32 v50, v52;
	_ =	sdelay $0x1  }
0xde: {  	v57 =	vmul.f32 v44, v44;
	v51 =	vadd.f32 v56, v51;
	(v2sf) =	vpush v52, $0x0  }
0xdf: {  	(v2sf) =	vpush v52, $0x1  }
0xe0: {  	v58 =	vmul.f32 v45, v45;
	v51 =	vadd.f32 v57, v51;
	(v2sf) =	vpush v52, $0x2  }
0xe1: {  	(v2sf) =	vpush v52, $0x3  }
0xe2: {  	v59 =	vmul.f32 v46, v46;
	v51 =	vadd.f32 v58, v51;
	(v2sf) =	vpush v52, $0x4  }
0xe3: {  	(v2sf) =	vpush v52, $0x5  }
0xe4: {  	v60 =	vmul.f32 v47, v47;
	v51 =	vadd.f32 v59, v51;
	(v2sf) =	vpush v52, $0x6  }
0xe5: {  	(v2sf) =	vpush v52, $0x7  }
0xe6: {  	v61 =	vmul.f32 v48, v48;
	v51 =	vadd.f32 v60, v51;
	(v2sf) =	vpush v52, $0x8  }
0xe7: {  	(v2sf) =	vpush v52, $0x9  }
0xe8: {  	v62 =	vmul.f32 v49, v49;
	v51 =	vadd.f32 v61, v51;
	(v2sf) =	vpush v52, $0xA  }
0xe9: {  	(v2sf) =	vpush v52, $0xB  }
0xea: {  	v63 =	vmul.f32 v50, v50;
	v51 =	vadd.f32 v62, v51;
	(v2sf) =	vpush v52, $0xC  }
0xeb: {  	(v2sf) =	vpush v52, $0xD  }
0xec: {  	v51 =	vadd.f32 v63, v51;
	(v2sf) =	vpush v52, $0xE  }
0xed: {  	(v2sf) =	vpush v52, $0xF;
	s26 =	spop (v2sf)  }
0xee: {  	s28 =	spop (v2sf);
	(v2sf) =	vpush v51, $0x0  }
0xef: {  	s29 =	spop (v2sf);
	(v2sf) =	vpush v51, $0x1  }
0xf0: {  	s30 =	spop (v2sf);
	(v2sf) =	vpush v51, $0x2  }
0xf1: {  	s31 =	spop (v2sf);
	(v2sf) =	vpush v51, $0x3  }
0xf2: {  	s0 =	spop (v2sf);
	(v2sf) =	vpush v51, $0x4  }
0xf3: {  	s6 =	spop (v2sf);
	(v2sf) =	vpush v51, $0x5  }
0xf4: {  	s3 =	spop (v2sf);
	(v2sf) =	vpush v51, $0x6  }
0xf5: {  	s26 =	sadd.f32 s28, s26;
	s4 =	spop (v2sf);
	(v2sf) =	vpush v51, $0x7  }
0xf6: {  	s29 =	sadd.f32 s30, s29;
	s14 =	spop (v2sf);
	(v2sf) =	vpush v51, $0x8  }
0xf7: {  	s0 =	sadd.f32 s0, s31;
	s16 =	spop (v2sf);
	(v2sf) =	vpush v51, $0x9  }
0xf8: {  	s26 =	sadd.f32 s29, s26;
	s13 =	spop (v2sf);
	(v2sf) =	vpush v51, $0xA  }
0xf9: {  	s3 =	sadd.f32 s3, s6;
	s28 =	spop (v2sf);
	(v2sf) =	vpush v51, $0xB  }
0xfa: {  	s4 =	sadd.f32 s14, s4;
	s30 =	spop (v2sf);
	(v2sf) =	vpush v51, $0xC  }
0xfb: {  	s0 =	sadd.f32 s3, s0;
	s31 =	spop (v2sf);
	(v2sf) =	vpush v51, $0xD  }
0xfc: {  	s13 =	sadd.f32 s13, s16;
	s6 =	spop (v2sf);
	(v2sf) =	vpush v51, $0xE  }
0xfd: {  	s0 =	sadd.f32 s0, s26;
	(v2sf) =	vpush v51, $0xF;
	s14 =	spop (v2sf)  }
0xfe: {  	s28 =	sadd.f32 s30, s28;
	s16 =	spop (v2sf)  }
0xff: {  	s6 =	sadd.f32 s6, s31;
	s30 =	spop (v2sf)  }
0x100: {  	s4 =	sadd.f32 s13, s4;
	s31 =	spop (v2sf)  }
0x101: {  	s6 =	sadd.f32 s6, s28;
	s29 =	spop (v2sf)  }
0x102: {  	s14 =	sadd.f32 s16, s14;
	s3 =	spop (v2sf)  }
0x103: {  	s4 =	sadd.f32 s6, s4;
	s13 =	spop (v2sf)  }
0x104: {  	s30 =	sadd.f32 s31, s30;
	s28 =	spop (v2sf)  }
0x105: {  	s3 =	sadd.f32 s3, s29;
	s26 =	spop (v2sf)  }
0x106: {  	s14 =	sadd.f32 s30, s14;
	s6 =	spop (v2sf)  }
0x107: {  	s0 =	sadd.f32 s4, s0;
	s16 =	spop (v2sf)  }
0x108: {  	s13 =	sadd.f32 s28, s13;
	s31 =	spop (v2sf)  }
0x109: {  	s6 =	sadd.f32 s6, s26;
	s29 =	spop (v2sf)  }
0x10a: {  	[tilespmem:s25+$0x80] =	vst v3;
	s3 =	sadd.f32 s13, s3;
	s28 =	spop (v2sf)  }
0x10b: {  	[tilespmem:s25+$0x90] =	vst v4;
	s16 =	sadd.f32 s31, s16;
	s26 =	spop (v2sf)  }
0x10c: {  	[tilespmem:s25+$0xA0] =	vst v5;
	s28 =	sadd.f32 s28, s29;
	s31 =	spop (v2sf)  }
0x10d: {  	[tilespmem:s25+$0xB0] =	vst v6;
	s26 =	sadd.f32 s31, s26  }
0x10e: {  	[tilespmem:s25+$0xD0] =	vst v8;
	s6 =	sadd.f32 s16, s6  }
0x10f: {  	[tilespmem:s25+$0xC0] =	vst v7;
	s26 =	sadd.f32 s26, s28  }
0x110: {  	[tilespmem:s25+$0xE0] =	vst v9;
	s3 =	sadd.f32 s3, s14  }
0x111: {  	[tilespmem:s25+$0xF0] =	vst v10;
	s6 =	sadd.f32 s26, s6  }
0x112: {  	[tilespmem:s25+$0x480] =	vst v11;
	s0 =	smul.f32 $1.302083370e-03, s0  }
0x113: {  	[tilespmem:s25+$0x4A0] =	vst v13;
	s3 =	sadd.f32 s6, s3  }
0x114: {  	[tilespmem:s25+$0x4B0] =	vst v14;
	s28 =	smul.f32 s0, s0  }
0x115: {  	[tilespmem:s25+$0x880] =	vst v19;
	s3 =	smul.f32 $1.302083370e-03, s3  }
0x116: {  	[tilespmem:s25+$0x490] =	vst v12  }
0x117: {  	[tilespmem:s25+$0x4C0] =	vst v15;
	s3 =	ssub.f32 s3, s28  }
0x118: {  	[tilespmem:s25+$0x4D0] =	vst v16  }
0x119: {  	[tilespmem:s25+$0x4E0] =	vst v17;
	s3 =	sadd.f32 $9.999999740e-06, s3  }
0x11a: {  	[tilespmem:s25+$0x4F0] =	vst v18  }
0x11b: {  	[tilespmem:s25+$0x890] =	vst v20;
	s29 =	sshra.s32 s3, $0x1;
	s3 =	smul.f32 $5.000000000e-01, s3  }
0x11c: {  	[tilespmem:s25+$0x8B0] =	vst v22;
	s4 =	ssub.s32 $0x5F3759DF, s29  }
0x11d: {  	[tilespmem:s25+$0x8C0] =	vst v23;
	s30 =	smul.f32 s4, s3  }
0x11e: {  	[tilespmem:s25+$0x8E0] =	vst v25  }
0x11f: {  	[tilespmem:s25+$0x8F0] =	vst v26;
	s6 =	smul.f32 s4, s30  }
0x120: {  	[tilespmem:s25+$0xC80] =	vst v27  }
0x121: {  	[tilespmem:s25+$0x8A0] =	vst v21;
	s6 =	ssub.f32 $1.500000000e+00, s6  }
0x122: {  	[tilespmem:s25+$0x8D0] =	vst v24  }
0x123: {  	[tilespmem:s25+$0xC90] =	vst v28;
	s4 =	smul.f32 s4, s6  }
0x124: {  	[tilespmem:s25+$0xCD0] =	vst v32  }
0x125: {  	[tilespmem:s25+$0xCE0] =	vst v33;
	s6 =	smul.f32 s4, s3  }
0x126: {  	[tilespmem:s25+$0xCA0] =	vst v29  }
0x127: {  	[tilespmem:s25+$0xCF0] =	vst v34;
	s6 =	smul.f32 s6, s4  }
0x128: {  	[tilespmem:s25+$0x1090] =	vst v36  }
0x129: {  	[tilespmem:s25+$0xCC0] =	vst v31;
	s6 =	ssub.f32 $1.500000000e+00, s6  }
0x12a: {  	[tilespmem:s25+$0x10B0] =	vst v38  }
0x12b: {  	[tilespmem:s25+$0xCB0] =	vst v30;
	s4 =	smul.f32 s6, s4  }
0x12c: {  	[tilespmem:s25+$0x10D0] =	vst v40  }
0x12d: {  	[tilespmem:s25+$0x1080] =	vst v35;
	s6 =	smul.f32 s4, s3  }
0x12e: {  	[tilespmem:s25+$0x10F0] =	vst v42  }
0x12f: {  	[tilespmem:s25+$0x10A0] =	vst v37;
	s6 =	smul.f32 s6, s4  }
0x130: {  	[tilespmem:s25+$0x1490] =	vst v44  }
0x131: {  	[tilespmem:s25+$0x10E0] =	vst v41;
	s6 =	ssub.f32 $1.500000000e+00, s6  }
0x132: {  	[tilespmem:s25+$0x10C0] =	vst v39  }
0x133: {  	[tilespmem:s25+$0x1480] =	vst v43;
	s4 =	smul.f32 s6, s4  }
0x134: {  	[tilespmem:s25+$0x14B0] =	vst v46  }
0x135: {  	[tilespmem:s25+$0x14A0] =	vst v45;
	s3 =	smul.f32 s4, s3  }
0x136: {  	v25 =	vld [tilespmem:s25+$0x80];
	[tilespmem:s25+$0x14C0] =	vst v47  }
0x137: {  	[tilespmem:s25+$0x14E0] =	vst v49;
	s3 =	smul.f32 s3, s4  }
0x138: {  	[tilespmem:s25+$0x14F0] =	vst v50  }
0x139: {  	[tilespmem:s25+$0x14D0] =	vst v48;
	s3 =	ssub.f32 $1.500000000e+00, s3  }
0x13a: {  	v5 =	vld [tilespmem:$0x18080];
	v3 =	vmov s0  }
0x13b: {  	v4 =	vsub.f32 v25, v3;
	s31 =	smul.f32 s3, s4  }
0x13c: {  	v6 =	vld [tilespmem:$0x18380]  }
0x13d: {  	v4 =	vmul.f32 s31, v4;
	_ =	sdelay $0x1  }
0x13e: {  	v4 =	vmul.f32 v4, v5  }
0x13f: {  	v26 =	vld [tilespmem:s25+$0x90]  }
0x140: {  	v4 =	vadd.f32 v4, v6;
	_ =	sdelay $0x1  }
0x141: {  	[tilespmem:s25+$0x80] =	vst v4  }
0x142: {  	v4 =	vld [tilespmem:$0x18090]  }
0x143: {  	v5 =	vsub.f32 v26, v3  }
0x144: {  	v27 =	vld [tilespmem:$0x18390]  }
0x145: {  	v5 =	vmul.f32 s31, v5;
	_ =	sdelay $0x1  }
0x146: {  	v4 =	vmul.f32 v5, v4  }
0x147: {  	v28 =	vld [tilespmem:s25+$0xA0]  }
0x148: {  	v4 =	vadd.f32 v4, v27;
	_ =	sdelay $0x1  }
0x149: {  	[tilespmem:s25+$0x90] =	vst v4  }
0x14a: {  	v4 =	vld [tilespmem:$0x180A0]  }
0x14b: {  	v5 =	vsub.f32 v28, v3  }
0x14c: {  	v29 =	vld [tilespmem:$0x183A0]  }
0x14d: {  	v5 =	vmul.f32 s31, v5;
	_ =	sdelay $0x1  }
0x14e: {  	v4 =	vmul.f32 v5, v4  }
0x14f: {  	v30 =	vld [tilespmem:s25+$0xB0]  }
0x150: {  	v4 =	vadd.f32 v4, v29;
	_ =	sdelay $0x1  }
0x151: {  	[tilespmem:s25+$0xA0] =	vst v4  }
0x152: {  	v4 =	vld [tilespmem:$0x180B0]  }
0x153: {  	v5 =	vsub.f32 v30, v3  }
0x154: {  	v31 =	vld [tilespmem:$0x183B0]  }
0x155: {  	v5 =	vmul.f32 s31, v5;
	_ =	sdelay $0x1  }
0x156: {  	v4 =	vmul.f32 v5, v4  }
0x157: {  	v32 =	vld [tilespmem:s25+$0xC0]  }
0x158: {  	v4 =	vadd.f32 v4, v31;
	_ =	sdelay $0x1  }
0x159: {  	[tilespmem:s25+$0xB0] =	vst v4  }
0x15a: {  	v4 =	vld [tilespmem:$0x180C0]  }
0x15b: {  	v5 =	vsub.f32 v32, v3  }
0x15c: {  	v33 =	vld [tilespmem:$0x183C0]  }
0x15d: {  	v5 =	vmul.f32 s31, v5;
	_ =	sdelay $0x1  }
0x15e: {  	v4 =	vmul.f32 v5, v4  }
0x15f: {  	v34 =	vld [tilespmem:s25+$0xD0]  }
0x160: {  	v4 =	vadd.f32 v4, v33;
	_ =	sdelay $0x1  }
0x161: {  	[tilespmem:s25+$0xC0] =	vst v4  }
0x162: {  	v4 =	vld [tilespmem:$0x180D0]  }
0x163: {  	v5 =	vsub.f32 v34, v3  }
0x164: {  	v35 =	vld [tilespmem:$0x183D0]  }
0x165: {  	v5 =	vmul.f32 s31, v5;
	_ =	sdelay $0x1  }
0x166: {  	v4 =	vmul.f32 v5, v4  }
0x167: {  	v36 =	vld [tilespmem:s25+$0xE0]  }
0x168: {  	v4 =	vadd.f32 v4, v35;
	_ =	sdelay $0x1  }
0x169: {  	[tilespmem:s25+$0xD0] =	vst v4  }
0x16a: {  	v4 =	vld [tilespmem:$0x180E0]  }
0x16b: {  	v5 =	vsub.f32 v36, v3  }
0x16c: {  	v37 =	vld [tilespmem:$0x183E0]  }
0x16d: {  	v5 =	vmul.f32 s31, v5;
	_ =	sdelay $0x1  }
0x16e: {  	v4 =	vmul.f32 v5, v4  }
0x16f: {  	v38 =	vld [tilespmem:s25+$0xF0]  }
0x170: {  	v4 =	vadd.f32 v4, v37;
	_ =	sdelay $0x1  }
0x171: {  	[tilespmem:s25+$0xE0] =	vst v4  }
0x172: {  	v4 =	vld [tilespmem:$0x180F0]  }
0x173: {  	v5 =	vsub.f32 v38, v3  }
0x174: {  	v39 =	vld [tilespmem:$0x183F0]  }
0x175: {  	v5 =	vmul.f32 s31, v5;
	_ =	sdelay $0x1  }
0x176: {  	v4 =	vmul.f32 v5, v4  }
0x177: {  	v40 =	vld [tilespmem:s25+$0x480]  }
0x178: {  	v4 =	vadd.f32 v4, v39;
	_ =	sdelay $0x1  }
0x179: {  	[tilespmem:s25+$0xF0] =	vst v4  }
0x17a: {  	v4 =	vld [tilespmem:$0x18100]  }
0x17b: {  	v5 =	vsub.f32 v40, v3  }
0x17c: {  	v41 =	vld [tilespmem:$0x18400]  }
0x17d: {  	v5 =	vmul.f32 s31, v5;
	_ =	sdelay $0x1  }
0x17e: {  	v4 =	vmul.f32 v5, v4  }
0x17f: {  	v42 =	vld [tilespmem:s25+$0x490]  }
0x180: {  	v4 =	vadd.f32 v4, v41;
	_ =	sdelay $0x1  }
0x181: {  	[tilespmem:s25+$0x480] =	vst v4  }
0x182: {  	v4 =	vld [tilespmem:$0x18110]  }
0x183: {  	v5 =	vsub.f32 v42, v3  }
0x184: {  	v43 =	vld [tilespmem:$0x18410]  }
0x185: {  	v5 =	vmul.f32 s31, v5;
	_ =	sdelay $0x1  }
0x186: {  	v4 =	vmul.f32 v5, v4  }
0x187: {  	v44 =	vld [tilespmem:s25+$0x4A0]  }
0x188: {  	v4 =	vadd.f32 v4, v43;
	_ =	sdelay $0x1  }
0x189: {  	[tilespmem:s25+$0x490] =	vst v4  }
0x18a: {  	v4 =	vld [tilespmem:$0x18120]  }
0x18b: {  	v5 =	vsub.f32 v44, v3  }
0x18c: {  	v45 =	vld [tilespmem:$0x18420]  }
0x18d: {  	v5 =	vmul.f32 s31, v5;
	_ =	sdelay $0x1  }
0x18e: {  	v4 =	vmul.f32 v5, v4  }
0x18f: {  	v46 =	vld [tilespmem:s25+$0x4B0]  }
0x190: {  	v4 =	vadd.f32 v4, v45;
	_ =	sdelay $0x1  }
0x191: {  	[tilespmem:s25+$0x4A0] =	vst v4  }
0x192: {  	v4 =	vld [tilespmem:$0x18130]  }
0x193: {  	v5 =	vsub.f32 v46, v3  }
0x194: {  	v47 =	vld [tilespmem:$0x18430]  }
0x195: {  	v5 =	vmul.f32 s31, v5;
	_ =	sdelay $0x1  }
0x196: {  	v4 =	vmul.f32 v5, v4  }
0x197: {  	v48 =	vld [tilespmem:s25+$0x4C0]  }
0x198: {  	v4 =	vadd.f32 v4, v47;
	_ =	sdelay $0x1  }
0x199: {  	[tilespmem:s25+$0x4B0] =	vst v4  }
0x19a: {  	v4 =	vld [tilespmem:$0x18140]  }
0x19b: {  	v5 =	vsub.f32 v48, v3  }
0x19c: {  	v49 =	vld [tilespmem:$0x18440]  }
0x19d: {  	v5 =	vmul.f32 s31, v5;
	_ =	sdelay $0x1  }
0x19e: {  	v4 =	vmul.f32 v5, v4  }
0x19f: {  	v50 =	vld [tilespmem:s25+$0x4D0]  }
0x1a0: {  	v4 =	vadd.f32 v4, v49;
	_ =	sdelay $0x1  }
0x1a1: {  	[tilespmem:s25+$0x4C0] =	vst v4  }
0x1a2: {  	v4 =	vld [tilespmem:$0x18150]  }
0x1a3: {  	v5 =	vsub.f32 v50, v3  }
0x1a4: {  	v51 =	vld [tilespmem:$0x18450]  }
0x1a5: {  	v5 =	vmul.f32 s31, v5;
	_ =	sdelay $0x1  }
0x1a6: {  	v4 =	vmul.f32 v5, v4  }
0x1a7: {  	v52 =	vld [tilespmem:s25+$0x4E0]  }
0x1a8: {  	v4 =	vadd.f32 v4, v51;
	_ =	sdelay $0x1  }
0x1a9: {  	[tilespmem:s25+$0x4D0] =	vst v4  }
0x1aa: {  	v4 =	vld [tilespmem:$0x18160]  }
0x1ab: {  	v5 =	vsub.f32 v52, v3  }
0x1ac: {  	v53 =	vld [tilespmem:$0x18460]  }
0x1ad: {  	v5 =	vmul.f32 s31, v5;
	_ =	sdelay $0x1  }
0x1ae: {  	v4 =	vmul.f32 v5, v4  }
0x1af: {  	v54 =	vld [tilespmem:s25+$0x4F0]  }
0x1b0: {  	v4 =	vadd.f32 v4, v53;
	_ =	sdelay $0x1  }
0x1b1: {  	[tilespmem:s25+$0x4E0] =	vst v4  }
0x1b2: {  	v4 =	vld [tilespmem:$0x18170]  }
0x1b3: {  	v5 =	vsub.f32 v54, v3  }
0x1b4: {  	v55 =	vld [tilespmem:$0x18470]  }
0x1b5: {  	v5 =	vmul.f32 s31, v5;
	_ =	sdelay $0x1  }
0x1b6: {  	v4 =	vmul.f32 v5, v4  }
0x1b7: {  	v56 =	vld [tilespmem:s25+$0x880]  }
0x1b8: {  	v4 =	vadd.f32 v4, v55;
	_ =	sdelay $0x1  }
0x1b9: {  	[tilespmem:s25+$0x4F0] =	vst v4  }
0x1ba: {  	v4 =	vld [tilespmem:$0x18180]  }
0x1bb: {  	v5 =	vsub.f32 v56, v3  }
0x1bc: {  	v57 =	vld [tilespmem:$0x18480]  }
0x1bd: {  	v5 =	vmul.f32 s31, v5;
	_ =	sdelay $0x1  }
0x1be: {  	v4 =	vmul.f32 v5, v4  }
0x1bf: {  	v58 =	vld [tilespmem:s25+$0x890]  }
0x1c0: {  	v4 =	vadd.f32 v4, v57;
	_ =	sdelay $0x1  }
0x1c1: {  	[tilespmem:s25+$0x880] =	vst v4  }
0x1c2: {  	v4 =	vld [tilespmem:$0x18190]  }
0x1c3: {  	v5 =	vsub.f32 v58, v3  }
0x1c4: {  	v59 =	vld [tilespmem:$0x18490]  }
0x1c5: {  	v5 =	vmul.f32 s31, v5;
	_ =	sdelay $0x1  }
0x1c6: {  	v4 =	vmul.f32 v5, v4  }
0x1c7: {  	v60 =	vld [tilespmem:s25+$0x8A0]  }
0x1c8: {  	v4 =	vadd.f32 v4, v59;
	_ =	sdelay $0x1  }
0x1c9: {  	[tilespmem:s25+$0x890] =	vst v4  }
0x1ca: {  	v4 =	vld [tilespmem:$0x181A0]  }
0x1cb: {  	v5 =	vsub.f32 v60, v3  }
0x1cc: {  	v61 =	vld [tilespmem:$0x184A0]  }
0x1cd: {  	v5 =	vmul.f32 s31, v5;
	_ =	sdelay $0x1  }
0x1ce: {  	v4 =	vmul.f32 v5, v4  }
0x1cf: {  	v62 =	vld [tilespmem:s25+$0x8B0]  }
0x1d0: {  	v4 =	vadd.f32 v4, v61;
	_ =	sdelay $0x1  }
0x1d1: {  	[tilespmem:s25+$0x8A0] =	vst v4  }
0x1d2: {  	v4 =	vld [tilespmem:$0x181B0]  }
0x1d3: {  	v5 =	vsub.f32 v62, v3  }
0x1d4: {  	v63 =	vld [tilespmem:$0x184B0]  }
0x1d5: {  	v5 =	vmul.f32 s31, v5;
	_ =	sdelay $0x1  }
0x1d6: {  	v4 =	vmul.f32 v5, v4  }
0x1d7: {  	v8 =	vld [tilespmem:s25+$0x8C0]  }
0x1d8: {  	v4 =	vadd.f32 v4, v63;
	_ =	sdelay $0x1  }
0x1d9: {  	[tilespmem:s25+$0x8B0] =	vst v4  }
0x1da: {  	v4 =	vld [tilespmem:$0x181C0]  }
0x1db: {  	v5 =	vsub.f32 v8, v3  }
0x1dc: {  	v9 =	vld [tilespmem:$0x184C0]  }
0x1dd: {  	v5 =	vmul.f32 s31, v5;
	_ =	sdelay $0x1  }
0x1de: {  	v4 =	vmul.f32 v5, v4  }
0x1df: {  	v10 =	vld [tilespmem:s25+$0x8D0]  }
0x1e0: {  	v4 =	vadd.f32 v4, v9;
	_ =	sdelay $0x1  }
0x1e1: {  	[tilespmem:s25+$0x8C0] =	vst v4  }
0x1e2: {  	v4 =	vld [tilespmem:$0x181D0]  }
0x1e3: {  	v5 =	vsub.f32 v10, v3  }
0x1e4: {  	v11 =	vld [tilespmem:$0x184D0]  }
0x1e5: {  	v5 =	vmul.f32 s31, v5;
	_ =	sdelay $0x1  }
0x1e6: {  	v4 =	vmul.f32 v5, v4  }
0x1e7: {  	v12 =	vld [tilespmem:s25+$0x8E0]  }
0x1e8: {  	v4 =	vadd.f32 v4, v11;
	_ =	sdelay $0x1  }
0x1e9: {  	[tilespmem:s25+$0x8D0] =	vst v4  }
0x1ea: {  	v4 =	vld [tilespmem:$0x181E0]  }
0x1eb: {  	v5 =	vsub.f32 v12, v3  }
0x1ec: {  	v13 =	vld [tilespmem:$0x184E0]  }
0x1ed: {  	v5 =	vmul.f32 s31, v5;
	_ =	sdelay $0x1  }
0x1ee: {  	v4 =	vmul.f32 v5, v4  }
0x1ef: {  	v14 =	vld [tilespmem:s25+$0x8F0]  }
0x1f0: {  	v4 =	vadd.f32 v4, v13;
	_ =	sdelay $0x1  }
0x1f1: {  	[tilespmem:s25+$0x8E0] =	vst v4  }
0x1f2: {  	v4 =	vld [tilespmem:$0x181F0]  }
0x1f3: {  	v5 =	vsub.f32 v14, v3  }
0x1f4: {  	v15 =	vld [tilespmem:$0x184F0]  }
0x1f5: {  	v5 =	vmul.f32 s31, v5;
	_ =	sdelay $0x1  }
0x1f6: {  	v4 =	vmul.f32 v5, v4  }
0x1f7: {  	v16 =	vld [tilespmem:s25+$0xC80]  }
0x1f8: {  	v4 =	vadd.f32 v4, v15;
	_ =	sdelay $0x1  }
0x1f9: {  	[tilespmem:s25+$0x8F0] =	vst v4  }
0x1fa: {  	v4 =	vld [tilespmem:$0x18200]  }
0x1fb: {  	v5 =	vsub.f32 v16, v3  }
0x1fc: {  	v17 =	vld [tilespmem:$0x18500]  }
0x1fd: {  	v5 =	vmul.f32 s31, v5;
	_ =	sdelay $0x1  }
0x1fe: {  	v4 =	vmul.f32 v5, v4  }
0x1ff: {  	v18 =	vld [tilespmem:s25+$0xC90]  }
0x200: {  	v4 =	vadd.f32 v4, v17;
	_ =	sdelay $0x1  }
0x201: {  	[tilespmem:s25+$0xC80] =	vst v4  }
0x202: {  	v4 =	vld [tilespmem:$0x18210]  }
0x203: {  	v5 =	vsub.f32 v18, v3  }
0x204: {  	v19 =	vld [tilespmem:$0x18510]  }
0x205: {  	v5 =	vmul.f32 s31, v5;
	_ =	sdelay $0x1  }
0x206: {  	v4 =	vmul.f32 v5, v4  }
0x207: {  	v20 =	vld [tilespmem:s25+$0xCA0]  }
0x208: {  	v4 =	vadd.f32 v4, v19;
	_ =	sdelay $0x1  }
0x209: {  	[tilespmem:s25+$0xC90] =	vst v4  }
0x20a: {  	v4 =	vld [tilespmem:$0x18220]  }
0x20b: {  	v5 =	vsub.f32 v20, v3  }
0x20c: {  	v21 =	vld [tilespmem:$0x18520]  }
0x20d: {  	v5 =	vmul.f32 s31, v5;
	_ =	sdelay $0x1  }
0x20e: {  	v4 =	vmul.f32 v5, v4  }
0x20f: {  	v22 =	vld [tilespmem:s25+$0xCB0]  }
0x210: {  	v4 =	vadd.f32 v4, v21;
	_ =	sdelay $0x1  }
0x211: {  	[tilespmem:s25+$0xCA0] =	vst v4  }
0x212: {  	v4 =	vld [tilespmem:$0x18230]  }
0x213: {  	v5 =	vsub.f32 v22, v3  }
0x214: {  	v23 =	vld [tilespmem:$0x18530]  }
0x215: {  	v5 =	vmul.f32 s31, v5;
	_ =	sdelay $0x1  }
0x216: {  	v4 =	vmul.f32 v5, v4  }
0x217: {  	v24 =	vld [tilespmem:s25+$0xCC0]  }
0x218: {  	v4 =	vadd.f32 v4, v23;
	_ =	sdelay $0x1  }
0x219: {  	[tilespmem:s25+$0xCB0] =	vst v4  }
0x21a: {  	v4 =	vld [tilespmem:$0x18240]  }
0x21b: {  	v5 =	vsub.f32 v24, v3  }
0x21c: {  	v25 =	vld [tilespmem:$0x18540]  }
0x21d: {  	v5 =	vmul.f32 s31, v5;
	_ =	sdelay $0x1  }
0x21e: {  	v4 =	vmul.f32 v5, v4  }
0x21f: {  	v26 =	vld [tilespmem:s25+$0xCD0]  }
0x220: {  	v4 =	vadd.f32 v4, v25;
	_ =	sdelay $0x1  }
0x221: {  	[tilespmem:s25+$0xCC0] =	vst v4  }
0x222: {  	v4 =	vld [tilespmem:$0x18250]  }
0x223: {  	v5 =	vsub.f32 v26, v3  }
0x224: {  	v27 =	vld [tilespmem:$0x18550]  }
0x225: {  	v5 =	vmul.f32 s31, v5;
	_ =	sdelay $0x1  }
0x226: {  	v4 =	vmul.f32 v5, v4  }
0x227: {  	v28 =	vld [tilespmem:s25+$0xCE0]  }
0x228: {  	v4 =	vadd.f32 v4, v27;
	_ =	sdelay $0x1  }
0x229: {  	[tilespmem:s25+$0xCD0] =	vst v4  }
0x22a: {  	v4 =	vld [tilespmem:$0x18260]  }
0x22b: {  	v5 =	vsub.f32 v28, v3  }
0x22c: {  	v29 =	vld [tilespmem:$0x18560]  }
0x22d: {  	v5 =	vmul.f32 s31, v5;
	_ =	sdelay $0x1  }
0x22e: {  	v4 =	vmul.f32 v5, v4  }
0x22f: {  	v30 =	vld [tilespmem:s25+$0xCF0]  }
0x230: {  	v4 =	vadd.f32 v4, v29;
	_ =	sdelay $0x1  }
0x231: {  	[tilespmem:s25+$0xCE0] =	vst v4  }
0x232: {  	v4 =	vld [tilespmem:$0x18270]  }
0x233: {  	v5 =	vsub.f32 v30, v3  }
0x234: {  	v31 =	vld [tilespmem:$0x18570]  }
0x235: {  	v5 =	vmul.f32 s31, v5;
	_ =	sdelay $0x1  }
0x236: {  	v4 =	vmul.f32 v5, v4  }
0x237: {  	v32 =	vld [tilespmem:s25+$0x1080]  }
0x238: {  	v4 =	vadd.f32 v4, v31;
	_ =	sdelay $0x1  }
0x239: {  	[tilespmem:s25+$0xCF0] =	vst v4  }
0x23a: {  	v4 =	vld [tilespmem:$0x18280]  }
0x23b: {  	v5 =	vsub.f32 v32, v3  }
0x23c: {  	v33 =	vld [tilespmem:$0x18580]  }
0x23d: {  	v5 =	vmul.f32 s31, v5;
	_ =	sdelay $0x1  }
0x23e: {  	v4 =	vmul.f32 v5, v4  }
0x23f: {  	v34 =	vld [tilespmem:s25+$0x1090]  }
0x240: {  	v4 =	vadd.f32 v4, v33;
	_ =	sdelay $0x1  }
0x241: {  	[tilespmem:s25+$0x1080] =	vst v4  }
0x242: {  	v4 =	vld [tilespmem:$0x18290]  }
0x243: {  	v5 =	vsub.f32 v34, v3  }
0x244: {  	v35 =	vld [tilespmem:$0x18590]  }
0x245: {  	v5 =	vmul.f32 s31, v5;
	_ =	sdelay $0x1  }
0x246: {  	v4 =	vmul.f32 v5, v4  }
0x247: {  	v36 =	vld [tilespmem:s25+$0x10A0]  }
0x248: {  	v4 =	vadd.f32 v4, v35;
	_ =	sdelay $0x1  }
0x249: {  	[tilespmem:s25+$0x1090] =	vst v4  }
0x24a: {  	v4 =	vld [tilespmem:$0x182A0]  }
0x24b: {  	v5 =	vsub.f32 v36, v3  }
0x24c: {  	v37 =	vld [tilespmem:$0x185A0]  }
0x24d: {  	v5 =	vmul.f32 s31, v5;
	_ =	sdelay $0x1  }
0x24e: {  	v4 =	vmul.f32 v5, v4  }
0x24f: {  	v38 =	vld [tilespmem:s25+$0x10B0]  }
0x250: {  	v4 =	vadd.f32 v4, v37;
	_ =	sdelay $0x1  }
0x251: {  	[tilespmem:s25+$0x10A0] =	vst v4  }
0x252: {  	v4 =	vld [tilespmem:$0x182B0]  }
0x253: {  	v5 =	vsub.f32 v38, v3  }
0x254: {  	v39 =	vld [tilespmem:$0x185B0]  }
0x255: {  	v5 =	vmul.f32 s31, v5;
	_ =	sdelay $0x1  }
0x256: {  	v4 =	vmul.f32 v5, v4  }
0x257: {  	v40 =	vld [tilespmem:s25+$0x10C0]  }
0x258: {  	v4 =	vadd.f32 v4, v39;
	_ =	sdelay $0x1  }
0x259: {  	[tilespmem:s25+$0x10B0] =	vst v4  }
0x25a: {  	v4 =	vld [tilespmem:$0x182C0]  }
0x25b: {  	v5 =	vsub.f32 v40, v3  }
0x25c: {  	v41 =	vld [tilespmem:$0x185C0]  }
0x25d: {  	v5 =	vmul.f32 s31, v5;
	_ =	sdelay $0x1  }
0x25e: {  	v4 =	vmul.f32 v5, v4  }
0x25f: {  	v42 =	vld [tilespmem:s25+$0x10D0]  }
0x260: {  	v4 =	vadd.f32 v4, v41;
	_ =	sdelay $0x1  }
0x261: {  	[tilespmem:s25+$0x10C0] =	vst v4  }
0x262: {  	v4 =	vld [tilespmem:$0x182D0]  }
0x263: {  	v5 =	vsub.f32 v42, v3  }
0x264: {  	v43 =	vld [tilespmem:$0x185D0]  }
0x265: {  	v5 =	vmul.f32 s31, v5;
	_ =	sdelay $0x1  }
0x266: {  	v4 =	vmul.f32 v5, v4  }
0x267: {  	v44 =	vld [tilespmem:s25+$0x10E0]  }
0x268: {  	v4 =	vadd.f32 v4, v43;
	_ =	sdelay $0x1  }
0x269: {  	[tilespmem:s25+$0x10D0] =	vst v4  }
0x26a: {  	v4 =	vld [tilespmem:$0x182E0]  }
0x26b: {  	v5 =	vsub.f32 v44, v3  }
0x26c: {  	v45 =	vld [tilespmem:$0x185E0]  }
0x26d: {  	v5 =	vmul.f32 s31, v5;
	_ =	sdelay $0x1  }
0x26e: {  	v4 =	vmul.f32 v5, v4  }
0x26f: {  	v46 =	vld [tilespmem:s25+$0x10F0]  }
0x270: {  	v4 =	vadd.f32 v4, v45;
	_ =	sdelay $0x1  }
0x271: {  	[tilespmem:s25+$0x10E0] =	vst v4  }
0x272: {  	v4 =	vld [tilespmem:$0x182F0]  }
0x273: {  	v5 =	vsub.f32 v46, v3  }
0x274: {  	v47 =	vld [tilespmem:$0x185F0]  }
0x275: {  	v5 =	vmul.f32 s31, v5;
	_ =	sdelay $0x1  }
0x276: {  	v4 =	vmul.f32 v5, v4  }
0x277: {  	v48 =	vld [tilespmem:s25+$0x1480]  }
0x278: {  	v4 =	vadd.f32 v4, v47;
	_ =	sdelay $0x1  }
0x279: {  	[tilespmem:s25+$0x10F0] =	vst v4  }
0x27a: {  	v4 =	vld [tilespmem:$0x18300]  }
0x27b: {  	v5 =	vsub.f32 v48, v3  }
0x27c: {  	v49 =	vld [tilespmem:$0x18600]  }
0x27d: {  	v5 =	vmul.f32 s31, v5;
	_ =	sdelay $0x1  }
0x27e: {  	v4 =	vmul.f32 v5, v4  }
0x27f: {  	v50 =	vld [tilespmem:s25+$0x1490]  }
0x280: {  	v4 =	vadd.f32 v4, v49;
	_ =	sdelay $0x1  }
0x281: {  	[tilespmem:s25+$0x1480] =	vst v4  }
0x282: {  	v4 =	vld [tilespmem:$0x18310]  }
0x283: {  	v5 =	vsub.f32 v50, v3  }
0x284: {  	v51 =	vld [tilespmem:$0x18610]  }
0x285: {  	v5 =	vmul.f32 s31, v5;
	_ =	sdelay $0x1  }
0x286: {  	v4 =	vmul.f32 v5, v4  }
0x287: {  	v52 =	vld [tilespmem:s25+$0x14A0]  }
0x288: {  	v4 =	vadd.f32 v4, v51;
	_ =	sdelay $0x1  }
0x289: {  	[tilespmem:s25+$0x1490] =	vst v4  }
0x28a: {  	v4 =	vld [tilespmem:$0x18320]  }
0x28b: {  	v5 =	vsub.f32 v52, v3  }
0x28c: {  	v53 =	vld [tilespmem:$0x18620]  }
0x28d: {  	v5 =	vmul.f32 s31, v5;
	_ =	sdelay $0x1  }
0x28e: {  	v4 =	vmul.f32 v5, v4  }
0x28f: {  	v54 =	vld [tilespmem:s25+$0x14B0]  }
0x290: {  	v4 =	vadd.f32 v4, v53;
	_ =	sdelay $0x1  }
0x291: {  	[tilespmem:s25+$0x14A0] =	vst v4  }
0x292: {  	v4 =	vld [tilespmem:$0x18330]  }
0x293: {  	v5 =	vsub.f32 v54, v3  }
0x294: {  	v55 =	vld [tilespmem:$0x18630]  }
0x295: {  	v5 =	vmul.f32 s31, v5;
	_ =	sdelay $0x1  }
0x296: {  	v4 =	vmul.f32 v5, v4  }
0x297: {  	v56 =	vld [tilespmem:s25+$0x14C0]  }
0x298: {  	v4 =	vadd.f32 v4, v55;
	_ =	sdelay $0x1  }
0x299: {  	[tilespmem:s25+$0x14B0] =	vst v4  }
0x29a: {  	v4 =	vld [tilespmem:$0x18340]  }
0x29b: {  	v5 =	vsub.f32 v56, v3  }
0x29c: {  	v57 =	vld [tilespmem:$0x18640]  }
0x29d: {  	v5 =	vmul.f32 s31, v5;
	_ =	sdelay $0x1  }
0x29e: {  	v4 =	vmul.f32 v5, v4  }
0x29f: {  	v58 =	vld [tilespmem:s25+$0x14D0]  }
0x2a0: {  	v4 =	vadd.f32 v4, v57;
	_ =	sdelay $0x1  }
0x2a1: {  	[tilespmem:s25+$0x14C0] =	vst v4  }
0x2a2: {  	v4 =	vld [tilespmem:$0x18350]  }
0x2a3: {  	v5 =	vsub.f32 v58, v3  }
0x2a4: {  	v59 =	vld [tilespmem:$0x18650]  }
0x2a5: {  	v5 =	vmul.f32 s31, v5;
	_ =	sdelay $0x1  }
0x2a6: {  	v4 =	vmul.f32 v5, v4  }
0x2a7: {  	v60 =	vld [tilespmem:s25+$0x14E0]  }
0x2a8: {  	v4 =	vadd.f32 v4, v59;
	_ =	sdelay $0x1  }
0x2a9: {  	[tilespmem:s25+$0x14D0] =	vst v4  }
0x2aa: {  	v4 =	vld [tilespmem:$0x18360]  }
0x2ab: {  	v5 =	vsub.f32 v60, v3  }
0x2ac: {  	v61 =	vld [tilespmem:$0x18660]  }
0x2ad: {  	v5 =	vmul.f32 s31, v5;
	_ =	sdelay $0x1  }
0x2ae: {  	v4 =	vmul.f32 v5, v4  }
0x2af: {  	v62 =	vld [tilespmem:s25+$0x14F0]  }
0x2b0: {  	v4 =	vadd.f32 v4, v61;
	_ =	sdelay $0x1  }
0x2b1: {  	[tilespmem:s25+$0x14E0] =	vst v4  }
0x2b2: {  	v4 =	vld [tilespmem:$0x18370]  }
0x2b3: {  	v3 =	vsub.f32 v62, v3  }
0x2b4: {  	v63 =	vld [tilespmem:$0x18670]  }
0x2b5: {  	v3 =	vmul.f32 s31, v3  }
0x2b6: {  	p0 =	sne.s32 s24, $0x3F  }
.Ltmp0:
0x2b7: {  	v3 =	vmul.f32 v3, v4;
	(pc) =	sbr.rel @p0 .LBB2_3-.Ltmp0, $3  }
0x2b8: {  	_ = 	snop  }
0x2b9: {  	v3 =	vadd.f32 v3, v63;
	_ =	sdelay $0x1  }
0x2ba: {  	s23 =	sadd.s32 $0x80, s23;
	s24 =	sadd.s32 $0x1, s24;
	[tilespmem:s25+$0x14F0] =	vst v3  }
0x2bb: {  	s0 =	smul.u32 $0x300, s22;
	s21 =	sadd.s32 $0x1, s21  }
0x2bc: {  	s3 =	rddreg [dreg:$0x5];
	p0 =	sne.s32 s21, $0x8  }
.Ltmp1:
0x2bd: {  	s0 =	sadd.s32 s3, s0;
	(pc) =	sbr.rel @p0 .LBB2_2-.Ltmp1, $4  }
0x2be: {  	[hbm4b:s0+s7] =	stream.linear.scatter [tilespmem:s17], [sflag:$0x2], $0xC000, $0x38;
	[tilespmem:$0x18680] =	vst v63  }
0x2bf: {  	_ =	swait.ge [sflag:s15], $0xC000  }
0x2c0: {  	[sflag:s15] =	ssyncset.done $0x0  }
0x2c1: {  	[sflag:s15] =	ssyncadd.s32 $0xFFFF4000  }
0x2c2: {  	s3 =	rddreg [dreg:$0x8]  }
0x2c3: {  	s0 =	rddreg [dreg:$0x7];
	s3 =	sadd.s32 $0x1, s3  }
0x2c4: {  	p0 =	sne.s32 s3, s0  }
.Ltmp2:
0x2c5: {  	_ = 	snop;
	(pc) =	sbr.rel @p0 .LBB2_1-.Ltmp2, $1  }
0x2c6: {  	_ =	sdelay $0x3  }
0x2c7: {  	_ =	sfence.sel $0x180000  }
0x2c8: {  	[bflag:$0x0] =	sbarrier.arrive $0xFFFF  }
0x2c9: {  	_ =	strace $0x90000047  }
0x2ca: {  	s0 =	stileid.u32;
	[bflag:$0x2] =	sbarrier.arrive $0xFFFF  }
0x2cb: {  	p0 =	sne.s32 s0, $0x0;
	s0 =	rddreg [dreg:$0x6]  }
0x2cc: {  	s0 =	sadd.s32 @!p0 $0x100000, s0  }
0x2cd: {  	[sflag:s0] =	ssyncadd.tile.s32 @!p0 $0x1;
	_ =	shalt  }
.Lfunc_end2:
_tile_overlayer_lowered:
.L_overlay_start_2:
0x2ce: {  	(tag) =	ssettag $0x2  }
0x2cf: {  	s0 =	rddreg [dreg:$0x0];
	s2 =	stileid.u32  }
0x2d0: {  	s1 =	rddreg [dreg:$0x1];
	p0 =	sne.s32 s2, $0x0  }
0x2d1: {  	s3 =	rddreg [dreg:$0x2];
	[bflag:$0x3] =	sbarrier.arrive $0xFFFF;
	s2 =	simm.s32 @!p0 $0x1C02  }
0x2d2: {  	[timem:s3], [sflag:s2] =	dma.local @!p0 [hbm:s0], s1  }
0x2d3: {  	s0 =	simm.s32 @!p0 $0x2  }
0x2d4: {  	_ =	swait.ge @!p0 [sflag:s0], s1  }
0x2d5: {  	s1 =	ssub.s32 @!p0 $0x0, s1;
	[sflag:s0] =	ssyncset.done @!p0 $0x0  }
0x2d6: {  	[sflag:s0] =	ssyncadd.s32 @!p0 s1  }
0x2d7: {  	[bflag:$0x3] =	sbarrier.arrive $0xFFFF  }
0x2d8: {  	_ =	shalt  }

</sc_bundles>
